<compile_context>
chip_gen: v7x
topology: tpu7x:2x2x1
jax: 0.10.2.dev20260603
libtpu: 0.0.44.dev20260713+nightly
codegen_flags: <defaults>
</compile_context>

<pallas_src>
import functools

import jax
import jax.numpy as jnp
from jax import lax
from jax.experimental import pallas as pl
from jax.experimental.pallas import tpu as pltpu
from jax.experimental.pallas import tpu_sc as plsc

NN = 10000
NE = 320000
D = 128
NG = 16
CHUNK = 128
NCHUNK = NE // CHUNK
NW = 32
CPW = 80
NCHUNK_PAD = NW * CPW
RPT = 624
HB = 40

def _zero_acc(z_hbm, acc_sp, sid):
    @pl.when(sid < 15)
    def _():
        pltpu.sync_copy(z_hbm.at[pl.ds(0, RPT)],
                        acc_sp.at[pl.ds(sid * RPT, RPT)])

    @pl.when(sid == 15)
    def _():
        pltpu.sync_copy(z_hbm, acc_sp.at[pl.ds(15 * RPT, RPT + 16)])


def _copy_out(acc_sp, acc0_out, acc1_out, cid, sid):
    for c, acc_out in ((0, acc0_out), (1, acc1_out)):
        @pl.when((cid == c) & (sid < 15))
        def _():
            pltpu.sync_copy(acc_sp.at[pl.ds(sid * RPT, RPT)],
                            acc_out.at[pl.ds(sid * RPT, RPT)])

        @pl.when((cid == c) & (sid == 15))
        def _():
            pltpu.sync_copy(acc_sp.at[pl.ds(15 * RPT, RPT + 16)],
                            acc_out.at[pl.ds(15 * RPT, RPT + 16)])


def _sc_agg_body(feat_hbm, src_hbm, dst_hbm, z_hbm, acc0_out, acc1_out,
                 src_v, dst_v, rows_a, rows_b, acc_sp,
                 sem_ga, sem_gb, sem_sa, sem_sb,
                 ones_hbm=None, deg0_out=None, deg1_out=None):
    cid = lax.axis_index("c")
    sid = lax.axis_index("s")
    start = (cid * 16 + sid) * CPW

    if ones_hbm is not None:
        _zero_acc(z_hbm, acc_sp, sid)
        pltpu.sync_copy(ones_hbm, rows_a)
        plsc.subcore_barrier()
        for h in range(CPW // HB):
            dbase = start + h * HB
            pltpu.sync_copy(dst_hbm.at[pl.ds(dbase, HB)], dst_v)

            def dstep(g, carry):
                for k in range(8):
                    @pl.when(dbase + g * 8 + k < NCHUNK)
                    def _():
                        pltpu.async_copy(
                            rows_a, acc_sp.at[dst_v.at[g * 8 + k]],
                            sem_sa, add=True)
                for k in range(8):
                    @pl.when(dbase + g * 8 + k < NCHUNK)
                    def _():
                        pltpu.make_async_copy(
                            rows_a, acc_sp.at[dst_v.at[g * 8 + k]],
                            sem_sa).wait()
                return carry

            lax.fori_loop(0, HB // 8, dstep, 0)
        plsc.subcore_barrier()
        _copy_out(acc_sp, deg0_out, deg1_out, cid, sid)
        plsc.subcore_barrier()

    _zero_acc(z_hbm, acc_sp, sid)
    plsc.subcore_barrier()

    def gth(j, rows, sem):
        return pltpu.make_async_copy(feat_hbm.at[src_v.at[j]], rows, sem)

    def sct(j, rows, sem):
        return pltpu.make_async_copy(rows, acc_sp.at[dst_v.at[j]], sem)

    for h in range(CPW // HB):
        base = start + h * HB

        def act(j):
            return base + j < NCHUNK

        pltpu.sync_copy(src_hbm.at[pl.ds(base, HB)], src_v)
        pltpu.sync_copy(dst_hbm.at[pl.ds(base, HB)], dst_v)

        @pl.when(act(0))
        def _():
            gth(0, rows_a, sem_ga).start()

        def step(jj, carry):
            j0 = 2 * jj
            j1 = 2 * jj + 1

            @pl.when(act(j0))
            def _():
                gth(j0, rows_a, sem_ga).wait()

            @pl.when(act(j0))
            def _():
                sct(j0, rows_a, sem_sa).start(add=True)

            @pl.when((jj > 0) & act(j1 - 2))
            def _():
                sct(j1 - 2, rows_b, sem_sb).wait()

            @pl.when(act(j1))
            def _():
                gth(j1, rows_b, sem_gb).start()

            @pl.when(act(j1))
            def _():
                gth(j1, rows_b, sem_gb).wait()

            @pl.when(act(j0))
            def _():
                sct(j0, rows_a, sem_sa).wait()

            @pl.when((jj < HB // 2 - 1) & act(j0 + 2))
            def _():
                gth(j0 + 2, rows_a, sem_ga).start()

            @pl.when(act(j1))
            def _():
                sct(j1, rows_b, sem_sb).start(add=True)

            return carry

        lax.fori_loop(0, HB // 2, step, 0)

        @pl.when(act(HB - 1))
        def _():
            sct(HB - 1, rows_b, sem_sb).wait()

    plsc.subcore_barrier()
    _copy_out(acc_sp, acc0_out, acc1_out, cid, sid)


_SCRATCH = [
    pltpu.VMEM((HB, CHUNK), jnp.int32),
    pltpu.VMEM((HB, CHUNK), jnp.int32),
    pltpu.VMEM((CHUNK, D), jnp.float32),
    pltpu.VMEM((CHUNK, D), jnp.float32),
    pltpu.VMEM_SHARED((NN, D), jnp.float32),
    pltpu.SemaphoreType.DMA,
    pltpu.SemaphoreType.DMA,
    pltpu.SemaphoreType.DMA,
    pltpu.SemaphoreType.DMA,
]


def _fused_body(feat, src, dst, z, ones, a0, a1, g0, g1, *scr):
    _sc_agg_body(feat, src, dst, z, a0, a1, *scr,
                 ones_hbm=ones, deg0_out=g0, deg1_out=g1)


@functools.cache
def _sc_kernels():
    mesh = plsc.VectorSubcoreMesh(core_axis_name="c", subcore_axis_name="s")
    out2 = [jax.ShapeDtypeStruct((NN, D), jnp.float32)] * 2
    agg = pl.kernel(_sc_agg_body, mesh=mesh, out_type=out2,
                    scratch_types=list(_SCRATCH))
    agg_deg = pl.kernel(_fused_body, mesh=mesh, out_type=out2 * 2,
                        scratch_types=list(_SCRATCH))
    return agg, agg_deg

_CT = (((1,), (1,)), ((), ()))


def _tc_layer_body(p0, p1, dw0, dw1, x, Wl, b, Wr, o, dego):
    deg = dw0[...] + dw1[...]
    dego[...] = deg
    inv = 1.0 / jnp.clip(deg, 1.0, None)
    agg = (p0[...] + p1[...]) * inv
    h = lax.dot_general(agg, Wl[...], _CT, preferred_element_type=jnp.float32)
    h = h + b[...] + lax.dot_general(x[...], Wr[...], _CT,
                                     preferred_element_type=jnp.float32)
    o[...] = jnp.maximum(h, 0.0)


def _tc_final_body(q0, q1, dg, h1, Wl, b, Wr, bat, Wfc, bfc, o,
                   sums, cnts):
    i = pl.program_id(0)

    @pl.when(i == 0)
    def _():
        sums[...] = jnp.zeros((NG, D), jnp.float32)
        cnts[...] = jnp.zeros((NG, D), jnp.float32)

    inv = 1.0 / jnp.clip(dg[...], 1.0, None)
    agg = (q0[...] + q1[...]) * inv
    h = lax.dot_general(agg, Wl[...], _CT, preferred_element_type=jnp.float32)
    h = h + b[...] + lax.dot_general(h1[...], Wr[...], _CT,
                                     preferred_element_type=jnp.float32)
    h2 = jnp.maximum(h, 0.0)

    gid = lax.broadcasted_iota(jnp.int32, (1, NG), 1)
    oh = (bat[...] == gid).astype(jnp.float32)
    ct0 = (((0,), (0,)), ((), ()))
    sums[...] += lax.dot_general(oh, h2, ct0,
                                 preferred_element_type=jnp.float32)
    cnts[...] += lax.dot_general(oh, jnp.ones_like(h2), ct0,
                                 preferred_element_type=jnp.float32)

    @pl.when(i == pl.num_programs(0) - 1)
    def _():
        g = sums[...] / jnp.clip(cnts[...], 1.0, None)
        o[...] = lax.dot_general(g, Wfc[...], _CT,
                                 preferred_element_type=jnp.float32) + bfc[...]


_BLK = 1000


def _tc_layer(p0, p1, dw0, dw1, x, Wl, b, Wr):
    grid = NN // _BLK
    row = pl.BlockSpec((_BLK, D), lambda i: (i, 0))
    bcol = pl.BlockSpec((_BLK, 1), lambda i: (i, 0))
    full = pl.BlockSpec((D, D), lambda i: (0, 0))
    bsp = pl.BlockSpec((1, D), lambda i: (0, 0))
    return pl.pallas_call(
        _tc_layer_body,
        grid=(grid,),
        in_specs=[row, row, bcol, bcol, row, full, bsp, full],
        out_specs=[row, bcol],
        out_shape=[jax.ShapeDtypeStruct((NN, D), jnp.float32),
                   jax.ShapeDtypeStruct((NN, 1), jnp.float32)],
    )(p0, p1, dw0, dw1, x, Wl, b, Wr)


def _tc_final(q0, q1, deg, h1, Wl, b, Wr, bat, Wfc, bfc):
    grid = NN // _BLK
    row = pl.BlockSpec((_BLK, D), lambda i: (i, 0))
    bcol = pl.BlockSpec((_BLK, 1), lambda i: (i, 0))
    full = pl.BlockSpec((D, D), lambda i: (0, 0))
    bsp = pl.BlockSpec((1, D), lambda i: (0, 0))
    wfc = pl.BlockSpec((64, D), lambda i: (0, 0))
    bfcs = pl.BlockSpec((1, 64), lambda i: (0, 0))
    osp = pl.BlockSpec((NG, 64), lambda i: (0, 0))
    return pl.pallas_call(
        _tc_final_body,
        grid=(grid,),
        in_specs=[row, row, bcol, row, full, bsp, full, bcol, wfc,
                  bfcs],
        out_specs=osp,
        out_shape=jax.ShapeDtypeStruct((NG, 64), jnp.float32),
        scratch_shapes=[pltpu.VMEM((NG, D), jnp.float32),
                        pltpu.VMEM((NG, D), jnp.float32)],
    )(q0, q1, deg, h1, Wl, b, Wr, bat, Wfc, bfc)


def kernel(x, edge_index, batch, W1l, b1l, W1r, W2l, b2l, W2r, Wfc, bfc):
    src2 = jnp.pad(edge_index[0].astype(jnp.int32).reshape(NCHUNK, CHUNK),
                   ((0, NCHUNK_PAD - NCHUNK), (0, 0)))
    dst2 = jnp.pad(edge_index[1].astype(jnp.int32).reshape(NCHUNK, CHUNK),
                   ((0, NCHUNK_PAD - NCHUNK), (0, 0)))
    z = jnp.zeros((RPT + 16, D), jnp.float32)
    ones = jnp.ones((CHUNK, D), jnp.float32)

    sc_agg, sc_agg_deg = _sc_kernels()
    p0, p1, dw0, dw1 = sc_agg_deg(x, src2, dst2, z, ones)
    h1, deg = _tc_layer(p0, p1, dw0[:, :1], dw1[:, :1], x, W1l,
                        b1l.reshape(1, D), W1r)
    q0, q1 = sc_agg(h1, src2, dst2, z)
    out = _tc_final(q0, q1, deg, h1, W2l, b2l.reshape(1, D), W2r,
                    batch.astype(jnp.int32).reshape(NN, 1), Wfc,
                    bfc.reshape(1, 64))
    return out

# --- scband reference (transcript-rebuilt; emitter-appended) ---
"""Pipeline reference for scband-graph-sagemodel-67284957659784 (READ-ONLY COPY).

The authoritative reference and input builder live on the scoring server;
editing this copy changes nothing except your own understanding.
"""

import jax, jax.numpy as jnp
import numpy as np

N_NODES = 10000
N_EDGES = 320000
IN_DIM = 128
HID_DIM = 128
OUT_DIM = 64
N_GRAPHS = 16


def setup_inputs(seed: int = 0) -> dict:
    key = jax.random.key(seed)
    ks = jax.random.split(key, 12)
    x = jax.random.normal(ks[0], (N_NODES, IN_DIM), dtype=jnp.float32)
    edge_index = jax.random.randint(ks[1], (2, N_EDGES), 0, N_NODES, dtype=jnp.int64 if jax.config.jax_enable_x64 else jnp.int32)
    batch = jnp.sort(jax.random.randint(ks[2], (N_NODES,), 0, N_GRAPHS, dtype=jnp.int64 if jax.config.jax_enable_x64 else jnp.int32))
    s1 = 1.0 / np.sqrt(IN_DIM)
    s2 = 1.0 / np.sqrt(HID_DIM)
    W1l = jax.random.uniform(ks[3], (HID_DIM, IN_DIM), minval=-s1, maxval=s1, dtype=jnp.float32)
    b1l = jax.random.uniform(ks[4], (HID_DIM,), minval=-s1, maxval=s1, dtype=jnp.float32)
    W1r = jax.random.uniform(ks[5], (HID_DIM, IN_DIM), minval=-s1, maxval=s1, dtype=jnp.float32)
    W2l = jax.random.uniform(ks[6], (HID_DIM, HID_DIM), minval=-s2, maxval=s2, dtype=jnp.float32)
    b2l = jax.random.uniform(ks[7], (HID_DIM,), minval=-s2, maxval=s2, dtype=jnp.float32)
    W2r = jax.random.uniform(ks[8], (HID_DIM, HID_DIM), minval=-s2, maxval=s2, dtype=jnp.float32)
    Wfc = jax.random.uniform(ks[9], (OUT_DIM, HID_DIM), minval=-s2, maxval=s2, dtype=jnp.float32)
    bfc = jax.random.uniform(ks[10], (OUT_DIM,), minval=-s2, maxval=s2, dtype=jnp.float32)
    return {"x": x, "edge_index": edge_index, "batch": batch, "W1l": W1l, "b1l": b1l, "W1r": W1r, "W2l": W2l, "b2l": b2l, "W2r": W2r, "Wfc": Wfc, "bfc": bfc}


def _sage_conv(x, src, dst, Wl, bl, Wr):
    # PyG SAGEConv (aggr='mean'): out = lin_l(mean_{j in N(i)} x_j) + lin_r(x_i)
    msg = jnp.take(x, src, axis=0)
    agg = jax.ops.segment_sum(msg, dst, num_segments=x.shape[0])
    deg = jax.ops.segment_sum(jnp.ones((src.shape[0],), dtype=x.dtype), dst, num_segments=x.shape[0])
    agg = agg / jnp.clip(deg, 1.0, None)[:, None]
    return agg @ Wl.T + bl + x @ Wr.T


def _global_mean_pool(x, batch, num_graphs):
    s = jax.ops.segment_sum(x, batch, num_segments=num_graphs)
    cnt = jax.ops.segment_sum(jnp.ones((x.shape[0],), dtype=x.dtype), batch, num_segments=num_graphs)
    return s / jnp.clip(cnt, 1.0, None)[:, None]


def reference(x, edge_index, batch, W1l, b1l, W1r, W2l, b2l, W2r, Wfc, bfc):
    src = edge_index[0]
    dst = edge_index[1]
    h = jax.nn.relu(_sage_conv(x, src, dst, W1l, b1l, W1r))
    h = jax.nn.relu(_sage_conv(h, src, dst, W2l, b2l, W2r))
    g = _global_mean_pool(h, batch, N_GRAPHS)
    return g @ Wfc.T + bfc

if __name__ == "__main__":
    import jax
    _d = setup_inputs()
    print(jax.jit(kernel)(*tuple(_d.values())))

</pallas_src>

<mosaic_0001>
#map = affine_map<(d0, d1) -> (0, 0)>
module attributes {stable_mosaic.version = 14 : i64} {
  func.func @_fused_body(%arg0: i32, %arg1: i32, %arg2: memref<10000x128xf32, #tpu.memory_space<hbm>>, %arg3: memref<2560x128xi32, #tpu.memory_space<hbm>>, %arg4: memref<2560x128xi32, #tpu.memory_space<hbm>>, %arg5: memref<640x128xf32, #tpu.memory_space<hbm>>, %arg6: memref<128x128xf32, #tpu.memory_space<hbm>>, %arg7: memref<10000x128xf32, #tpu.memory_space<hbm>>, %arg8: memref<10000x128xf32, #tpu.memory_space<hbm>>, %arg9: memref<10000x128xf32, #tpu.memory_space<hbm>>, %arg10: memref<10000x128xf32, #tpu.memory_space<hbm>>, %arg11: memref<40x128xi32, #tpu.memory_space<vmem>>, %arg12: memref<40x128xi32, #tpu.memory_space<vmem>>, %arg13: memref<128x128xf32, #tpu.memory_space<vmem>>, %arg14: memref<128x128xf32, #tpu.memory_space<vmem>>, %arg15: memref<10000x128xf32, #tpu.memory_space<vmem_shared>>, %arg16: memref<!tpu.dma_semaphore, #tpu.memory_space<semaphore_mem>>, %arg17: memref<!tpu.dma_semaphore, #tpu.memory_space<semaphore_mem>>, %arg18: memref<!tpu.dma_semaphore, #tpu.memory_space<semaphore_mem>>, %arg19: memref<!tpu.dma_semaphore, #tpu.memory_space<semaphore_mem>>) attributes {dimension_semantics = [#tpu.dimension_semantics<core_parallel>, #tpu.dimension_semantics<subcore_parallel>], iteration_bounds = array<i64: 2, 16>, scalar_prefetch = 0 : i64, scratch_operands = 9 : i64, tpu.core_type = #tpu.core_type<sc_vector_subcore>, window_params = [{transform_indices = #map}, {transform_indices = #map}, {transform_indices = #map}, {transform_indices = #map}, {transform_indices = #map}, {transform_indices = #map}, {transform_indices = #map}, {transform_indices = #map}, {transform_indices = #map}]} {
    %mul3A = arith.constant 16 : i32
    %mul3A_0 = arith.muli %arg0, %mul3A : i32
    %add3A = arith.addi %mul3A_0, %arg1 : i32
    %mul3A_1 = arith.constant 80 : i32
    %mul3A_2 = arith.muli %add3A, %mul3A_1 : i32
    %lt3A = arith.constant 15 : i32
    %lt3A_3 = arith.cmpi slt, %arg1, %lt3A : i32
    %convert_element_type3A = arith.extui %lt3A_3 : i1 to i32
    %cond3A = arith.constant 0 : i32
    %cond3A_4 = arith.cmpi ne, %convert_element_type3A, %cond3A : i32
    scf.if %cond3A_4 {
      %mul3A_145 = arith.constant 624 : i32
      %mul3A_146 = arith.muli %arg1, %mul3A_145 : i32
      "tpu.region"() ({
        %run_scoped3A = tpu.sem_alloc : memref<!tpu.dma_semaphore, #tpu.memory_space<semaphore_mem>>
        %dma_start3A = arith.constant 0 : i32
        %dma_start3A_147 = tpu.memref_slice %arg15[%mul3A_146, %dma_start3A] : memref<10000x128xf32, #tpu.memory_space<vmem_shared>> -> memref<624x128xf32, #tpu.memory_space<vmem_shared>>
        %dma_start3A_148 = arith.constant 0 : i32
        %dma_start3A_149 = arith.constant 0 : i32
        %dma_start3A_150 = tpu.memref_slice %arg5[%dma_start3A_148, %dma_start3A_149] : memref<640x128xf32, #tpu.memory_space<hbm>> -> memref<624x128xf32, #tpu.memory_space<hbm>>
        tpu.enqueue_dma source(%dma_start3A_150 : memref<624x128xf32, #tpu.memory_space<hbm>>) target(%dma_start3A_147 : memref<624x128xf32, #tpu.memory_space<vmem_shared>>) target_semaphore(%run_scoped3A : memref<!tpu.dma_semaphore, #tpu.memory_space<semaphore_mem>>)
        %dma_wait3A = arith.constant 0 : i32
        %dma_wait3A_151 = tpu.memref_slice %arg15[%mul3A_146, %dma_wait3A] : memref<10000x128xf32, #tpu.memory_space<vmem_shared>> -> memref<624x128xf32, #tpu.memory_space<vmem_shared>>
        %dma_wait3A_152 = arith.constant 0 : i32
        %dma_wait3A_153 = arith.constant 0 : i32
        %dma_wait3A_154 = tpu.memref_slice %arg5[%dma_wait3A_152, %dma_wait3A_153] : memref<640x128xf32, #tpu.memory_space<hbm>> -> memref<624x128xf32, #tpu.memory_space<hbm>>
        tpu.wait_dma2 semaphore(%run_scoped3A : memref<!tpu.dma_semaphore, #tpu.memory_space<semaphore_mem>>) src(%dma_wait3A_154 : memref<624x128xf32, #tpu.memory_space<hbm>>) dst(%dma_wait3A_151 : memref<624x128xf32, #tpu.memory_space<vmem_shared>>)
        tpu.yield
      }) : () -> ()
    } else {
    }
    %eq3A = arith.constant 15 : i32
    %eq3A_5 = arith.cmpi eq, %arg1, %eq3A : i32
    %convert_element_type3A_6 = arith.extui %eq3A_5 : i1 to i32
    %cond3A_7 = arith.constant 0 : i32
    %cond3A_8 = arith.cmpi ne, %convert_element_type3A_6, %cond3A_7 : i32
    scf.if %cond3A_8 {
      "tpu.region"() ({
        %run_scoped3A = tpu.sem_alloc : memref<!tpu.dma_semaphore, #tpu.memory_space<semaphore_mem>>
        %dma_start3A = arith.constant 9360 : i32
        %dma_start3A_145 = arith.constant 0 : i32
        %dma_start3A_146 = tpu.memref_slice %arg15[%dma_start3A, %dma_start3A_145] : memref<10000x128xf32, #tpu.memory_space<vmem_shared>> -> memref<640x128xf32, #tpu.memory_space<vmem_shared>>
        tpu.enqueue_dma source(%arg5 : memref<640x128xf32, #tpu.memory_space<hbm>>) target(%dma_start3A_146 : memref<640x128xf32, #tpu.memory_space<vmem_shared>>) target_semaphore(%run_scoped3A : memref<!tpu.dma_semaphore, #tpu.memory_space<semaphore_mem>>)
        %dma_wait3A = arith.constant 9360 : i32
        %dma_wait3A_147 = arith.constant 0 : i32
        %dma_wait3A_148 = tpu.memref_slice %arg15[%dma_wait3A, %dma_wait3A_147] : memref<10000x128xf32, #tpu.memory_space<vmem_shared>> -> memref<640x128xf32, #tpu.memory_space<vmem_shared>>
        tpu.wait_dma2 semaphore(%run_scoped3A : memref<!tpu.dma_semaphore, #tpu.memory_space<semaphore_mem>>) src(%arg5 : memref<640x128xf32, #tpu.memory_space<hbm>>) dst(%dma_wait3A_148 : memref<640x128xf32, #tpu.memory_space<vmem_shared>>)
        tpu.yield
      }) : () -> ()
    } else {
    }
    "tpu.region"() ({
      %run_scoped3A = tpu.sem_alloc : memref<!tpu.dma_semaphore, #tpu.memory_space<semaphore_mem>>
      tpu.enqueue_dma source(%arg6 : memref<128x128xf32, #tpu.memory_space<hbm>>) target(%arg13 : memref<128x128xf32, #tpu.memory_space<vmem>>) target_semaphore(%run_scoped3A : memref<!tpu.dma_semaphore, #tpu.memory_space<semaphore_mem>>)
      tpu.wait_dma2 semaphore(%run_scoped3A : memref<!tpu.dma_semaphore, #tpu.memory_space<semaphore_mem>>) src(%arg6 : memref<128x128xf32, #tpu.memory_space<hbm>>) dst(%arg13 : memref<128x128xf32, #tpu.memory_space<vmem>>)
      tpu.yield
    }) : () -> ()
    %barrier3A = arith.constant 0 : index
    tpu.barrier barrier_id(%barrier3A)
    %add3A_9 = arith.constant 0 : i32
    %add3A_10 = arith.addi %mul3A_2, %add3A_9 : i32
    "tpu.region"() ({
      %run_scoped3A = tpu.sem_alloc : memref<!tpu.dma_semaphore, #tpu.memory_space<semaphore_mem>>
      %dma_start3A = arith.constant 0 : i32
      %dma_start3A_145 = tpu.memref_slice %arg4[%add3A_10, %dma_start3A] : memref<2560x128xi32, #tpu.memory_space<hbm>> -> memref<40x128xi32, #tpu.memory_space<hbm>>
      %dma_start3A_146 = arith.constant 0 : i32
      %dma_start3A_147 = tpu.memref_slice %arg4[%add3A_10, %dma_start3A_146] : memref<2560x128xi32, #tpu.memory_space<hbm>> -> memref<40x128xi32, #tpu.memory_space<hbm>>
      tpu.enqueue_dma source(%dma_start3A_147 : memref<40x128xi32, #tpu.memory_space<hbm>>) target(%arg12 : memref<40x128xi32, #tpu.memory_space<vmem>>) target_semaphore(%run_scoped3A : memref<!tpu.dma_semaphore, #tpu.memory_space<semaphore_mem>>)
      %dma_wait3A = arith.constant 0 : i32
      %dma_wait3A_148 = tpu.memref_slice %arg4[%add3A_10, %dma_wait3A] : memref<2560x128xi32, #tpu.memory_space<hbm>> -> memref<40x128xi32, #tpu.memory_space<hbm>>
      %dma_wait3A_149 = arith.constant 0 : i32
      %dma_wait3A_150 = tpu.memref_slice %arg4[%add3A_10, %dma_wait3A_149] : memref<2560x128xi32, #tpu.memory_space<hbm>> -> memref<40x128xi32, #tpu.memory_space<hbm>>
      tpu.wait_dma2 semaphore(%run_scoped3A : memref<!tpu.dma_semaphore, #tpu.memory_space<semaphore_mem>>) src(%dma_wait3A_150 : memref<40x128xi32, #tpu.memory_space<hbm>>) dst(%arg12 : memref<40x128xi32, #tpu.memory_space<vmem>>)
      tpu.yield
    }) : () -> ()
    %scan3A = arith.constant 0 : i32
    %scan3A_11 = arith.constant 0 : i32
    %scan3A_12 = arith.constant 5 : i32
    %scan3A_13 = arith.addi %scan3A_11, %scan3A_12 : i32
    %scan3A_14 = arith.constant 1 : i32
    scf.for %scan3A_145 = %scan3A_11 to %scan3A_13 step %scan3A_14  : i32 {
      %mul3A_146 = arith.constant 8 : i32
      %mul3A_147 = arith.muli %scan3A_145, %mul3A_146 : i32
      %add3A_148 = arith.addi %add3A_10, %mul3A_147 : i32
      %add3A_149 = arith.constant 0 : i32
      %add3A_150 = arith.addi %add3A_148, %add3A_149 : i32
      %lt3A_151 = arith.constant 2500 : i32
      %lt3A_152 = arith.cmpi slt, %add3A_150, %lt3A_151 : i32
      %convert_element_type3A_153 = arith.extui %lt3A_152 : i1 to i32
      %cond3A_154 = arith.constant 0 : i32
      %cond3A_155 = arith.cmpi ne, %convert_element_type3A_153, %cond3A_154 : i32
      scf.if %cond3A_155 {
        %mul3A_306 = arith.constant 8 : i32
        %mul3A_307 = arith.muli %scan3A_145, %mul3A_306 : i32
        %add3A_308 = arith.constant 0 : i32
        %add3A_309 = arith.addi %mul3A_307, %add3A_308 : i32
        %dma_start3A = arith.constant 0 : i32
        %dma_start3A_310 = tpu.memref_slice %arg12[%add3A_309, %dma_start3A] : memref<40x128xi32, #tpu.memory_space<vmem>> -> memref<1x128xi32, #tpu.memory_space<vmem>>
        %dma_start3A_311 = tpu.memref_squeeze %dma_start3A_310 : memref<1x128xi32, #tpu.memory_space<vmem>> -> memref<128xi32, #tpu.memory_space<vmem>>
        %dma_start3A_312 = arith.constant 0 : i32
        %dma_start3A_313 = arith.constant 0 : i32
        %dma_start3A_314 = tpu.memref_slice %arg15[%dma_start3A_312, %dma_start3A_313] : memref<10000x128xf32, #tpu.memory_space<vmem_shared>> -> memref<10000x128xf32, #tpu.memory_space<vmem_shared>>
        tpu.enqueue_indirect_dma source(%arg13 : memref<128x128xf32, #tpu.memory_space<vmem>>) target(%dma_start3A_314 : memref<10000x128xf32, #tpu.memory_space<vmem_shared>>) offsets(%dma_start3A_311 : memref<128xi32, #tpu.memory_space<vmem>>) semaphore(%arg18 : memref<!tpu.dma_semaphore, #tpu.memory_space<semaphore_mem>>) {add = true}
      } else {
      }
      %mul3A_156 = arith.constant 8 : i32
      %mul3A_157 = arith.muli %scan3A_145, %mul3A_156 : i32
      %add3A_158 = arith.addi %add3A_10, %mul3A_157 : i32
      %add3A_159 = arith.constant 1 : i32
      %add3A_160 = arith.addi %add3A_158, %add3A_159 : i32
      %lt3A_161 = arith.constant 2500 : i32
      %lt3A_162 = arith.cmpi slt, %add3A_160, %lt3A_161 : i32
      %convert_element_type3A_163 = arith.extui %lt3A_162 : i1 to i32
      %cond3A_164 = arith.constant 0 : i32
      %cond3A_165 = arith.cmpi ne, %convert_element_type3A_163, %cond3A_164 : i32
      scf.if %cond3A_165 {
        %mul3A_306 = arith.constant 8 : i32
        %mul3A_307 = arith.muli %scan3A_145, %mul3A_306 : i32
        %add3A_308 = arith.constant 1 : i32
        %add3A_309 = arith.addi %mul3A_307, %add3A_308 : i32
        %dma_start3A = arith.constant 0 : i32
        %dma_start3A_310 = tpu.memref_slice %arg12[%add3A_309, %dma_start3A] : memref<40x128xi32, #tpu.memory_space<vmem>> -> memref<1x128xi32, #tpu.memory_space<vmem>>
        %dma_start3A_311 = tpu.memref_squeeze %dma_start3A_310 : memref<1x128xi32, #tpu.memory_space<vmem>> -> memref<128xi32, #tpu.memory_space<vmem>>
        %dma_start3A_312 = arith.constant 0 : i32
        %dma_start3A_313 = arith.constant 0 : i32
        %dma_start3A_314 = tpu.memref_slice %arg15[%dma_start3A_312, %dma_start3A_313] : memref<10000x128xf32, #tpu.memory_space<vmem_shared>> -> memref<10000x128xf32, #tpu.memory_space<vmem_shared>>
        tpu.enqueue_indirect_dma source(%arg13 : memref<128x128xf32, #tpu.memory_space<vmem>>) target(%dma_start3A_314 : memref<10000x128xf32, #tpu.memory_space<vmem_shared>>) offsets(%dma_start3A_311 : memref<128xi32, #tpu.memory_space<vmem>>) semaphore(%arg18 : memref<!tpu.dma_semaphore, #tpu.memory_space<semaphore_mem>>) {add = true}
      } else {
      }
      %mul3A_166 = arith.constant 8 : i32
      %mul3A_167 = arith.muli %scan3A_145, %mul3A_166 : i32
      %add3A_168 = arith.addi %add3A_10, %mul3A_167 : i32
      %add3A_169 = arith.constant 2 : i32
      %add3A_170 = arith.addi %add3A_168, %add3A_169 : i32
      %lt3A_171 = arith.constant 2500 : i32
      %lt3A_172 = arith.cmpi slt, %add3A_170, %lt3A_171 : i32
      %convert_element_type3A_173 = arith.extui %lt3A_172 : i1 to i32
      %cond3A_174 = arith.constant 0 : i32
      %cond3A_175 = arith.cmpi ne, %convert_element_type3A_173, %cond3A_174 : i32
      scf.if %cond3A_175 {
        %mul3A_306 = arith.constant 8 : i32
        %mul3A_307 = arith.muli %scan3A_145, %mul3A_306 : i32
        %add3A_308 = arith.constant 2 : i32
        %add3A_309 = arith.addi %mul3A_307, %add3A_308 : i32
        %dma_start3A = arith.constant 0 : i32
        %dma_start3A_310 = tpu.memref_slice %arg12[%add3A_309, %dma_start3A] : memref<40x128xi32, #tpu.memory_space<vmem>> -> memref<1x128xi32, #tpu.memory_space<vmem>>
        %dma_start3A_311 = tpu.memref_squeeze %dma_start3A_310 : memref<1x128xi32, #tpu.memory_space<vmem>> -> memref<128xi32, #tpu.memory_space<vmem>>
        %dma_start3A_312 = arith.constant 0 : i32
        %dma_start3A_313 = arith.constant 0 : i32
        %dma_start3A_314 = tpu.memref_slice %arg15[%dma_start3A_312, %dma_start3A_313] : memref<10000x128xf32, #tpu.memory_space<vmem_shared>> -> memref<10000x128xf32, #tpu.memory_space<vmem_shared>>
        tpu.enqueue_indirect_dma source(%arg13 : memref<128x128xf32, #tpu.memory_space<vmem>>) target(%dma_start3A_314 : memref<10000x128xf32, #tpu.memory_space<vmem_shared>>) offsets(%dma_start3A_311 : memref<128xi32, #tpu.memory_space<vmem>>) semaphore(%arg18 : memref<!tpu.dma_semaphore, #tpu.memory_space<semaphore_mem>>) {add = true}
      } else {
      }
      %mul3A_176 = arith.constant 8 : i32
      %mul3A_177 = arith.muli %scan3A_145, %mul3A_176 : i32
      %add3A_178 = arith.addi %add3A_10, %mul3A_177 : i32
      %add3A_179 = arith.constant 3 : i32
      %add3A_180 = arith.addi %add3A_178, %add3A_179 : i32
      %lt3A_181 = arith.constant 2500 : i32
      %lt3A_182 = arith.cmpi slt, %add3A_180, %lt3A_181 : i32
      %convert_element_type3A_183 = arith.extui %lt3A_182 : i1 to i32
      %cond3A_184 = arith.constant 0 : i32
      %cond3A_185 = arith.cmpi ne, %convert_element_type3A_183, %cond3A_184 : i32
      scf.if %cond3A_185 {
        %mul3A_306 = arith.constant 8 : i32
        %mul3A_307 = arith.muli %scan3A_145, %mul3A_306 : i32
        %add3A_308 = arith.constant 3 : i32
        %add3A_309 = arith.addi %mul3A_307, %add3A_308 : i32
        %dma_start3A = arith.constant 0 : i32
        %dma_start3A_310 = tpu.memref_slice %arg12[%add3A_309, %dma_start3A] : memref<40x128xi32, #tpu.memory_space<vmem>> -> memref<1x128xi32, #tpu.memory_space<vmem>>
        %dma_start3A_311 = tpu.memref_squeeze %dma_start3A_310 : memref<1x128xi32, #tpu.memory_space<vmem>> -> memref<128xi32, #tpu.memory_space<vmem>>
        %dma_start3A_312 = arith.constant 0 : i32
        %dma_start3A_313 = arith.constant 0 : i32
        %dma_start3A_314 = tpu.memref_slice %arg15[%dma_start3A_312, %dma_start3A_313] : memref<10000x128xf32, #tpu.memory_space<vmem_shared>> -> memref<10000x128xf32, #tpu.memory_space<vmem_shared>>
        tpu.enqueue_indirect_dma source(%arg13 : memref<128x128xf32, #tpu.memory_space<vmem>>) target(%dma_start3A_314 : memref<10000x128xf32, #tpu.memory_space<vmem_shared>>) offsets(%dma_start3A_311 : memref<128xi32, #tpu.memory_space<vmem>>) semaphore(%arg18 : memref<!tpu.dma_semaphore, #tpu.memory_space<semaphore_mem>>) {add = true}
      } else {
      }
      %mul3A_186 = arith.constant 8 : i32
      %mul3A_187 = arith.muli %scan3A_145, %mul3A_186 : i32
      %add3A_188 = arith.addi %add3A_10, %mul3A_187 : i32
      %add3A_189 = arith.constant 4 : i32
      %add3A_190 = arith.addi %add3A_188, %add3A_189 : i32
      %lt3A_191 = arith.constant 2500 : i32
      %lt3A_192 = arith.cmpi slt, %add3A_190, %lt3A_191 : i32
      %convert_element_type3A_193 = arith.extui %lt3A_192 : i1 to i32
      %cond3A_194 = arith.constant 0 : i32
      %cond3A_195 = arith.cmpi ne, %convert_element_type3A_193, %cond3A_194 : i32
      scf.if %cond3A_195 {
        %mul3A_306 = arith.constant 8 : i32
        %mul3A_307 = arith.muli %scan3A_145, %mul3A_306 : i32
        %add3A_308 = arith.constant 4 : i32
        %add3A_309 = arith.addi %mul3A_307, %add3A_308 : i32
        %dma_start3A = arith.constant 0 : i32
        %dma_start3A_310 = tpu.memref_slice %arg12[%add3A_309, %dma_start3A] : memref<40x128xi32, #tpu.memory_space<vmem>> -> memref<1x128xi32, #tpu.memory_space<vmem>>
        %dma_start3A_311 = tpu.memref_squeeze %dma_start3A_310 : memref<1x128xi32, #tpu.memory_space<vmem>> -> memref<128xi32, #tpu.memory_space<vmem>>
        %dma_start3A_312 = arith.constant 0 : i32
        %dma_start3A_313 = arith.constant 0 : i32
        %dma_start3A_314 = tpu.memref_slice %arg15[%dma_start3A_312, %dma_start3A_313] : memref<10000x128xf32, #tpu.memory_space<vmem_shared>> -> memref<10000x128xf32, #tpu.memory_space<vmem_shared>>
        tpu.enqueue_indirect_dma source(%arg13 : memref<128x128xf32, #tpu.memory_space<vmem>>) target(%dma_start3A_314 : memref<10000x128xf32, #tpu.memory_space<vmem_shared>>) offsets(%dma_start3A_311 : memref<128xi32, #tpu.memory_space<vmem>>) semaphore(%arg18 : memref<!tpu.dma_semaphore, #tpu.memory_space<semaphore_mem>>) {add = true}
      } else {
      }
      %mul3A_196 = arith.constant 8 : i32
      %mul3A_197 = arith.muli %scan3A_145, %mul3A_196 : i32
      %add3A_198 = arith.addi %add3A_10, %mul3A_197 : i32
      %add3A_199 = arith.constant 5 : i32
      %add3A_200 = arith.addi %add3A_198, %add3A_199 : i32
      %lt3A_201 = arith.constant 2500 : i32
      %lt3A_202 = arith.cmpi slt, %add3A_200, %lt3A_201 : i32
      %convert_element_type3A_203 = arith.extui %lt3A_202 : i1 to i32
      %cond3A_204 = arith.constant 0 : i32
      %cond3A_205 = arith.cmpi ne, %convert_element_type3A_203, %cond3A_204 : i32
      scf.if %cond3A_205 {
        %mul3A_306 = arith.constant 8 : i32
        %mul3A_307 = arith.muli %scan3A_145, %mul3A_306 : i32
        %add3A_308 = arith.constant 5 : i32
        %add3A_309 = arith.addi %mul3A_307, %add3A_308 : i32
        %dma_start3A = arith.constant 0 : i32
        %dma_start3A_310 = tpu.memref_slice %arg12[%add3A_309, %dma_start3A] : memref<40x128xi32, #tpu.memory_space<vmem>> -> memref<1x128xi32, #tpu.memory_space<vmem>>
        %dma_start3A_311 = tpu.memref_squeeze %dma_start3A_310 : memref<1x128xi32, #tpu.memory_space<vmem>> -> memref<128xi32, #tpu.memory_space<vmem>>
        %dma_start3A_312 = arith.constant 0 : i32
        %dma_start3A_313 = arith.constant 0 : i32
        %dma_start3A_314 = tpu.memref_slice %arg15[%dma_start3A_312, %dma_start3A_313] : memref<10000x128xf32, #tpu.memory_space<vmem_shared>> -> memref<10000x128xf32, #tpu.memory_space<vmem_shared>>
        tpu.enqueue_indirect_dma source(%arg13 : memref<128x128xf32, #tpu.memory_space<vmem>>) target(%dma_start3A_314 : memref<10000x128xf32, #tpu.memory_space<vmem_shared>>) offsets(%dma_start3A_311 : memref<128xi32, #tpu.memory_space<vmem>>) semaphore(%arg18 : memref<!tpu.dma_semaphore, #tpu.memory_space<semaphore_mem>>) {add = true}
      } else {
      }
      %mul3A_206 = arith.constant 8 : i32
      %mul3A_207 = arith.muli %scan3A_145, %mul3A_206 : i32
      %add3A_208 = arith.addi %add3A_10, %mul3A_207 : i32
      %add3A_209 = arith.constant 6 : i32
      %add3A_210 = arith.addi %add3A_208, %add3A_209 : i32
      %lt3A_211 = arith.constant 2500 : i32
      %lt3A_212 = arith.cmpi slt, %add3A_210, %lt3A_211 : i32
      %convert_element_type3A_213 = arith.extui %lt3A_212 : i1 to i32
      %cond3A_214 = arith.constant 0 : i32
      %cond3A_215 = arith.cmpi ne, %convert_element_type3A_213, %cond3A_214 : i32
      scf.if %cond3A_215 {
        %mul3A_306 = arith.constant 8 : i32
        %mul3A_307 = arith.muli %scan3A_145, %mul3A_306 : i32
        %add3A_308 = arith.constant 6 : i32
        %add3A_309 = arith.addi %mul3A_307, %add3A_308 : i32
        %dma_start3A = arith.constant 0 : i32
        %dma_start3A_310 = tpu.memref_slice %arg12[%add3A_309, %dma_start3A] : memref<40x128xi32, #tpu.memory_space<vmem>> -> memref<1x128xi32, #tpu.memory_space<vmem>>
        %dma_start3A_311 = tpu.memref_squeeze %dma_start3A_310 : memref<1x128xi32, #tpu.memory_space<vmem>> -> memref<128xi32, #tpu.memory_space<vmem>>
        %dma_start3A_312 = arith.constant 0 : i32
        %dma_start3A_313 = arith.constant 0 : i32
        %dma_start3A_314 = tpu.memref_slice %arg15[%dma_start3A_312, %dma_start3A_313] : memref<10000x128xf32, #tpu.memory_space<vmem_shared>> -> memref<10000x128xf32, #tpu.memory_space<vmem_shared>>
        tpu.enqueue_indirect_dma source(%arg13 : memref<128x128xf32, #tpu.memory_space<vmem>>) target(%dma_start3A_314 : memref<10000x128xf32, #tpu.memory_space<vmem_shared>>) offsets(%dma_start3A_311 : memref<128xi32, #tpu.memory_space<vmem>>) semaphore(%arg18 : memref<!tpu.dma_semaphore, #tpu.memory_space<semaphore_mem>>) {add = true}
      } else {
      }
      %mul3A_216 = arith.constant 8 : i32
      %mul3A_217 = arith.muli %scan3A_145, %mul3A_216 : i32
      %add3A_218 = arith.addi %add3A_10, %mul3A_217 : i32
      %add3A_219 = arith.constant 7 : i32
      %add3A_220 = arith.addi %add3A_218, %add3A_219 : i32
      %lt3A_221 = arith.constant 2500 : i32
      %lt3A_222 = arith.cmpi slt, %add3A_220, %lt3A_221 : i32
      %convert_element_type3A_223 = arith.extui %lt3A_222 : i1 to i32
      %cond3A_224 = arith.constant 0 : i32
      %cond3A_225 = arith.cmpi ne, %convert_element_type3A_223, %cond3A_224 : i32
      scf.if %cond3A_225 {
        %mul3A_306 = arith.constant 8 : i32
        %mul3A_307 = arith.muli %scan3A_145, %mul3A_306 : i32
        %add3A_308 = arith.constant 7 : i32
        %add3A_309 = arith.addi %mul3A_307, %add3A_308 : i32
        %dma_start3A = arith.constant 0 : i32
        %dma_start3A_310 = tpu.memref_slice %arg12[%add3A_309, %dma_start3A] : memref<40x128xi32, #tpu.memory_space<vmem>> -> memref<1x128xi32, #tpu.memory_space<vmem>>
        %dma_start3A_311 = tpu.memref_squeeze %dma_start3A_310 : memref<1x128xi32, #tpu.memory_space<vmem>> -> memref<128xi32, #tpu.memory_space<vmem>>
        %dma_start3A_312 = arith.constant 0 : i32
        %dma_start3A_313 = arith.constant 0 : i32
        %dma_start3A_314 = tpu.memref_slice %arg15[%dma_start3A_312, %dma_start3A_313] : memref<10000x128xf32, #tpu.memory_space<vmem_shared>> -> memref<10000x128xf32, #tpu.memory_space<vmem_shared>>
        tpu.enqueue_indirect_dma source(%arg13 : memref<128x128xf32, #tpu.memory_space<vmem>>) target(%dma_start3A_314 : memref<10000x128xf32, #tpu.memory_space<vmem_shared>>) offsets(%dma_start3A_311 : memref<128xi32, #tpu.memory_space<vmem>>) semaphore(%arg18 : memref<!tpu.dma_semaphore, #tpu.memory_space<semaphore_mem>>) {add = true}
      } else {
      }
      %mul3A_226 = arith.constant 8 : i32
      %mul3A_227 = arith.muli %scan3A_145, %mul3A_226 : i32
      %add3A_228 = arith.addi %add3A_10, %mul3A_227 : i32
      %add3A_229 = arith.constant 0 : i32
      %add3A_230 = arith.addi %add3A_228, %add3A_229 : i32
      %lt3A_231 = arith.constant 2500 : i32
      %lt3A_232 = arith.cmpi slt, %add3A_230, %lt3A_231 : i32
      %convert_element_type3A_233 = arith.extui %lt3A_232 : i1 to i32
      %cond3A_234 = arith.constant 0 : i32
      %cond3A_235 = arith.cmpi ne, %convert_element_type3A_233, %cond3A_234 : i32
      scf.if %cond3A_235 {
        %mul3A_306 = arith.constant 8 : i32
        %mul3A_307 = arith.muli %scan3A_145, %mul3A_306 : i32
        %add3A_308 = arith.constant 0 : i32
        %add3A_309 = arith.addi %mul3A_307, %add3A_308 : i32
        %dma_wait3A = arith.constant 0 : i32
        %dma_wait3A_310 = tpu.memref_slice %arg12[%add3A_309, %dma_wait3A] : memref<40x128xi32, #tpu.memory_space<vmem>> -> memref<1x128xi32, #tpu.memory_space<vmem>>
        %dma_wait3A_311 = tpu.memref_squeeze %dma_wait3A_310 : memref<1x128xi32, #tpu.memory_space<vmem>> -> memref<128xi32, #tpu.memory_space<vmem>>
        %dma_wait3A_312 = arith.constant 0 : i32
        %dma_wait3A_313 = arith.constant 0 : i32
        %dma_wait3A_314 = tpu.memref_slice %arg15[%dma_wait3A_312, %dma_wait3A_313] : memref<10000x128xf32, #tpu.memory_space<vmem_shared>> -> memref<10000x128xf32, #tpu.memory_space<vmem_shared>>
        tpu.wait_indirect_dma semaphore(%arg18 : memref<!tpu.dma_semaphore, #tpu.memory_space<semaphore_mem>>) src(%arg13 : memref<128x128xf32, #tpu.memory_space<vmem>>) dst(%dma_wait3A_314 : memref<10000x128xf32, #tpu.memory_space<vmem_shared>>)
      } else {
      }
      %mul3A_236 = arith.constant 8 : i32
      %mul3A_237 = arith.muli %scan3A_145, %mul3A_236 : i32
      %add3A_238 = arith.addi %add3A_10, %mul3A_237 : i32
      %add3A_239 = arith.constant 1 : i32
      %add3A_240 = arith.addi %add3A_238, %add3A_239 : i32
      %lt3A_241 = arith.constant 2500 : i32
      %lt3A_242 = arith.cmpi slt, %add3A_240, %lt3A_241 : i32
      %convert_element_type3A_243 = arith.extui %lt3A_242 : i1 to i32
      %cond3A_244 = arith.constant 0 : i32
      %cond3A_245 = arith.cmpi ne, %convert_element_type3A_243, %cond3A_244 : i32
      scf.if %cond3A_245 {
        %mul3A_306 = arith.constant 8 : i32
        %mul3A_307 = arith.muli %scan3A_145, %mul3A_306 : i32
        %add3A_308 = arith.constant 1 : i32
        %add3A_309 = arith.addi %mul3A_307, %add3A_308 : i32
        %dma_wait3A = arith.constant 0 : i32
        %dma_wait3A_310 = tpu.memref_slice %arg12[%add3A_309, %dma_wait3A] : memref<40x128xi32, #tpu.memory_space<vmem>> -> memref<1x128xi32, #tpu.memory_space<vmem>>
        %dma_wait3A_311 = tpu.memref_squeeze %dma_wait3A_310 : memref<1x128xi32, #tpu.memory_space<vmem>> -> memref<128xi32, #tpu.memory_space<vmem>>
        %dma_wait3A_312 = arith.constant 0 : i32
        %dma_wait3A_313 = arith.constant 0 : i32
        %dma_wait3A_314 = tpu.memref_slice %arg15[%dma_wait3A_312, %dma_wait3A_313] : memref<10000x128xf32, #tpu.memory_space<vmem_shared>> -> memref<10000x128xf32, #tpu.memory_space<vmem_shared>>
        tpu.wait_indirect_dma semaphore(%arg18 : memref<!tpu.dma_semaphore, #tpu.memory_space<semaphore_mem>>) src(%arg13 : memref<128x128xf32, #tpu.memory_space<vmem>>) dst(%dma_wait3A_314 : memref<10000x128xf32, #tpu.memory_space<vmem_shared>>)
      } else {
      }
      %mul3A_246 = arith.constant 8 : i32
      %mul3A_247 = arith.muli %scan3A_145, %mul3A_246 : i32
      %add3A_248 = arith.addi %add3A_10, %mul3A_247 : i32
      %add3A_249 = arith.constant 2 : i32
      %add3A_250 = arith.addi %add3A_248, %add3A_249 : i32
      %lt3A_251 = arith.constant 2500 : i32
      %lt3A_252 = arith.cmpi slt, %add3A_250, %lt3A_251 : i32
      %convert_element_type3A_253 = arith.extui %lt3A_252 : i1 to i32
      %cond3A_254 = arith.constant 0 : i32
      %cond3A_255 = arith.cmpi ne, %convert_element_type3A_253, %cond3A_254 : i32
      scf.if %cond3A_255 {
        %mul3A_306 = arith.constant 8 : i32
        %mul3A_307 = arith.muli %scan3A_145, %mul3A_306 : i32
        %add3A_308 = arith.constant 2 : i32
        %add3A_309 = arith.addi %mul3A_307, %add3A_308 : i32
        %dma_wait3A = arith.constant 0 : i32
        %dma_wait3A_310 = tpu.memref_slice %arg12[%add3A_309, %dma_wait3A] : memref<40x128xi32, #tpu.memory_space<vmem>> -> memref<1x128xi32, #tpu.memory_space<vmem>>
        %dma_wait3A_311 = tpu.memref_squeeze %dma_wait3A_310 : memref<1x128xi32, #tpu.memory_space<vmem>> -> memref<128xi32, #tpu.memory_space<vmem>>
        %dma_wait3A_312 = arith.constant 0 : i32
        %dma_wait3A_313 = arith.constant 0 : i32
        %dma_wait3A_314 = tpu.memref_slice %arg15[%dma_wait3A_312, %dma_wait3A_313] : memref<10000x128xf32, #tpu.memory_space<vmem_shared>> -> memref<10000x128xf32, #tpu.memory_space<vmem_shared>>
        tpu.wait_indirect_dma semaphore(%arg18 : memref<!tpu.dma_semaphore, #tpu.memory_space<semaphore_mem>>) src(%arg13 : memref<128x128xf32, #tpu.memory_space<vmem>>) dst(%dma_wait3A_314 : memref<10000x128xf32, #tpu.memory_space<vmem_shared>>)
      } else {
      }
      %mul3A_256 = arith.constant 8 : i32
      %mul3A_257 = arith.muli %scan3A_145, %mul3A_256 : i32
      %add3A_258 = arith.addi %add3A_10, %mul3A_257 : i32
      %add3A_259 = arith.constant 3 : i32
      %add3A_260 = arith.addi %add3A_258, %add3A_259 : i32
      %lt3A_261 = arith.constant 2500 : i32
      %lt3A_262 = arith.cmpi slt, %add3A_260, %lt3A_261 : i32
      %convert_element_type3A_263 = arith.extui %lt3A_262 : i1 to i32
      %cond3A_264 = arith.constant 0 : i32
      %cond3A_265 = arith.cmpi ne, %convert_element_type3A_263, %cond3A_264 : i32
      scf.if %cond3A_265 {
        %mul3A_306 = arith.constant 8 : i32
        %mul3A_307 = arith.muli %scan3A_145, %mul3A_306 : i32
        %add3A_308 = arith.constant 3 : i32
        %add3A_309 = arith.addi %mul3A_307, %add3A_308 : i32
        %dma_wait3A = arith.constant 0 : i32
        %dma_wait3A_310 = tpu.memref_slice %arg12[%add3A_309, %dma_wait3A] : memref<40x128xi32, #tpu.memory_space<vmem>> -> memref<1x128xi32, #tpu.memory_space<vmem>>
        %dma_wait3A_311 = tpu.memref_squeeze %dma_wait3A_310 : memref<1x128xi32, #tpu.memory_space<vmem>> -> memref<128xi32, #tpu.memory_space<vmem>>
        %dma_wait3A_312 = arith.constant 0 : i32
        %dma_wait3A_313 = arith.constant 0 : i32
        %dma_wait3A_314 = tpu.memref_slice %arg15[%dma_wait3A_312, %dma_wait3A_313] : memref<10000x128xf32, #tpu.memory_space<vmem_shared>> -> memref<10000x128xf32, #tpu.memory_space<vmem_shared>>
        tpu.wait_indirect_dma semaphore(%arg18 : memref<!tpu.dma_semaphore, #tpu.memory_space<semaphore_mem>>) src(%arg13 : memref<128x128xf32, #tpu.memory_space<vmem>>) dst(%dma_wait3A_314 : memref<10000x128xf32, #tpu.memory_space<vmem_shared>>)
      } else {
      }
      %mul3A_266 = arith.constant 8 : i32
      %mul3A_267 = arith.muli %scan3A_145, %mul3A_266 : i32
      %add3A_268 = arith.addi %add3A_10, %mul3A_267 : i32
      %add3A_269 = arith.constant 4 : i32
      %add3A_270 = arith.addi %add3A_268, %add3A_269 : i32
      %lt3A_271 = arith.constant 2500 : i32
      %lt3A_272 = arith.cmpi slt, %add3A_270, %lt3A_271 : i32
      %convert_element_type3A_273 = arith.extui %lt3A_272 : i1 to i32
      %cond3A_274 = arith.constant 0 : i32
      %cond3A_275 = arith.cmpi ne, %convert_element_type3A_273, %cond3A_274 : i32
      scf.if %cond3A_275 {
        %mul3A_306 = arith.constant 8 : i32
        %mul3A_307 = arith.muli %scan3A_145, %mul3A_306 : i32
        %add3A_308 = arith.constant 4 : i32
        %add3A_309 = arith.addi %mul3A_307, %add3A_308 : i32
        %dma_wait3A = arith.constant 0 : i32
        %dma_wait3A_310 = tpu.memref_slice %arg12[%add3A_309, %dma_wait3A] : memref<40x128xi32, #tpu.memory_space<vmem>> -> memref<1x128xi32, #tpu.memory_space<vmem>>
        %dma_wait3A_311 = tpu.memref_squeeze %dma_wait3A_310 : memref<1x128xi32, #tpu.memory_space<vmem>> -> memref<128xi32, #tpu.memory_space<vmem>>
        %dma_wait3A_312 = arith.constant 0 : i32
        %dma_wait3A_313 = arith.constant 0 : i32
        %dma_wait3A_314 = tpu.memref_slice %arg15[%dma_wait3A_312, %dma_wait3A_313] : memref<10000x128xf32, #tpu.memory_space<vmem_shared>> -> memref<10000x128xf32, #tpu.memory_space<vmem_shared>>
        tpu.wait_indirect_dma semaphore(%arg18 : memref<!tpu.dma_semaphore, #tpu.memory_space<semaphore_mem>>) src(%arg13 : memref<128x128xf32, #tpu.memory_space<vmem>>) dst(%dma_wait3A_314 : memref<10000x128xf32, #tpu.memory_space<vmem_shared>>)
      } else {
      }
      %mul3A_276 = arith.constant 8 : i32
      %mul3A_277 = arith.muli %scan3A_145, %mul3A_276 : i32
      %add3A_278 = arith.addi %add3A_10, %mul3A_277 : i32
      %add3A_279 = arith.constant 5 : i32
      %add3A_280 = arith.addi %add3A_278, %add3A_279 : i32
      %lt3A_281 = arith.constant 2500 : i32
      %lt3A_282 = arith.cmpi slt, %add3A_280, %lt3A_281 : i32
      %convert_element_type3A_283 = arith.extui %lt3A_282 : i1 to i32
      %cond3A_284 = arith.constant 0 : i32
      %cond3A_285 = arith.cmpi ne, %convert_element_type3A_283, %cond3A_284 : i32
      scf.if %cond3A_285 {
        %mul3A_306 = arith.constant 8 : i32
        %mul3A_307 = arith.muli %scan3A_145, %mul3A_306 : i32
        %add3A_308 = arith.constant 5 : i32
        %add3A_309 = arith.addi %mul3A_307, %add3A_308 : i32
        %dma_wait3A = arith.constant 0 : i32
        %dma_wait3A_310 = tpu.memref_slice %arg12[%add3A_309, %dma_wait3A] : memref<40x128xi32, #tpu.memory_space<vmem>> -> memref<1x128xi32, #tpu.memory_space<vmem>>
        %dma_wait3A_311 = tpu.memref_squeeze %dma_wait3A_310 : memref<1x128xi32, #tpu.memory_space<vmem>> -> memref<128xi32, #tpu.memory_space<vmem>>
        %dma_wait3A_312 = arith.constant 0 : i32
        %dma_wait3A_313 = arith.constant 0 : i32
        %dma_wait3A_314 = tpu.memref_slice %arg15[%dma_wait3A_312, %dma_wait3A_313] : memref<10000x128xf32, #tpu.memory_space<vmem_shared>> -> memref<10000x128xf32, #tpu.memory_space<vmem_shared>>
        tpu.wait_indirect_dma semaphore(%arg18 : memref<!tpu.dma_semaphore, #tpu.memory_space<semaphore_mem>>) src(%arg13 : memref<128x128xf32, #tpu.memory_space<vmem>>) dst(%dma_wait3A_314 : memref<10000x128xf32, #tpu.memory_space<vmem_shared>>)
      } else {
      }
      %mul3A_286 = arith.constant 8 : i32
      %mul3A_287 = arith.muli %scan3A_145, %mul3A_286 : i32
      %add3A_288 = arith.addi %add3A_10, %mul3A_287 : i32
      %add3A_289 = arith.constant 6 : i32
      %add3A_290 = arith.addi %add3A_288, %add3A_289 : i32
      %lt3A_291 = arith.constant 2500 : i32
      %lt3A_292 = arith.cmpi slt, %add3A_290, %lt3A_291 : i32
      %convert_element_type3A_293 = arith.extui %lt3A_292 : i1 to i32
      %cond3A_294 = arith.constant 0 : i32
      %cond3A_295 = arith.cmpi ne, %convert_element_type3A_293, %cond3A_294 : i32
      scf.if %cond3A_295 {
        %mul3A_306 = arith.constant 8 : i32
        %mul3A_307 = arith.muli %scan3A_145, %mul3A_306 : i32
        %add3A_308 = arith.constant 6 : i32
        %add3A_309 = arith.addi %mul3A_307, %add3A_308 : i32
        %dma_wait3A = arith.constant 0 : i32
        %dma_wait3A_310 = tpu.memref_slice %arg12[%add3A_309, %dma_wait3A] : memref<40x128xi32, #tpu.memory_space<vmem>> -> memref<1x128xi32, #tpu.memory_space<vmem>>
        %dma_wait3A_311 = tpu.memref_squeeze %dma_wait3A_310 : memref<1x128xi32, #tpu.memory_space<vmem>> -> memref<128xi32, #tpu.memory_space<vmem>>
        %dma_wait3A_312 = arith.constant 0 : i32
        %dma_wait3A_313 = arith.constant 0 : i32
        %dma_wait3A_314 = tpu.memref_slice %arg15[%dma_wait3A_312, %dma_wait3A_313] : memref<10000x128xf32, #tpu.memory_space<vmem_shared>> -> memref<10000x128xf32, #tpu.memory_space<vmem_shared>>
        tpu.wait_indirect_dma semaphore(%arg18 : memref<!tpu.dma_semaphore, #tpu.memory_space<semaphore_mem>>) src(%arg13 : memref<128x128xf32, #tpu.memory_space<vmem>>) dst(%dma_wait3A_314 : memref<10000x128xf32, #tpu.memory_space<vmem_shared>>)
      } else {
      }
      %mul3A_296 = arith.constant 8 : i32
      %mul3A_297 = arith.muli %scan3A_145, %mul3A_296 : i32
      %add3A_298 = arith.addi %add3A_10, %mul3A_297 : i32
      %add3A_299 = arith.constant 7 : i32
      %add3A_300 = arith.addi %add3A_298, %add3A_299 : i32
      %lt3A_301 = arith.constant 2500 : i32
      %lt3A_302 = arith.cmpi slt, %add3A_300, %lt3A_301 : i32
      %convert_element_type3A_303 = arith.extui %lt3A_302 : i1 to i32
      %cond3A_304 = arith.constant 0 : i32
      %cond3A_305 = arith.cmpi ne, %convert_element_type3A_303, %cond3A_304 : i32
      scf.if %cond3A_305 {
        %mul3A_306 = arith.constant 8 : i32
        %mul3A_307 = arith.muli %scan3A_145, %mul3A_306 : i32
        %add3A_308 = arith.constant 7 : i32
        %add3A_309 = arith.addi %mul3A_307, %add3A_308 : i32
        %dma_wait3A = arith.constant 0 : i32
        %dma_wait3A_310 = tpu.memref_slice %arg12[%add3A_309, %dma_wait3A] : memref<40x128xi32, #tpu.memory_space<vmem>> -> memref<1x128xi32, #tpu.memory_space<vmem>>
        %dma_wait3A_311 = tpu.memref_squeeze %dma_wait3A_310 : memref<1x128xi32, #tpu.memory_space<vmem>> -> memref<128xi32, #tpu.memory_space<vmem>>
        %dma_wait3A_312 = arith.constant 0 : i32
        %dma_wait3A_313 = arith.constant 0 : i32
        %dma_wait3A_314 = tpu.memref_slice %arg15[%dma_wait3A_312, %dma_wait3A_313] : memref<10000x128xf32, #tpu.memory_space<vmem_shared>> -> memref<10000x128xf32, #tpu.memory_space<vmem_shared>>
        tpu.wait_indirect_dma semaphore(%arg18 : memref<!tpu.dma_semaphore, #tpu.memory_space<semaphore_mem>>) src(%arg13 : memref<128x128xf32, #tpu.memory_space<vmem>>) dst(%dma_wait3A_314 : memref<10000x128xf32, #tpu.memory_space<vmem_shared>>)
      } else {
      }
    }
    %scan3A_15 = arith.constant 5 : i32
    %add3A_16 = arith.constant 40 : i32
    %add3A_17 = arith.addi %mul3A_2, %add3A_16 : i32
    "tpu.region"() ({
      %run_scoped3A = tpu.sem_alloc : memref<!tpu.dma_semaphore, #tpu.memory_space<semaphore_mem>>
      %dma_start3A = arith.constant 0 : i32
      %dma_start3A_145 = tpu.memref_slice %arg4[%add3A_17, %dma_start3A] : memref<2560x128xi32, #tpu.memory_space<hbm>> -> memref<40x128xi32, #tpu.memory_space<hbm>>
      %dma_start3A_146 = arith.constant 0 : i32
      %dma_start3A_147 = tpu.memref_slice %arg4[%add3A_17, %dma_start3A_146] : memref<2560x128xi32, #tpu.memory_space<hbm>> -> memref<40x128xi32, #tpu.memory_space<hbm>>
      tpu.enqueue_dma source(%dma_start3A_147 : memref<40x128xi32, #tpu.memory_space<hbm>>) target(%arg12 : memref<40x128xi32, #tpu.memory_space<vmem>>) target_semaphore(%run_scoped3A : memref<!tpu.dma_semaphore, #tpu.memory_space<semaphore_mem>>)
      %dma_wait3A = arith.constant 0 : i32
      %dma_wait3A_148 = tpu.memref_slice %arg4[%add3A_17, %dma_wait3A] : memref<2560x128xi32, #tpu.memory_space<hbm>> -> memref<40x128xi32, #tpu.memory_space<hbm>>
      %dma_wait3A_149 = arith.constant 0 : i32
      %dma_wait3A_150 = tpu.memref_slice %arg4[%add3A_17, %dma_wait3A_149] : memref<2560x128xi32, #tpu.memory_space<hbm>> -> memref<40x128xi32, #tpu.memory_space<hbm>>
      tpu.wait_dma2 semaphore(%run_scoped3A : memref<!tpu.dma_semaphore, #tpu.memory_space<semaphore_mem>>) src(%dma_wait3A_150 : memref<40x128xi32, #tpu.memory_space<hbm>>) dst(%arg12 : memref<40x128xi32, #tpu.memory_space<vmem>>)
      tpu.yield
    }) : () -> ()
    %scan3A_18 = arith.constant 0 : i32
    %scan3A_19 = arith.constant 0 : i32
    %scan3A_20 = arith.constant 5 : i32
    %scan3A_21 = arith.addi %scan3A_19, %scan3A_20 : i32
    %scan3A_22 = arith.constant 1 : i32
    scf.for %scan3A_145 = %scan3A_19 to %scan3A_21 step %scan3A_22  : i32 {
      %mul3A_146 = arith.constant 8 : i32
      %mul3A_147 = arith.muli %scan3A_145, %mul3A_146 : i32
      %add3A_148 = arith.addi %add3A_17, %mul3A_147 : i32
      %add3A_149 = arith.constant 0 : i32
      %add3A_150 = arith.addi %add3A_148, %add3A_149 : i32
      %lt3A_151 = arith.constant 2500 : i32
      %lt3A_152 = arith.cmpi slt, %add3A_150, %lt3A_151 : i32
      %convert_element_type3A_153 = arith.extui %lt3A_152 : i1 to i32
      %cond3A_154 = arith.constant 0 : i32
      %cond3A_155 = arith.cmpi ne, %convert_element_type3A_153, %cond3A_154 : i32
      scf.if %cond3A_155 {
        %mul3A_306 = arith.constant 8 : i32
        %mul3A_307 = arith.muli %scan3A_145, %mul3A_306 : i32
        %add3A_308 = arith.constant 0 : i32
        %add3A_309 = arith.addi %mul3A_307, %add3A_308 : i32
        %dma_start3A = arith.constant 0 : i32
        %dma_start3A_310 = tpu.memref_slice %arg12[%add3A_309, %dma_start3A] : memref<40x128xi32, #tpu.memory_space<vmem>> -> memref<1x128xi32, #tpu.memory_space<vmem>>
        %dma_start3A_311 = tpu.memref_squeeze %dma_start3A_310 : memref<1x128xi32, #tpu.memory_space<vmem>> -> memref<128xi32, #tpu.memory_space<vmem>>
        %dma_start3A_312 = arith.constant 0 : i32
        %dma_start3A_313 = arith.constant 0 : i32
        %dma_start3A_314 = tpu.memref_slice %arg15[%dma_start3A_312, %dma_start3A_313] : memref<10000x128xf32, #tpu.memory_space<vmem_shared>> -> memref<10000x128xf32, #tpu.memory_space<vmem_shared>>
        tpu.enqueue_indirect_dma source(%arg13 : memref<128x128xf32, #tpu.memory_space<vmem>>) target(%dma_start3A_314 : memref<10000x128xf32, #tpu.memory_space<vmem_shared>>) offsets(%dma_start3A_311 : memref<128xi32, #tpu.memory_space<vmem>>) semaphore(%arg18 : memref<!tpu.dma_semaphore, #tpu.memory_space<semaphore_mem>>) {add = true}
      } else {
      }
      %mul3A_156 = arith.constant 8 : i32
      %mul3A_157 = arith.muli %scan3A_145, %mul3A_156 : i32
      %add3A_158 = arith.addi %add3A_17, %mul3A_157 : i32
      %add3A_159 = arith.constant 1 : i32
      %add3A_160 = arith.addi %add3A_158, %add3A_159 : i32
      %lt3A_161 = arith.constant 2500 : i32
      %lt3A_162 = arith.cmpi slt, %add3A_160, %lt3A_161 : i32
      %convert_element_type3A_163 = arith.extui %lt3A_162 : i1 to i32
      %cond3A_164 = arith.constant 0 : i32
      %cond3A_165 = arith.cmpi ne, %convert_element_type3A_163, %cond3A_164 : i32
      scf.if %cond3A_165 {
        %mul3A_306 = arith.constant 8 : i32
        %mul3A_307 = arith.muli %scan3A_145, %mul3A_306 : i32
        %add3A_308 = arith.constant 1 : i32
        %add3A_309 = arith.addi %mul3A_307, %add3A_308 : i32
        %dma_start3A = arith.constant 0 : i32
        %dma_start3A_310 = tpu.memref_slice %arg12[%add3A_309, %dma_start3A] : memref<40x128xi32, #tpu.memory_space<vmem>> -> memref<1x128xi32, #tpu.memory_space<vmem>>
        %dma_start3A_311 = tpu.memref_squeeze %dma_start3A_310 : memref<1x128xi32, #tpu.memory_space<vmem>> -> memref<128xi32, #tpu.memory_space<vmem>>
        %dma_start3A_312 = arith.constant 0 : i32
        %dma_start3A_313 = arith.constant 0 : i32
        %dma_start3A_314 = tpu.memref_slice %arg15[%dma_start3A_312, %dma_start3A_313] : memref<10000x128xf32, #tpu.memory_space<vmem_shared>> -> memref<10000x128xf32, #tpu.memory_space<vmem_shared>>
        tpu.enqueue_indirect_dma source(%arg13 : memref<128x128xf32, #tpu.memory_space<vmem>>) target(%dma_start3A_314 : memref<10000x128xf32, #tpu.memory_space<vmem_shared>>) offsets(%dma_start3A_311 : memref<128xi32, #tpu.memory_space<vmem>>) semaphore(%arg18 : memref<!tpu.dma_semaphore, #tpu.memory_space<semaphore_mem>>) {add = true}
      } else {
      }
      %mul3A_166 = arith.constant 8 : i32
      %mul3A_167 = arith.muli %scan3A_145, %mul3A_166 : i32
      %add3A_168 = arith.addi %add3A_17, %mul3A_167 : i32
      %add3A_169 = arith.constant 2 : i32
      %add3A_170 = arith.addi %add3A_168, %add3A_169 : i32
      %lt3A_171 = arith.constant 2500 : i32
      %lt3A_172 = arith.cmpi slt, %add3A_170, %lt3A_171 : i32
      %convert_element_type3A_173 = arith.extui %lt3A_172 : i1 to i32
      %cond3A_174 = arith.constant 0 : i32
      %cond3A_175 = arith.cmpi ne, %convert_element_type3A_173, %cond3A_174 : i32
      scf.if %cond3A_175 {
        %mul3A_306 = arith.constant 8 : i32
        %mul3A_307 = arith.muli %scan3A_145, %mul3A_306 : i32
        %add3A_308 = arith.constant 2 : i32
        %add3A_309 = arith.addi %mul3A_307, %add3A_308 : i32
        %dma_start3A = arith.constant 0 : i32
        %dma_start3A_310 = tpu.memref_slice %arg12[%add3A_309, %dma_start3A] : memref<40x128xi32, #tpu.memory_space<vmem>> -> memref<1x128xi32, #tpu.memory_space<vmem>>
        %dma_start3A_311 = tpu.memref_squeeze %dma_start3A_310 : memref<1x128xi32, #tpu.memory_space<vmem>> -> memref<128xi32, #tpu.memory_space<vmem>>
        %dma_start3A_312 = arith.constant 0 : i32
        %dma_start3A_313 = arith.constant 0 : i32
        %dma_start3A_314 = tpu.memref_slice %arg15[%dma_start3A_312, %dma_start3A_313] : memref<10000x128xf32, #tpu.memory_space<vmem_shared>> -> memref<10000x128xf32, #tpu.memory_space<vmem_shared>>
        tpu.enqueue_indirect_dma source(%arg13 : memref<128x128xf32, #tpu.memory_space<vmem>>) target(%dma_start3A_314 : memref<10000x128xf32, #tpu.memory_space<vmem_shared>>) offsets(%dma_start3A_311 : memref<128xi32, #tpu.memory_space<vmem>>) semaphore(%arg18 : memref<!tpu.dma_semaphore, #tpu.memory_space<semaphore_mem>>) {add = true}
      } else {
      }
      %mul3A_176 = arith.constant 8 : i32
      %mul3A_177 = arith.muli %scan3A_145, %mul3A_176 : i32
      %add3A_178 = arith.addi %add3A_17, %mul3A_177 : i32
      %add3A_179 = arith.constant 3 : i32
      %add3A_180 = arith.addi %add3A_178, %add3A_179 : i32
      %lt3A_181 = arith.constant 2500 : i32
      %lt3A_182 = arith.cmpi slt, %add3A_180, %lt3A_181 : i32
      %convert_element_type3A_183 = arith.extui %lt3A_182 : i1 to i32
      %cond3A_184 = arith.constant 0 : i32
      %cond3A_185 = arith.cmpi ne, %convert_element_type3A_183, %cond3A_184 : i32
      scf.if %cond3A_185 {
        %mul3A_306 = arith.constant 8 : i32
        %mul3A_307 = arith.muli %scan3A_145, %mul3A_306 : i32
        %add3A_308 = arith.constant 3 : i32
        %add3A_309 = arith.addi %mul3A_307, %add3A_308 : i32
        %dma_start3A = arith.constant 0 : i32
        %dma_start3A_310 = tpu.memref_slice %arg12[%add3A_309, %dma_start3A] : memref<40x128xi32, #tpu.memory_space<vmem>> -> memref<1x128xi32, #tpu.memory_space<vmem>>
        %dma_start3A_311 = tpu.memref_squeeze %dma_start3A_310 : memref<1x128xi32, #tpu.memory_space<vmem>> -> memref<128xi32, #tpu.memory_space<vmem>>
        %dma_start3A_312 = arith.constant 0 : i32
        %dma_start3A_313 = arith.constant 0 : i32
        %dma_start3A_314 = tpu.memref_slice %arg15[%dma_start3A_312, %dma_start3A_313] : memref<10000x128xf32, #tpu.memory_space<vmem_shared>> -> memref<10000x128xf32, #tpu.memory_space<vmem_shared>>
        tpu.enqueue_indirect_dma source(%arg13 : memref<128x128xf32, #tpu.memory_space<vmem>>) target(%dma_start3A_314 : memref<10000x128xf32, #tpu.memory_space<vmem_shared>>) offsets(%dma_start3A_311 : memref<128xi32, #tpu.memory_space<vmem>>) semaphore(%arg18 : memref<!tpu.dma_semaphore, #tpu.memory_space<semaphore_mem>>) {add = true}
      } else {
      }
      %mul3A_186 = arith.constant 8 : i32
      %mul3A_187 = arith.muli %scan3A_145, %mul3A_186 : i32
      %add3A_188 = arith.addi %add3A_17, %mul3A_187 : i32
      %add3A_189 = arith.constant 4 : i32
      %add3A_190 = arith.addi %add3A_188, %add3A_189 : i32
      %lt3A_191 = arith.constant 2500 : i32
      %lt3A_192 = arith.cmpi slt, %add3A_190, %lt3A_191 : i32
      %convert_element_type3A_193 = arith.extui %lt3A_192 : i1 to i32
      %cond3A_194 = arith.constant 0 : i32
      %cond3A_195 = arith.cmpi ne, %convert_element_type3A_193, %cond3A_194 : i32
      scf.if %cond3A_195 {
        %mul3A_306 = arith.constant 8 : i32
        %mul3A_307 = arith.muli %scan3A_145, %mul3A_306 : i32
        %add3A_308 = arith.constant 4 : i32
        %add3A_309 = arith.addi %mul3A_307, %add3A_308 : i32
        %dma_start3A = arith.constant 0 : i32
        %dma_start3A_310 = tpu.memref_slice %arg12[%add3A_309, %dma_start3A] : memref<40x128xi32, #tpu.memory_space<vmem>> -> memref<1x128xi32, #tpu.memory_space<vmem>>
        %dma_start3A_311 = tpu.memref_squeeze %dma_start3A_310 : memref<1x128xi32, #tpu.memory_space<vmem>> -> memref<128xi32, #tpu.memory_space<vmem>>
        %dma_start3A_312 = arith.constant 0 : i32
        %dma_start3A_313 = arith.constant 0 : i32
        %dma_start3A_314 = tpu.memref_slice %arg15[%dma_start3A_312, %dma_start3A_313] : memref<10000x128xf32, #tpu.memory_space<vmem_shared>> -> memref<10000x128xf32, #tpu.memory_space<vmem_shared>>
        tpu.enqueue_indirect_dma source(%arg13 : memref<128x128xf32, #tpu.memory_space<vmem>>) target(%dma_start3A_314 : memref<10000x128xf32, #tpu.memory_space<vmem_shared>>) offsets(%dma_start3A_311 : memref<128xi32, #tpu.memory_space<vmem>>) semaphore(%arg18 : memref<!tpu.dma_semaphore, #tpu.memory_space<semaphore_mem>>) {add = true}
      } else {
      }
      %mul3A_196 = arith.constant 8 : i32
      %mul3A_197 = arith.muli %scan3A_145, %mul3A_196 : i32
      %add3A_198 = arith.addi %add3A_17, %mul3A_197 : i32
      %add3A_199 = arith.constant 5 : i32
      %add3A_200 = arith.addi %add3A_198, %add3A_199 : i32
      %lt3A_201 = arith.constant 2500 : i32
      %lt3A_202 = arith.cmpi slt, %add3A_200, %lt3A_201 : i32
      %convert_element_type3A_203 = arith.extui %lt3A_202 : i1 to i32
      %cond3A_204 = arith.constant 0 : i32
      %cond3A_205 = arith.cmpi ne, %convert_element_type3A_203, %cond3A_204 : i32
      scf.if %cond3A_205 {
        %mul3A_306 = arith.constant 8 : i32
        %mul3A_307 = arith.muli %scan3A_145, %mul3A_306 : i32
        %add3A_308 = arith.constant 5 : i32
        %add3A_309 = arith.addi %mul3A_307, %add3A_308 : i32
        %dma_start3A = arith.constant 0 : i32
        %dma_start3A_310 = tpu.memref_slice %arg12[%add3A_309, %dma_start3A] : memref<40x128xi32, #tpu.memory_space<vmem>> -> memref<1x128xi32, #tpu.memory_space<vmem>>
        %dma_start3A_311 = tpu.memref_squeeze %dma_start3A_310 : memref<1x128xi32, #tpu.memory_space<vmem>> -> memref<128xi32, #tpu.memory_space<vmem>>
        %dma_start3A_312 = arith.constant 0 : i32
        %dma_start3A_313 = arith.constant 0 : i32
        %dma_start3A_314 = tpu.memref_slice %arg15[%dma_start3A_312, %dma_start3A_313] : memref<10000x128xf32, #tpu.memory_space<vmem_shared>> -> memref<10000x128xf32, #tpu.memory_space<vmem_shared>>
        tpu.enqueue_indirect_dma source(%arg13 : memref<128x128xf32, #tpu.memory_space<vmem>>) target(%dma_start3A_314 : memref<10000x128xf32, #tpu.memory_space<vmem_shared>>) offsets(%dma_start3A_311 : memref<128xi32, #tpu.memory_space<vmem>>) semaphore(%arg18 : memref<!tpu.dma_semaphore, #tpu.memory_space<semaphore_mem>>) {add = true}
      } else {
      }
      %mul3A_206 = arith.constant 8 : i32
      %mul3A_207 = arith.muli %scan3A_145, %mul3A_206 : i32
      %add3A_208 = arith.addi %add3A_17, %mul3A_207 : i32
      %add3A_209 = arith.constant 6 : i32
      %add3A_210 = arith.addi %add3A_208, %add3A_209 : i32
      %lt3A_211 = arith.constant 2500 : i32
      %lt3A_212 = arith.cmpi slt, %add3A_210, %lt3A_211 : i32
      %convert_element_type3A_213 = arith.extui %lt3A_212 : i1 to i32
      %cond3A_214 = arith.constant 0 : i32
      %cond3A_215 = arith.cmpi ne, %convert_element_type3A_213, %cond3A_214 : i32
      scf.if %cond3A_215 {
        %mul3A_306 = arith.constant 8 : i32
        %mul3A_307 = arith.muli %scan3A_145, %mul3A_306 : i32
        %add3A_308 = arith.constant 6 : i32
        %add3A_309 = arith.addi %mul3A_307, %add3A_308 : i32
        %dma_start3A = arith.constant 0 : i32
        %dma_start3A_310 = tpu.memref_slice %arg12[%add3A_309, %dma_start3A] : memref<40x128xi32, #tpu.memory_space<vmem>> -> memref<1x128xi32, #tpu.memory_space<vmem>>
        %dma_start3A_311 = tpu.memref_squeeze %dma_start3A_310 : memref<1x128xi32, #tpu.memory_space<vmem>> -> memref<128xi32, #tpu.memory_space<vmem>>
        %dma_start3A_312 = arith.constant 0 : i32
        %dma_start3A_313 = arith.constant 0 : i32
        %dma_start3A_314 = tpu.memref_slice %arg15[%dma_start3A_312, %dma_start3A_313] : memref<10000x128xf32, #tpu.memory_space<vmem_shared>> -> memref<10000x128xf32, #tpu.memory_space<vmem_shared>>
        tpu.enqueue_indirect_dma source(%arg13 : memref<128x128xf32, #tpu.memory_space<vmem>>) target(%dma_start3A_314 : memref<10000x128xf32, #tpu.memory_space<vmem_shared>>) offsets(%dma_start3A_311 : memref<128xi32, #tpu.memory_space<vmem>>) semaphore(%arg18 : memref<!tpu.dma_semaphore, #tpu.memory_space<semaphore_mem>>) {add = true}
      } else {
      }
      %mul3A_216 = arith.constant 8 : i32
      %mul3A_217 = arith.muli %scan3A_145, %mul3A_216 : i32
      %add3A_218 = arith.addi %add3A_17, %mul3A_217 : i32
      %add3A_219 = arith.constant 7 : i32
      %add3A_220 = arith.addi %add3A_218, %add3A_219 : i32
      %lt3A_221 = arith.constant 2500 : i32
      %lt3A_222 = arith.cmpi slt, %add3A_220, %lt3A_221 : i32
      %convert_element_type3A_223 = arith.extui %lt3A_222 : i1 to i32
      %cond3A_224 = arith.constant 0 : i32
      %cond3A_225 = arith.cmpi ne, %convert_element_type3A_223, %cond3A_224 : i32
      scf.if %cond3A_225 {
        %mul3A_306 = arith.constant 8 : i32
        %mul3A_307 = arith.muli %scan3A_145, %mul3A_306 : i32
        %add3A_308 = arith.constant 7 : i32
        %add3A_309 = arith.addi %mul3A_307, %add3A_308 : i32
        %dma_start3A = arith.constant 0 : i32
        %dma_start3A_310 = tpu.memref_slice %arg12[%add3A_309, %dma_start3A] : memref<40x128xi32, #tpu.memory_space<vmem>> -> memref<1x128xi32, #tpu.memory_space<vmem>>
        %dma_start3A_311 = tpu.memref_squeeze %dma_start3A_310 : memref<1x128xi32, #tpu.memory_space<vmem>> -> memref<128xi32, #tpu.memory_space<vmem>>
        %dma_start3A_312 = arith.constant 0 : i32
        %dma_start3A_313 = arith.constant 0 : i32
        %dma_start3A_314 = tpu.memref_slice %arg15[%dma_start3A_312, %dma_start3A_313] : memref<10000x128xf32, #tpu.memory_space<vmem_shared>> -> memref<10000x128xf32, #tpu.memory_space<vmem_shared>>
        tpu.enqueue_indirect_dma source(%arg13 : memref<128x128xf32, #tpu.memory_space<vmem>>) target(%dma_start3A_314 : memref<10000x128xf32, #tpu.memory_space<vmem_shared>>) offsets(%dma_start3A_311 : memref<128xi32, #tpu.memory_space<vmem>>) semaphore(%arg18 : memref<!tpu.dma_semaphore, #tpu.memory_space<semaphore_mem>>) {add = true}
      } else {
      }
      %mul3A_226 = arith.constant 8 : i32
      %mul3A_227 = arith.muli %scan3A_145, %mul3A_226 : i32
      %add3A_228 = arith.addi %add3A_17, %mul3A_227 : i32
      %add3A_229 = arith.constant 0 : i32
      %add3A_230 = arith.addi %add3A_228, %add3A_229 : i32
      %lt3A_231 = arith.constant 2500 : i32
      %lt3A_232 = arith.cmpi slt, %add3A_230, %lt3A_231 : i32
      %convert_element_type3A_233 = arith.extui %lt3A_232 : i1 to i32
      %cond3A_234 = arith.constant 0 : i32
      %cond3A_235 = arith.cmpi ne, %convert_element_type3A_233, %cond3A_234 : i32
      scf.if %cond3A_235 {
        %mul3A_306 = arith.constant 8 : i32
        %mul3A_307 = arith.muli %scan3A_145, %mul3A_306 : i32
        %add3A_308 = arith.constant 0 : i32
        %add3A_309 = arith.addi %mul3A_307, %add3A_308 : i32
        %dma_wait3A = arith.constant 0 : i32
        %dma_wait3A_310 = tpu.memref_slice %arg12[%add3A_309, %dma_wait3A] : memref<40x128xi32, #tpu.memory_space<vmem>> -> memref<1x128xi32, #tpu.memory_space<vmem>>
        %dma_wait3A_311 = tpu.memref_squeeze %dma_wait3A_310 : memref<1x128xi32, #tpu.memory_space<vmem>> -> memref<128xi32, #tpu.memory_space<vmem>>
        %dma_wait3A_312 = arith.constant 0 : i32
        %dma_wait3A_313 = arith.constant 0 : i32
        %dma_wait3A_314 = tpu.memref_slice %arg15[%dma_wait3A_312, %dma_wait3A_313] : memref<10000x128xf32, #tpu.memory_space<vmem_shared>> -> memref<10000x128xf32, #tpu.memory_space<vmem_shared>>
        tpu.wait_indirect_dma semaphore(%arg18 : memref<!tpu.dma_semaphore, #tpu.memory_space<semaphore_mem>>) src(%arg13 : memref<128x128xf32, #tpu.memory_space<vmem>>) dst(%dma_wait3A_314 : memref<10000x128xf32, #tpu.memory_space<vmem_shared>>)
      } else {
      }
      %mul3A_236 = arith.constant 8 : i32
      %mul3A_237 = arith.muli %scan3A_145, %mul3A_236 : i32
      %add3A_238 = arith.addi %add3A_17, %mul3A_237 : i32
      %add3A_239 = arith.constant 1 : i32
      %add3A_240 = arith.addi %add3A_238, %add3A_239 : i32
      %lt3A_241 = arith.constant 2500 : i32
      %lt3A_242 = arith.cmpi slt, %add3A_240, %lt3A_241 : i32
      %convert_element_type3A_243 = arith.extui %lt3A_242 : i1 to i32
      %cond3A_244 = arith.constant 0 : i32
      %cond3A_245 = arith.cmpi ne, %convert_element_type3A_243, %cond3A_244 : i32
      scf.if %cond3A_245 {
        %mul3A_306 = arith.constant 8 : i32
        %mul3A_307 = arith.muli %scan3A_145, %mul3A_306 : i32
        %add3A_308 = arith.constant 1 : i32
        %add3A_309 = arith.addi %mul3A_307, %add3A_308 : i32
        %dma_wait3A = arith.constant 0 : i32
        %dma_wait3A_310 = tpu.memref_slice %arg12[%add3A_309, %dma_wait3A] : memref<40x128xi32, #tpu.memory_space<vmem>> -> memref<1x128xi32, #tpu.memory_space<vmem>>
        %dma_wait3A_311 = tpu.memref_squeeze %dma_wait3A_310 : memref<1x128xi32, #tpu.memory_space<vmem>> -> memref<128xi32, #tpu.memory_space<vmem>>
        %dma_wait3A_312 = arith.constant 0 : i32
        %dma_wait3A_313 = arith.constant 0 : i32
        %dma_wait3A_314 = tpu.memref_slice %arg15[%dma_wait3A_312, %dma_wait3A_313] : memref<10000x128xf32, #tpu.memory_space<vmem_shared>> -> memref<10000x128xf32, #tpu.memory_space<vmem_shared>>
        tpu.wait_indirect_dma semaphore(%arg18 : memref<!tpu.dma_semaphore, #tpu.memory_space<semaphore_mem>>) src(%arg13 : memref<128x128xf32, #tpu.memory_space<vmem>>) dst(%dma_wait3A_314 : memref<10000x128xf32, #tpu.memory_space<vmem_shared>>)
      } else {
      }
      %mul3A_246 = arith.constant 8 : i32
      %mul3A_247 = arith.muli %scan3A_145, %mul3A_246 : i32
      %add3A_248 = arith.addi %add3A_17, %mul3A_247 : i32
      %add3A_249 = arith.constant 2 : i32
      %add3A_250 = arith.addi %add3A_248, %add3A_249 : i32
      %lt3A_251 = arith.constant 2500 : i32
      %lt3A_252 = arith.cmpi slt, %add3A_250, %lt3A_251 : i32
      %convert_element_type3A_253 = arith.extui %lt3A_252 : i1 to i32
      %cond3A_254 = arith.constant 0 : i32
      %cond3A_255 = arith.cmpi ne, %convert_element_type3A_253, %cond3A_254 : i32
      scf.if %cond3A_255 {
        %mul3A_306 = arith.constant 8 : i32
        %mul3A_307 = arith.muli %scan3A_145, %mul3A_306 : i32
        %add3A_308 = arith.constant 2 : i32
        %add3A_309 = arith.addi %mul3A_307, %add3A_308 : i32
        %dma_wait3A = arith.constant 0 : i32
        %dma_wait3A_310 = tpu.memref_slice %arg12[%add3A_309, %dma_wait3A] : memref<40x128xi32, #tpu.memory_space<vmem>> -> memref<1x128xi32, #tpu.memory_space<vmem>>
        %dma_wait3A_311 = tpu.memref_squeeze %dma_wait3A_310 : memref<1x128xi32, #tpu.memory_space<vmem>> -> memref<128xi32, #tpu.memory_space<vmem>>
        %dma_wait3A_312 = arith.constant 0 : i32
        %dma_wait3A_313 = arith.constant 0 : i32
        %dma_wait3A_314 = tpu.memref_slice %arg15[%dma_wait3A_312, %dma_wait3A_313] : memref<10000x128xf32, #tpu.memory_space<vmem_shared>> -> memref<10000x128xf32, #tpu.memory_space<vmem_shared>>
        tpu.wait_indirect_dma semaphore(%arg18 : memref<!tpu.dma_semaphore, #tpu.memory_space<semaphore_mem>>) src(%arg13 : memref<128x128xf32, #tpu.memory_space<vmem>>) dst(%dma_wait3A_314 : memref<10000x128xf32, #tpu.memory_space<vmem_shared>>)
      } else {
      }
      %mul3A_256 = arith.constant 8 : i32
      %mul3A_257 = arith.muli %scan3A_145, %mul3A_256 : i32
      %add3A_258 = arith.addi %add3A_17, %mul3A_257 : i32
      %add3A_259 = arith.constant 3 : i32
      %add3A_260 = arith.addi %add3A_258, %add3A_259 : i32
      %lt3A_261 = arith.constant 2500 : i32
      %lt3A_262 = arith.cmpi slt, %add3A_260, %lt3A_261 : i32
      %convert_element_type3A_263 = arith.extui %lt3A_262 : i1 to i32
      %cond3A_264 = arith.constant 0 : i32
      %cond3A_265 = arith.cmpi ne, %convert_element_type3A_263, %cond3A_264 : i32
      scf.if %cond3A_265 {
        %mul3A_306 = arith.constant 8 : i32
        %mul3A_307 = arith.muli %scan3A_145, %mul3A_306 : i32
        %add3A_308 = arith.constant 3 : i32
        %add3A_309 = arith.addi %mul3A_307, %add3A_308 : i32
        %dma_wait3A = arith.constant 0 : i32
        %dma_wait3A_310 = tpu.memref_slice %arg12[%add3A_309, %dma_wait3A] : memref<40x128xi32, #tpu.memory_space<vmem>> -> memref<1x128xi32, #tpu.memory_space<vmem>>
        %dma_wait3A_311 = tpu.memref_squeeze %dma_wait3A_310 : memref<1x128xi32, #tpu.memory_space<vmem>> -> memref<128xi32, #tpu.memory_space<vmem>>
        %dma_wait3A_312 = arith.constant 0 : i32
        %dma_wait3A_313 = arith.constant 0 : i32
        %dma_wait3A_314 = tpu.memref_slice %arg15[%dma_wait3A_312, %dma_wait3A_313] : memref<10000x128xf32, #tpu.memory_space<vmem_shared>> -> memref<10000x128xf32, #tpu.memory_space<vmem_shared>>
        tpu.wait_indirect_dma semaphore(%arg18 : memref<!tpu.dma_semaphore, #tpu.memory_space<semaphore_mem>>) src(%arg13 : memref<128x128xf32, #tpu.memory_space<vmem>>) dst(%dma_wait3A_314 : memref<10000x128xf32, #tpu.memory_space<vmem_shared>>)
      } else {
      }
      %mul3A_266 = arith.constant 8 : i32
      %mul3A_267 = arith.muli %scan3A_145, %mul3A_266 : i32
      %add3A_268 = arith.addi %add3A_17, %mul3A_267 : i32
      %add3A_269 = arith.constant 4 : i32
      %add3A_270 = arith.addi %add3A_268, %add3A_269 : i32
      %lt3A_271 = arith.constant 2500 : i32
      %lt3A_272 = arith.cmpi slt, %add3A_270, %lt3A_271 : i32
      %convert_element_type3A_273 = arith.extui %lt3A_272 : i1 to i32
      %cond3A_274 = arith.constant 0 : i32
      %cond3A_275 = arith.cmpi ne, %convert_element_type3A_273, %cond3A_274 : i32
      scf.if %cond3A_275 {
        %mul3A_306 = arith.constant 8 : i32
        %mul3A_307 = arith.muli %scan3A_145, %mul3A_306 : i32
        %add3A_308 = arith.constant 4 : i32
        %add3A_309 = arith.addi %mul3A_307, %add3A_308 : i32
        %dma_wait3A = arith.constant 0 : i32
        %dma_wait3A_310 = tpu.memref_slice %arg12[%add3A_309, %dma_wait3A] : memref<40x128xi32, #tpu.memory_space<vmem>> -> memref<1x128xi32, #tpu.memory_space<vmem>>
        %dma_wait3A_311 = tpu.memref_squeeze %dma_wait3A_310 : memref<1x128xi32, #tpu.memory_space<vmem>> -> memref<128xi32, #tpu.memory_space<vmem>>
        %dma_wait3A_312 = arith.constant 0 : i32
        %dma_wait3A_313 = arith.constant 0 : i32
        %dma_wait3A_314 = tpu.memref_slice %arg15[%dma_wait3A_312, %dma_wait3A_313] : memref<10000x128xf32, #tpu.memory_space<vmem_shared>> -> memref<10000x128xf32, #tpu.memory_space<vmem_shared>>
        tpu.wait_indirect_dma semaphore(%arg18 : memref<!tpu.dma_semaphore, #tpu.memory_space<semaphore_mem>>) src(%arg13 : memref<128x128xf32, #tpu.memory_space<vmem>>) dst(%dma_wait3A_314 : memref<10000x128xf32, #tpu.memory_space<vmem_shared>>)
      } else {
      }
      %mul3A_276 = arith.constant 8 : i32
      %mul3A_277 = arith.muli %scan3A_145, %mul3A_276 : i32
      %add3A_278 = arith.addi %add3A_17, %mul3A_277 : i32
      %add3A_279 = arith.constant 5 : i32
      %add3A_280 = arith.addi %add3A_278, %add3A_279 : i32
      %lt3A_281 = arith.constant 2500 : i32
      %lt3A_282 = arith.cmpi slt, %add3A_280, %lt3A_281 : i32
      %convert_element_type3A_283 = arith.extui %lt3A_282 : i1 to i32
      %cond3A_284 = arith.constant 0 : i32
      %cond3A_285 = arith.cmpi ne, %convert_element_type3A_283, %cond3A_284 : i32
      scf.if %cond3A_285 {
        %mul3A_306 = arith.constant 8 : i32
        %mul3A_307 = arith.muli %scan3A_145, %mul3A_306 : i32
        %add3A_308 = arith.constant 5 : i32
        %add3A_309 = arith.addi %mul3A_307, %add3A_308 : i32
        %dma_wait3A = arith.constant 0 : i32
        %dma_wait3A_310 = tpu.memref_slice %arg12[%add3A_309, %dma_wait3A] : memref<40x128xi32, #tpu.memory_space<vmem>> -> memref<1x128xi32, #tpu.memory_space<vmem>>
        %dma_wait3A_311 = tpu.memref_squeeze %dma_wait3A_310 : memref<1x128xi32, #tpu.memory_space<vmem>> -> memref<128xi32, #tpu.memory_space<vmem>>
        %dma_wait3A_312 = arith.constant 0 : i32
        %dma_wait3A_313 = arith.constant 0 : i32
        %dma_wait3A_314 = tpu.memref_slice %arg15[%dma_wait3A_312, %dma_wait3A_313] : memref<10000x128xf32, #tpu.memory_space<vmem_shared>> -> memref<10000x128xf32, #tpu.memory_space<vmem_shared>>
        tpu.wait_indirect_dma semaphore(%arg18 : memref<!tpu.dma_semaphore, #tpu.memory_space<semaphore_mem>>) src(%arg13 : memref<128x128xf32, #tpu.memory_space<vmem>>) dst(%dma_wait3A_314 : memref<10000x128xf32, #tpu.memory_space<vmem_shared>>)
      } else {
      }
      %mul3A_286 = arith.constant 8 : i32
      %mul3A_287 = arith.muli %scan3A_145, %mul3A_286 : i32
      %add3A_288 = arith.addi %add3A_17, %mul3A_287 : i32
      %add3A_289 = arith.constant 6 : i32
      %add3A_290 = arith.addi %add3A_288, %add3A_289 : i32
      %lt3A_291 = arith.constant 2500 : i32
      %lt3A_292 = arith.cmpi slt, %add3A_290, %lt3A_291 : i32
      %convert_element_type3A_293 = arith.extui %lt3A_292 : i1 to i32
      %cond3A_294 = arith.constant 0 : i32
      %cond3A_295 = arith.cmpi ne, %convert_element_type3A_293, %cond3A_294 : i32
      scf.if %cond3A_295 {
        %mul3A_306 = arith.constant 8 : i32
        %mul3A_307 = arith.muli %scan3A_145, %mul3A_306 : i32
        %add3A_308 = arith.constant 6 : i32
        %add3A_309 = arith.addi %mul3A_307, %add3A_308 : i32
        %dma_wait3A = arith.constant 0 : i32
        %dma_wait3A_310 = tpu.memref_slice %arg12[%add3A_309, %dma_wait3A] : memref<40x128xi32, #tpu.memory_space<vmem>> -> memref<1x128xi32, #tpu.memory_space<vmem>>
        %dma_wait3A_311 = tpu.memref_squeeze %dma_wait3A_310 : memref<1x128xi32, #tpu.memory_space<vmem>> -> memref<128xi32, #tpu.memory_space<vmem>>
        %dma_wait3A_312 = arith.constant 0 : i32
        %dma_wait3A_313 = arith.constant 0 : i32
        %dma_wait3A_314 = tpu.memref_slice %arg15[%dma_wait3A_312, %dma_wait3A_313] : memref<10000x128xf32, #tpu.memory_space<vmem_shared>> -> memref<10000x128xf32, #tpu.memory_space<vmem_shared>>
        tpu.wait_indirect_dma semaphore(%arg18 : memref<!tpu.dma_semaphore, #tpu.memory_space<semaphore_mem>>) src(%arg13 : memref<128x128xf32, #tpu.memory_space<vmem>>) dst(%dma_wait3A_314 : memref<10000x128xf32, #tpu.memory_space<vmem_shared>>)
      } else {
      }
      %mul3A_296 = arith.constant 8 : i32
      %mul3A_297 = arith.muli %scan3A_145, %mul3A_296 : i32
      %add3A_298 = arith.addi %add3A_17, %mul3A_297 : i32
      %add3A_299 = arith.constant 7 : i32
      %add3A_300 = arith.addi %add3A_298, %add3A_299 : i32
      %lt3A_301 = arith.constant 2500 : i32
      %lt3A_302 = arith.cmpi slt, %add3A_300, %lt3A_301 : i32
      %convert_element_type3A_303 = arith.extui %lt3A_302 : i1 to i32
      %cond3A_304 = arith.constant 0 : i32
      %cond3A_305 = arith.cmpi ne, %convert_element_type3A_303, %cond3A_304 : i32
      scf.if %cond3A_305 {
        %mul3A_306 = arith.constant 8 : i32
        %mul3A_307 = arith.muli %scan3A_145, %mul3A_306 : i32
        %add3A_308 = arith.constant 7 : i32
        %add3A_309 = arith.addi %mul3A_307, %add3A_308 : i32
        %dma_wait3A = arith.constant 0 : i32
        %dma_wait3A_310 = tpu.memref_slice %arg12[%add3A_309, %dma_wait3A] : memref<40x128xi32, #tpu.memory_space<vmem>> -> memref<1x128xi32, #tpu.memory_space<vmem>>
        %dma_wait3A_311 = tpu.memref_squeeze %dma_wait3A_310 : memref<1x128xi32, #tpu.memory_space<vmem>> -> memref<128xi32, #tpu.memory_space<vmem>>
        %dma_wait3A_312 = arith.constant 0 : i32
        %dma_wait3A_313 = arith.constant 0 : i32
        %dma_wait3A_314 = tpu.memref_slice %arg15[%dma_wait3A_312, %dma_wait3A_313] : memref<10000x128xf32, #tpu.memory_space<vmem_shared>> -> memref<10000x128xf32, #tpu.memory_space<vmem_shared>>
        tpu.wait_indirect_dma semaphore(%arg18 : memref<!tpu.dma_semaphore, #tpu.memory_space<semaphore_mem>>) src(%arg13 : memref<128x128xf32, #tpu.memory_space<vmem>>) dst(%dma_wait3A_314 : memref<10000x128xf32, #tpu.memory_space<vmem_shared>>)
      } else {
      }
    }
    %scan3A_23 = arith.constant 5 : i32
    %barrier3A_24 = arith.constant 0 : index
    tpu.barrier barrier_id(%barrier3A_24)
    %eq3A_25 = arith.constant 0 : i32
    %eq3A_26 = arith.cmpi eq, %arg0, %eq3A_25 : i32
    %lt3A_27 = arith.constant 15 : i32
    %lt3A_28 = arith.cmpi slt, %arg1, %lt3A_27 : i32
    %and3A = arith.andi %eq3A_26, %lt3A_28 : i1
    %convert_element_type3A_29 = arith.extui %and3A : i1 to i32
    %cond3A_30 = arith.constant 0 : i32
    %cond3A_31 = arith.cmpi ne, %convert_element_type3A_29, %cond3A_30 : i32
    scf.if %cond3A_31 {
      %mul3A_145 = arith.constant 624 : i32
      %mul3A_146 = arith.muli %arg1, %mul3A_145 : i32
      %mul3A_147 = arith.constant 624 : i32
      %mul3A_148 = arith.muli %arg1, %mul3A_147 : i32
      "tpu.region"() ({
        %run_scoped3A = tpu.sem_alloc : memref<!tpu.dma_semaphore, #tpu.memory_space<semaphore_mem>>
        %dma_start3A = arith.constant 0 : i32
        %dma_start3A_149 = tpu.memref_slice %arg9[%mul3A_148, %dma_start3A] : memref<10000x128xf32, #tpu.memory_space<hbm>> -> memref<624x128xf32, #tpu.memory_space<hbm>>
        %dma_start3A_150 = arith.constant 0 : i32
        %dma_start3A_151 = tpu.memref_slice %arg15[%mul3A_146, %dma_start3A_150] : memref<10000x128xf32, #tpu.memory_space<vmem_shared>> -> memref<624x128xf32, #tpu.memory_space<vmem_shared>>
        tpu.enqueue_dma source(%dma_start3A_151 : memref<624x128xf32, #tpu.memory_space<vmem_shared>>) target(%dma_start3A_149 : memref<624x128xf32, #tpu.memory_space<hbm>>) target_semaphore(%run_scoped3A : memref<!tpu.dma_semaphore, #tpu.memory_space<semaphore_mem>>)
        %dma_wait3A = arith.constant 0 : i32
        %dma_wait3A_152 = tpu.memref_slice %arg9[%mul3A_148, %dma_wait3A] : memref<10000x128xf32, #tpu.memory_space<hbm>> -> memref<624x128xf32, #tpu.memory_space<hbm>>
        %dma_wait3A_153 = arith.constant 0 : i32
        %dma_wait3A_154 = tpu.memref_slice %arg15[%mul3A_146, %dma_wait3A_153] : memref<10000x128xf32, #tpu.memory_space<vmem_shared>> -> memref<624x128xf32, #tpu.memory_space<vmem_shared>>
        tpu.wait_dma2 semaphore(%run_scoped3A : memref<!tpu.dma_semaphore, #tpu.memory_space<semaphore_mem>>) src(%dma_wait3A_154 : memref<624x128xf32, #tpu.memory_space<vmem_shared>>) dst(%dma_wait3A_152 : memref<624x128xf32, #tpu.memory_space<hbm>>)
        tpu.yield
      }) : () -> ()
    } else {
    }
    %eq3A_32 = arith.constant 0 : i32
    %eq3A_33 = arith.cmpi eq, %arg0, %eq3A_32 : i32
    %eq3A_34 = arith.constant 15 : i32
    %eq3A_35 = arith.cmpi eq, %arg1, %eq3A_34 : i32
    %and3A_36 = arith.andi %eq3A_33, %eq3A_35 : i1
    %convert_element_type3A_37 = arith.extui %and3A_36 : i1 to i32
    %cond3A_38 = arith.constant 0 : i32
    %cond3A_39 = arith.cmpi ne, %convert_element_type3A_37, %cond3A_38 : i32
    scf.if %cond3A_39 {
      "tpu.region"() ({
        %run_scoped3A = tpu.sem_alloc : memref<!tpu.dma_semaphore, #tpu.memory_space<semaphore_mem>>
        %dma_start3A = arith.constant 9360 : i32
        %dma_start3A_145 = arith.constant 0 : i32
        %dma_start3A_146 = tpu.memref_slice %arg9[%dma_start3A, %dma_start3A_145] : memref<10000x128xf32, #tpu.memory_space<hbm>> -> memref<640x128xf32, #tpu.memory_space<hbm>>
        %dma_start3A_147 = arith.constant 9360 : i32
        %dma_start3A_148 = arith.constant 0 : i32
        %dma_start3A_149 = tpu.memref_slice %arg15[%dma_start3A_147, %dma_start3A_148] : memref<10000x128xf32, #tpu.memory_space<vmem_shared>> -> memref<640x128xf32, #tpu.memory_space<vmem_shared>>
        tpu.enqueue_dma source(%dma_start3A_149 : memref<640x128xf32, #tpu.memory_space<vmem_shared>>) target(%dma_start3A_146 : memref<640x128xf32, #tpu.memory_space<hbm>>) target_semaphore(%run_scoped3A : memref<!tpu.dma_semaphore, #tpu.memory_space<semaphore_mem>>)
        %dma_wait3A = arith.constant 9360 : i32
        %dma_wait3A_150 = arith.constant 0 : i32
        %dma_wait3A_151 = tpu.memref_slice %arg9[%dma_wait3A, %dma_wait3A_150] : memref<10000x128xf32, #tpu.memory_space<hbm>> -> memref<640x128xf32, #tpu.memory_space<hbm>>
        %dma_wait3A_152 = arith.constant 9360 : i32
        %dma_wait3A_153 = arith.constant 0 : i32
        %dma_wait3A_154 = tpu.memref_slice %arg15[%dma_wait3A_152, %dma_wait3A_153] : memref<10000x128xf32, #tpu.memory_space<vmem_shared>> -> memref<640x128xf32, #tpu.memory_space<vmem_shared>>
        tpu.wait_dma2 semaphore(%run_scoped3A : memref<!tpu.dma_semaphore, #tpu.memory_space<semaphore_mem>>) src(%dma_wait3A_154 : memref<640x128xf32, #tpu.memory_space<vmem_shared>>) dst(%dma_wait3A_151 : memref<640x128xf32, #tpu.memory_space<hbm>>)
        tpu.yield
      }) : () -> ()
    } else {
    }
    %eq3A_40 = arith.constant 1 : i32
    %eq3A_41 = arith.cmpi eq, %arg0, %eq3A_40 : i32
    %lt3A_42 = arith.constant 15 : i32
    %lt3A_43 = arith.cmpi slt, %arg1, %lt3A_42 : i32
    %and3A_44 = arith.andi %eq3A_41, %lt3A_43 : i1
    %convert_element_type3A_45 = arith.extui %and3A_44 : i1 to i32
    %cond3A_46 = arith.constant 0 : i32
    %cond3A_47 = arith.cmpi ne, %convert_element_type3A_45, %cond3A_46 : i32
    scf.if %cond3A_47 {
      %mul3A_145 = arith.constant 624 : i32
      %mul3A_146 = arith.muli %arg1, %mul3A_145 : i32
      %mul3A_147 = arith.constant 624 : i32
      %mul3A_148 = arith.muli %arg1, %mul3A_147 : i32
      "tpu.region"() ({
        %run_scoped3A = tpu.sem_alloc : memref<!tpu.dma_semaphore, #tpu.memory_space<semaphore_mem>>
        %dma_start3A = arith.constant 0 : i32
        %dma_start3A_149 = tpu.memref_slice %arg10[%mul3A_148, %dma_start3A] : memref<10000x128xf32, #tpu.memory_space<hbm>> -> memref<624x128xf32, #tpu.memory_space<hbm>>
        %dma_start3A_150 = arith.constant 0 : i32
        %dma_start3A_151 = tpu.memref_slice %arg15[%mul3A_146, %dma_start3A_150] : memref<10000x128xf32, #tpu.memory_space<vmem_shared>> -> memref<624x128xf32, #tpu.memory_space<vmem_shared>>
        tpu.enqueue_dma source(%dma_start3A_151 : memref<624x128xf32, #tpu.memory_space<vmem_shared>>) target(%dma_start3A_149 : memref<624x128xf32, #tpu.memory_space<hbm>>) target_semaphore(%run_scoped3A : memref<!tpu.dma_semaphore, #tpu.memory_space<semaphore_mem>>)
        %dma_wait3A = arith.constant 0 : i32
        %dma_wait3A_152 = tpu.memref_slice %arg10[%mul3A_148, %dma_wait3A] : memref<10000x128xf32, #tpu.memory_space<hbm>> -> memref<624x128xf32, #tpu.memory_space<hbm>>
        %dma_wait3A_153 = arith.constant 0 : i32
        %dma_wait3A_154 = tpu.memref_slice %arg15[%mul3A_146, %dma_wait3A_153] : memref<10000x128xf32, #tpu.memory_space<vmem_shared>> -> memref<624x128xf32, #tpu.memory_space<vmem_shared>>
        tpu.wait_dma2 semaphore(%run_scoped3A : memref<!tpu.dma_semaphore, #tpu.memory_space<semaphore_mem>>) src(%dma_wait3A_154 : memref<624x128xf32, #tpu.memory_space<vmem_shared>>) dst(%dma_wait3A_152 : memref<624x128xf32, #tpu.memory_space<hbm>>)
        tpu.yield
      }) : () -> ()
    } else {
    }
    %eq3A_48 = arith.constant 1 : i32
    %eq3A_49 = arith.cmpi eq, %arg0, %eq3A_48 : i32
    %eq3A_50 = arith.constant 15 : i32
    %eq3A_51 = arith.cmpi eq, %arg1, %eq3A_50 : i32
    %and3A_52 = arith.andi %eq3A_49, %eq3A_51 : i1
    %convert_element_type3A_53 = arith.extui %and3A_52 : i1 to i32
    %cond3A_54 = arith.constant 0 : i32
    %cond3A_55 = arith.cmpi ne, %convert_element_type3A_53, %cond3A_54 : i32
    scf.if %cond3A_55 {
      "tpu.region"() ({
        %run_scoped3A = tpu.sem_alloc : memref<!tpu.dma_semaphore, #tpu.memory_space<semaphore_mem>>
        %dma_start3A = arith.constant 9360 : i32
        %dma_start3A_145 = arith.constant 0 : i32
        %dma_start3A_146 = tpu.memref_slice %arg10[%dma_start3A, %dma_start3A_145] : memref<10000x128xf32, #tpu.memory_space<hbm>> -> memref<640x128xf32, #tpu.memory_space<hbm>>
        %dma_start3A_147 = arith.constant 9360 : i32
        %dma_start3A_148 = arith.constant 0 : i32
        %dma_start3A_149 = tpu.memref_slice %arg15[%dma_start3A_147, %dma_start3A_148] : memref<10000x128xf32, #tpu.memory_space<vmem_shared>> -> memref<640x128xf32, #tpu.memory_space<vmem_shared>>
        tpu.enqueue_dma source(%dma_start3A_149 : memref<640x128xf32, #tpu.memory_space<vmem_shared>>) target(%dma_start3A_146 : memref<640x128xf32, #tpu.memory_space<hbm>>) target_semaphore(%run_scoped3A : memref<!tpu.dma_semaphore, #tpu.memory_space<semaphore_mem>>)
        %dma_wait3A = arith.constant 9360 : i32
        %dma_wait3A_150 = arith.constant 0 : i32
        %dma_wait3A_151 = tpu.memref_slice %arg10[%dma_wait3A, %dma_wait3A_150] : memref<10000x128xf32, #tpu.memory_space<hbm>> -> memref<640x128xf32, #tpu.memory_space<hbm>>
        %dma_wait3A_152 = arith.constant 9360 : i32
        %dma_wait3A_153 = arith.constant 0 : i32
        %dma_wait3A_154 = tpu.memref_slice %arg15[%dma_wait3A_152, %dma_wait3A_153] : memref<10000x128xf32, #tpu.memory_space<vmem_shared>> -> memref<640x128xf32, #tpu.memory_space<vmem_shared>>
        tpu.wait_dma2 semaphore(%run_scoped3A : memref<!tpu.dma_semaphore, #tpu.memory_space<semaphore_mem>>) src(%dma_wait3A_154 : memref<640x128xf32, #tpu.memory_space<vmem_shared>>) dst(%dma_wait3A_151 : memref<640x128xf32, #tpu.memory_space<hbm>>)
        tpu.yield
      }) : () -> ()
    } else {
    }
    %barrier3A_56 = arith.constant 0 : index
    tpu.barrier barrier_id(%barrier3A_56)
    %lt3A_57 = arith.constant 15 : i32
    %lt3A_58 = arith.cmpi slt, %arg1, %lt3A_57 : i32
    %convert_element_type3A_59 = arith.extui %lt3A_58 : i1 to i32
    %cond3A_60 = arith.constant 0 : i32
    %cond3A_61 = arith.cmpi ne, %convert_element_type3A_59, %cond3A_60 : i32
    scf.if %cond3A_61 {
      %mul3A_145 = arith.constant 624 : i32
      %mul3A_146 = arith.muli %arg1, %mul3A_145 : i32
      "tpu.region"() ({
        %run_scoped3A = tpu.sem_alloc : memref<!tpu.dma_semaphore, #tpu.memory_space<semaphore_mem>>
        %dma_start3A = arith.constant 0 : i32
        %dma_start3A_147 = tpu.memref_slice %arg15[%mul3A_146, %dma_start3A] : memref<10000x128xf32, #tpu.memory_space<vmem_shared>> -> memref<624x128xf32, #tpu.memory_space<vmem_shared>>
        %dma_start3A_148 = arith.constant 0 : i32
        %dma_start3A_149 = arith.constant 0 : i32
        %dma_start3A_150 = tpu.memref_slice %arg5[%dma_start3A_148, %dma_start3A_149] : memref<640x128xf32, #tpu.memory_space<hbm>> -> memref<624x128xf32, #tpu.memory_space<hbm>>
        tpu.enqueue_dma source(%dma_start3A_150 : memref<624x128xf32, #tpu.memory_space<hbm>>) target(%dma_start3A_147 : memref<624x128xf32, #tpu.memory_space<vmem_shared>>) target_semaphore(%run_scoped3A : memref<!tpu.dma_semaphore, #tpu.memory_space<semaphore_mem>>)
        %dma_wait3A = arith.constant 0 : i32
        %dma_wait3A_151 = tpu.memref_slice %arg15[%mul3A_146, %dma_wait3A] : memref<10000x128xf32, #tpu.memory_space<vmem_shared>> -> memref<624x128xf32, #tpu.memory_space<vmem_shared>>
        %dma_wait3A_152 = arith.constant 0 : i32
        %dma_wait3A_153 = arith.constant 0 : i32
        %dma_wait3A_154 = tpu.memref_slice %arg5[%dma_wait3A_152, %dma_wait3A_153] : memref<640x128xf32, #tpu.memory_space<hbm>> -> memref<624x128xf32, #tpu.memory_space<hbm>>
        tpu.wait_dma2 semaphore(%run_scoped3A : memref<!tpu.dma_semaphore, #tpu.memory_space<semaphore_mem>>) src(%dma_wait3A_154 : memref<624x128xf32, #tpu.memory_space<hbm>>) dst(%dma_wait3A_151 : memref<624x128xf32, #tpu.memory_space<vmem_shared>>)
        tpu.yield
      }) : () -> ()
    } else {
    }
    %eq3A_62 = arith.constant 15 : i32
    %eq3A_63 = arith.cmpi eq, %arg1, %eq3A_62 : i32
    %convert_element_type3A_64 = arith.extui %eq3A_63 : i1 to i32
    %cond3A_65 = arith.constant 0 : i32
    %cond3A_66 = arith.cmpi ne, %convert_element_type3A_64, %cond3A_65 : i32
    scf.if %cond3A_66 {
      "tpu.region"() ({
        %run_scoped3A = tpu.sem_alloc : memref<!tpu.dma_semaphore, #tpu.memory_space<semaphore_mem>>
        %dma_start3A = arith.constant 9360 : i32
        %dma_start3A_145 = arith.constant 0 : i32
        %dma_start3A_146 = tpu.memref_slice %arg15[%dma_start3A, %dma_start3A_145] : memref<10000x128xf32, #tpu.memory_space<vmem_shared>> -> memref<640x128xf32, #tpu.memory_space<vmem_shared>>
        tpu.enqueue_dma source(%arg5 : memref<640x128xf32, #tpu.memory_space<hbm>>) target(%dma_start3A_146 : memref<640x128xf32, #tpu.memory_space<vmem_shared>>) target_semaphore(%run_scoped3A : memref<!tpu.dma_semaphore, #tpu.memory_space<semaphore_mem>>)
        %dma_wait3A = arith.constant 9360 : i32
        %dma_wait3A_147 = arith.constant 0 : i32
        %dma_wait3A_148 = tpu.memref_slice %arg15[%dma_wait3A, %dma_wait3A_147] : memref<10000x128xf32, #tpu.memory_space<vmem_shared>> -> memref<640x128xf32, #tpu.memory_space<vmem_shared>>
        tpu.wait_dma2 semaphore(%run_scoped3A : memref<!tpu.dma_semaphore, #tpu.memory_space<semaphore_mem>>) src(%arg5 : memref<640x128xf32, #tpu.memory_space<hbm>>) dst(%dma_wait3A_148 : memref<640x128xf32, #tpu.memory_space<vmem_shared>>)
        tpu.yield
      }) : () -> ()
    } else {
    }
    %barrier3A_67 = arith.constant 0 : index
    tpu.barrier barrier_id(%barrier3A_67)
    %add3A_68 = arith.constant 0 : i32
    %add3A_69 = arith.addi %mul3A_2, %add3A_68 : i32
    "tpu.region"() ({
      %run_scoped3A = tpu.sem_alloc : memref<!tpu.dma_semaphore, #tpu.memory_space<semaphore_mem>>
      %dma_start3A = arith.constant 0 : i32
      %dma_start3A_145 = tpu.memref_slice %arg3[%add3A_69, %dma_start3A] : memref<2560x128xi32, #tpu.memory_space<hbm>> -> memref<40x128xi32, #tpu.memory_space<hbm>>
      %dma_start3A_146 = arith.constant 0 : i32
      %dma_start3A_147 = tpu.memref_slice %arg3[%add3A_69, %dma_start3A_146] : memref<2560x128xi32, #tpu.memory_space<hbm>> -> memref<40x128xi32, #tpu.memory_space<hbm>>
      tpu.enqueue_dma source(%dma_start3A_147 : memref<40x128xi32, #tpu.memory_space<hbm>>) target(%arg11 : memref<40x128xi32, #tpu.memory_space<vmem>>) target_semaphore(%run_scoped3A : memref<!tpu.dma_semaphore, #tpu.memory_space<semaphore_mem>>)
      %dma_wait3A = arith.constant 0 : i32
      %dma_wait3A_148 = tpu.memref_slice %arg3[%add3A_69, %dma_wait3A] : memref<2560x128xi32, #tpu.memory_space<hbm>> -> memref<40x128xi32, #tpu.memory_space<hbm>>
      %dma_wait3A_149 = arith.constant 0 : i32
      %dma_wait3A_150 = tpu.memref_slice %arg3[%add3A_69, %dma_wait3A_149] : memref<2560x128xi32, #tpu.memory_space<hbm>> -> memref<40x128xi32, #tpu.memory_space<hbm>>
      tpu.wait_dma2 semaphore(%run_scoped3A : memref<!tpu.dma_semaphore, #tpu.memory_space<semaphore_mem>>) src(%dma_wait3A_150 : memref<40x128xi32, #tpu.memory_space<hbm>>) dst(%arg11 : memref<40x128xi32, #tpu.memory_space<vmem>>)
      tpu.yield
    }) : () -> ()
    "tpu.region"() ({
      %run_scoped3A = tpu.sem_alloc : memref<!tpu.dma_semaphore, #tpu.memory_space<semaphore_mem>>
      %dma_start3A = arith.constant 0 : i32
      %dma_start3A_145 = tpu.memref_slice %arg4[%add3A_69, %dma_start3A] : memref<2560x128xi32, #tpu.memory_space<hbm>> -> memref<40x128xi32, #tpu.memory_space<hbm>>
      %dma_start3A_146 = arith.constant 0 : i32
      %dma_start3A_147 = tpu.memref_slice %arg4[%add3A_69, %dma_start3A_146] : memref<2560x128xi32, #tpu.memory_space<hbm>> -> memref<40x128xi32, #tpu.memory_space<hbm>>
      tpu.enqueue_dma source(%dma_start3A_147 : memref<40x128xi32, #tpu.memory_space<hbm>>) target(%arg12 : memref<40x128xi32, #tpu.memory_space<vmem>>) target_semaphore(%run_scoped3A : memref<!tpu.dma_semaphore, #tpu.memory_space<semaphore_mem>>)
      %dma_wait3A = arith.constant 0 : i32
      %dma_wait3A_148 = tpu.memref_slice %arg4[%add3A_69, %dma_wait3A] : memref<2560x128xi32, #tpu.memory_space<hbm>> -> memref<40x128xi32, #tpu.memory_space<hbm>>
      %dma_wait3A_149 = arith.constant 0 : i32
      %dma_wait3A_150 = tpu.memref_slice %arg4[%add3A_69, %dma_wait3A_149] : memref<2560x128xi32, #tpu.memory_space<hbm>> -> memref<40x128xi32, #tpu.memory_space<hbm>>
      tpu.wait_dma2 semaphore(%run_scoped3A : memref<!tpu.dma_semaphore, #tpu.memory_space<semaphore_mem>>) src(%dma_wait3A_150 : memref<40x128xi32, #tpu.memory_space<hbm>>) dst(%arg12 : memref<40x128xi32, #tpu.memory_space<vmem>>)
      tpu.yield
    }) : () -> ()
    %add3A_70 = arith.constant 0 : i32
    %add3A_71 = arith.addi %add3A_69, %add3A_70 : i32
    %lt3A_72 = arith.constant 2500 : i32
    %lt3A_73 = arith.cmpi slt, %add3A_71, %lt3A_72 : i32
    %convert_element_type3A_74 = arith.extui %lt3A_73 : i1 to i32
    %cond3A_75 = arith.constant 0 : i32
    %cond3A_76 = arith.cmpi ne, %convert_element_type3A_74, %cond3A_75 : i32
    scf.if %cond3A_76 {
      %dma_start3A = arith.constant 0 : i32
      %dma_start3A_145 = arith.constant 0 : i32
      %dma_start3A_146 = tpu.memref_slice %arg11[%dma_start3A, %dma_start3A_145] : memref<40x128xi32, #tpu.memory_space<vmem>> -> memref<1x128xi32, #tpu.memory_space<vmem>>
      %dma_start3A_147 = tpu.memref_squeeze %dma_start3A_146 : memref<1x128xi32, #tpu.memory_space<vmem>> -> memref<128xi32, #tpu.memory_space<vmem>>
      %dma_start3A_148 = arith.constant 0 : i32
      %dma_start3A_149 = arith.constant 0 : i32
      %dma_start3A_150 = tpu.memref_slice %arg2[%dma_start3A_148, %dma_start3A_149] : memref<10000x128xf32, #tpu.memory_space<hbm>> -> memref<10000x128xf32, #tpu.memory_space<hbm>>
      tpu.enqueue_indirect_dma source(%dma_start3A_150 : memref<10000x128xf32, #tpu.memory_space<hbm>>) target(%arg13 : memref<128x128xf32, #tpu.memory_space<vmem>>) offsets(%dma_start3A_147 : memref<128xi32, #tpu.memory_space<vmem>>) semaphore(%arg16 : memref<!tpu.dma_semaphore, #tpu.memory_space<semaphore_mem>>)
    } else {
    }
    %scan3A_77 = arith.constant 0 : i32
    %scan3A_78 = arith.constant 0 : i32
    %scan3A_79 = arith.constant 20 : i32
    %scan3A_80 = arith.addi %scan3A_78, %scan3A_79 : i32
    %scan3A_81 = arith.constant 1 : i32
    scf.for %scan3A_145 = %scan3A_78 to %scan3A_80 step %scan3A_81  : i32 {
      %mul3A_146 = arith.constant 2 : i32
      %mul3A_147 = arith.muli %mul3A_146, %scan3A_145 : i32
      %mul3A_148 = arith.constant 2 : i32
      %mul3A_149 = arith.muli %mul3A_148, %scan3A_145 : i32
      %add3A_150 = arith.constant 1 : i32
      %add3A_151 = arith.addi %mul3A_149, %add3A_150 : i32
      %add3A_152 = arith.addi %add3A_69, %mul3A_147 : i32
      %lt3A_153 = arith.constant 2500 : i32
      %lt3A_154 = arith.cmpi slt, %add3A_152, %lt3A_153 : i32
      %convert_element_type3A_155 = arith.extui %lt3A_154 : i1 to i32
      %cond3A_156 = arith.constant 0 : i32
      %cond3A_157 = arith.cmpi ne, %convert_element_type3A_155, %cond3A_156 : i32
      scf.if %cond3A_157 {
        %dma_wait3A = arith.constant 0 : i32
        %dma_wait3A_208 = tpu.memref_slice %arg11[%mul3A_147, %dma_wait3A] : memref<40x128xi32, #tpu.memory_space<vmem>> -> memref<1x128xi32, #tpu.memory_space<vmem>>
        %dma_wait3A_209 = tpu.memref_squeeze %dma_wait3A_208 : memref<1x128xi32, #tpu.memory_space<vmem>> -> memref<128xi32, #tpu.memory_space<vmem>>
        %dma_wait3A_210 = arith.constant 0 : i32
        %dma_wait3A_211 = arith.constant 0 : i32
        %dma_wait3A_212 = tpu.memref_slice %arg2[%dma_wait3A_210, %dma_wait3A_211] : memref<10000x128xf32, #tpu.memory_space<hbm>> -> memref<10000x128xf32, #tpu.memory_space<hbm>>
        tpu.wait_indirect_dma semaphore(%arg16 : memref<!tpu.dma_semaphore, #tpu.memory_space<semaphore_mem>>) src(%dma_wait3A_212 : memref<10000x128xf32, #tpu.memory_space<hbm>>) dst(%arg13 : memref<128x128xf32, #tpu.memory_space<vmem>>)
      } else {
      }
      %add3A_158 = arith.addi %add3A_69, %mul3A_147 : i32
      %lt3A_159 = arith.constant 2500 : i32
      %lt3A_160 = arith.cmpi slt, %add3A_158, %lt3A_159 : i32
      %convert_element_type3A_161 = arith.extui %lt3A_160 : i1 to i32
      %cond3A_162 = arith.constant 0 : i32
      %cond3A_163 = arith.cmpi ne, %convert_element_type3A_161, %cond3A_162 : i32
      scf.if %cond3A_163 {
        %dma_start3A = arith.constant 0 : i32
        %dma_start3A_208 = tpu.memref_slice %arg12[%mul3A_147, %dma_start3A] : memref<40x128xi32, #tpu.memory_space<vmem>> -> memref<1x128xi32, #tpu.memory_space<vmem>>
        %dma_start3A_209 = tpu.memref_squeeze %dma_start3A_208 : memref<1x128xi32, #tpu.memory_space<vmem>> -> memref<128xi32, #tpu.memory_space<vmem>>
        %dma_start3A_210 = arith.constant 0 : i32
        %dma_start3A_211 = arith.constant 0 : i32
        %dma_start3A_212 = tpu.memref_slice %arg15[%dma_start3A_210, %dma_start3A_211] : memref<10000x128xf32, #tpu.memory_space<vmem_shared>> -> memref<10000x128xf32, #tpu.memory_space<vmem_shared>>
        tpu.enqueue_indirect_dma source(%arg13 : memref<128x128xf32, #tpu.memory_space<vmem>>) target(%dma_start3A_212 : memref<10000x128xf32, #tpu.memory_space<vmem_shared>>) offsets(%dma_start3A_209 : memref<128xi32, #tpu.memory_space<vmem>>) semaphore(%arg18 : memref<!tpu.dma_semaphore, #tpu.memory_space<semaphore_mem>>) {add = true}
      } else {
      }
      %gt3A = arith.constant 0 : i32
      %gt3A_164 = arith.cmpi sgt, %scan3A_145, %gt3A : i32
      %sub3A = arith.constant 2 : i32
      %sub3A_165 = arith.subi %add3A_151, %sub3A : i32
      %add3A_166 = arith.addi %add3A_69, %sub3A_165 : i32
      %lt3A_167 = arith.constant 2500 : i32
      %lt3A_168 = arith.cmpi slt, %add3A_166, %lt3A_167 : i32
      %and3A_169 = arith.andi %gt3A_164, %lt3A_168 : i1
      %convert_element_type3A_170 = arith.extui %and3A_169 : i1 to i32
      %cond3A_171 = arith.constant 0 : i32
      %cond3A_172 = arith.cmpi ne, %convert_element_type3A_170, %cond3A_171 : i32
      scf.if %cond3A_172 {
        %sub3A_208 = arith.constant 2 : i32
        %sub3A_209 = arith.subi %add3A_151, %sub3A_208 : i32
        %dma_wait3A = arith.constant 0 : i32
        %dma_wait3A_210 = tpu.memref_slice %arg12[%sub3A_209, %dma_wait3A] : memref<40x128xi32, #tpu.memory_space<vmem>> -> memref<1x128xi32, #tpu.memory_space<vmem>>
        %dma_wait3A_211 = tpu.memref_squeeze %dma_wait3A_210 : memref<1x128xi32, #tpu.memory_space<vmem>> -> memref<128xi32, #tpu.memory_space<vmem>>
        %dma_wait3A_212 = arith.constant 0 : i32
        %dma_wait3A_213 = arith.constant 0 : i32
        %dma_wait3A_214 = tpu.memref_slice %arg15[%dma_wait3A_212, %dma_wait3A_213] : memref<10000x128xf32, #tpu.memory_space<vmem_shared>> -> memref<10000x128xf32, #tpu.memory_space<vmem_shared>>
        tpu.wait_indirect_dma semaphore(%arg19 : memref<!tpu.dma_semaphore, #tpu.memory_space<semaphore_mem>>) src(%arg14 : memref<128x128xf32, #tpu.memory_space<vmem>>) dst(%dma_wait3A_214 : memref<10000x128xf32, #tpu.memory_space<vmem_shared>>)
      } else {
      }
      %add3A_173 = arith.addi %add3A_69, %add3A_151 : i32
      %lt3A_174 = arith.constant 2500 : i32
      %lt3A_175 = arith.cmpi slt, %add3A_173, %lt3A_174 : i32
      %convert_element_type3A_176 = arith.extui %lt3A_175 : i1 to i32
      %cond3A_177 = arith.constant 0 : i32
      %cond3A_178 = arith.cmpi ne, %convert_element_type3A_176, %cond3A_177 : i32
      scf.if %cond3A_178 {
        %dma_start3A = arith.constant 0 : i32
        %dma_start3A_208 = tpu.memref_slice %arg11[%add3A_151, %dma_start3A] : memref<40x128xi32, #tpu.memory_space<vmem>> -> memref<1x128xi32, #tpu.memory_space<vmem>>
        %dma_start3A_209 = tpu.memref_squeeze %dma_start3A_208 : memref<1x128xi32, #tpu.memory_space<vmem>> -> memref<128xi32, #tpu.memory_space<vmem>>
        %dma_start3A_210 = arith.constant 0 : i32
        %dma_start3A_211 = arith.constant 0 : i32
        %dma_start3A_212 = tpu.memref_slice %arg2[%dma_start3A_210, %dma_start3A_211] : memref<10000x128xf32, #tpu.memory_space<hbm>> -> memref<10000x128xf32, #tpu.memory_space<hbm>>
        tpu.enqueue_indirect_dma source(%dma_start3A_212 : memref<10000x128xf32, #tpu.memory_space<hbm>>) target(%arg14 : memref<128x128xf32, #tpu.memory_space<vmem>>) offsets(%dma_start3A_209 : memref<128xi32, #tpu.memory_space<vmem>>) semaphore(%arg17 : memref<!tpu.dma_semaphore, #tpu.memory_space<semaphore_mem>>)
      } else {
      }
      %add3A_179 = arith.addi %add3A_69, %add3A_151 : i32
      %lt3A_180 = arith.constant 2500 : i32
      %lt3A_181 = arith.cmpi slt, %add3A_179, %lt3A_180 : i32
      %convert_element_type3A_182 = arith.extui %lt3A_181 : i1 to i32
      %cond3A_183 = arith.constant 0 : i32
      %cond3A_184 = arith.cmpi ne, %convert_element_type3A_182, %cond3A_183 : i32
      scf.if %cond3A_184 {
        %dma_wait3A = arith.constant 0 : i32
        %dma_wait3A_208 = tpu.memref_slice %arg11[%add3A_151, %dma_wait3A] : memref<40x128xi32, #tpu.memory_space<vmem>> -> memref<1x128xi32, #tpu.memory_space<vmem>>
        %dma_wait3A_209 = tpu.memref_squeeze %dma_wait3A_208 : memref<1x128xi32, #tpu.memory_space<vmem>> -> memref<128xi32, #tpu.memory_space<vmem>>
        %dma_wait3A_210 = arith.constant 0 : i32
        %dma_wait3A_211 = arith.constant 0 : i32
        %dma_wait3A_212 = tpu.memref_slice %arg2[%dma_wait3A_210, %dma_wait3A_211] : memref<10000x128xf32, #tpu.memory_space<hbm>> -> memref<10000x128xf32, #tpu.memory_space<hbm>>
        tpu.wait_indirect_dma semaphore(%arg17 : memref<!tpu.dma_semaphore, #tpu.memory_space<semaphore_mem>>) src(%dma_wait3A_212 : memref<10000x128xf32, #tpu.memory_space<hbm>>) dst(%arg14 : memref<128x128xf32, #tpu.memory_space<vmem>>)
      } else {
      }
      %add3A_185 = arith.addi %add3A_69, %mul3A_147 : i32
      %lt3A_186 = arith.constant 2500 : i32
      %lt3A_187 = arith.cmpi slt, %add3A_185, %lt3A_186 : i32
      %convert_element_type3A_188 = arith.extui %lt3A_187 : i1 to i32
      %cond3A_189 = arith.constant 0 : i32
      %cond3A_190 = arith.cmpi ne, %convert_element_type3A_188, %cond3A_189 : i32
      scf.if %cond3A_190 {
        %dma_wait3A = arith.constant 0 : i32
        %dma_wait3A_208 = tpu.memref_slice %arg12[%mul3A_147, %dma_wait3A] : memref<40x128xi32, #tpu.memory_space<vmem>> -> memref<1x128xi32, #tpu.memory_space<vmem>>
        %dma_wait3A_209 = tpu.memref_squeeze %dma_wait3A_208 : memref<1x128xi32, #tpu.memory_space<vmem>> -> memref<128xi32, #tpu.memory_space<vmem>>
        %dma_wait3A_210 = arith.constant 0 : i32
        %dma_wait3A_211 = arith.constant 0 : i32
        %dma_wait3A_212 = tpu.memref_slice %arg15[%dma_wait3A_210, %dma_wait3A_211] : memref<10000x128xf32, #tpu.memory_space<vmem_shared>> -> memref<10000x128xf32, #tpu.memory_space<vmem_shared>>
        tpu.wait_indirect_dma semaphore(%arg18 : memref<!tpu.dma_semaphore, #tpu.memory_space<semaphore_mem>>) src(%arg13 : memref<128x128xf32, #tpu.memory_space<vmem>>) dst(%dma_wait3A_212 : memref<10000x128xf32, #tpu.memory_space<vmem_shared>>)
      } else {
      }
      %lt3A_191 = arith.constant 19 : i32
      %lt3A_192 = arith.cmpi slt, %scan3A_145, %lt3A_191 : i32
      %add3A_193 = arith.constant 2 : i32
      %add3A_194 = arith.addi %mul3A_147, %add3A_193 : i32
      %add3A_195 = arith.addi %add3A_69, %add3A_194 : i32
      %lt3A_196 = arith.constant 2500 : i32
      %lt3A_197 = arith.cmpi slt, %add3A_195, %lt3A_196 : i32
      %and3A_198 = arith.andi %lt3A_192, %lt3A_197 : i1
      %convert_element_type3A_199 = arith.extui %and3A_198 : i1 to i32
      %cond3A_200 = arith.constant 0 : i32
      %cond3A_201 = arith.cmpi ne, %convert_element_type3A_199, %cond3A_200 : i32
      scf.if %cond3A_201 {
        %add3A_208 = arith.constant 2 : i32
        %add3A_209 = arith.addi %mul3A_147, %add3A_208 : i32
        %dma_start3A = arith.constant 0 : i32
        %dma_start3A_210 = tpu.memref_slice %arg11[%add3A_209, %dma_start3A] : memref<40x128xi32, #tpu.memory_space<vmem>> -> memref<1x128xi32, #tpu.memory_space<vmem>>
        %dma_start3A_211 = tpu.memref_squeeze %dma_start3A_210 : memref<1x128xi32, #tpu.memory_space<vmem>> -> memref<128xi32, #tpu.memory_space<vmem>>
        %dma_start3A_212 = arith.constant 0 : i32
        %dma_start3A_213 = arith.constant 0 : i32
        %dma_start3A_214 = tpu.memref_slice %arg2[%dma_start3A_212, %dma_start3A_213] : memref<10000x128xf32, #tpu.memory_space<hbm>> -> memref<10000x128xf32, #tpu.memory_space<hbm>>
        tpu.enqueue_indirect_dma source(%dma_start3A_214 : memref<10000x128xf32, #tpu.memory_space<hbm>>) target(%arg13 : memref<128x128xf32, #tpu.memory_space<vmem>>) offsets(%dma_start3A_211 : memref<128xi32, #tpu.memory_space<vmem>>) semaphore(%arg16 : memref<!tpu.dma_semaphore, #tpu.memory_space<semaphore_mem>>)
      } else {
      }
      %add3A_202 = arith.addi %add3A_69, %add3A_151 : i32
      %lt3A_203 = arith.constant 2500 : i32
      %lt3A_204 = arith.cmpi slt, %add3A_202, %lt3A_203 : i32
      %convert_element_type3A_205 = arith.extui %lt3A_204 : i1 to i32
      %cond3A_206 = arith.constant 0 : i32
      %cond3A_207 = arith.cmpi ne, %convert_element_type3A_205, %cond3A_206 : i32
      scf.if %cond3A_207 {
        %dma_start3A = arith.constant 0 : i32
        %dma_start3A_208 = tpu.memref_slice %arg12[%add3A_151, %dma_start3A] : memref<40x128xi32, #tpu.memory_space<vmem>> -> memref<1x128xi32, #tpu.memory_space<vmem>>
        %dma_start3A_209 = tpu.memref_squeeze %dma_start3A_208 : memref<1x128xi32, #tpu.memory_space<vmem>> -> memref<128xi32, #tpu.memory_space<vmem>>
        %dma_start3A_210 = arith.constant 0 : i32
        %dma_start3A_211 = arith.constant 0 : i32
        %dma_start3A_212 = tpu.memref_slice %arg15[%dma_start3A_210, %dma_start3A_211] : memref<10000x128xf32, #tpu.memory_space<vmem_shared>> -> memref<10000x128xf32, #tpu.memory_space<vmem_shared>>
        tpu.enqueue_indirect_dma source(%arg14 : memref<128x128xf32, #tpu.memory_space<vmem>>) target(%dma_start3A_212 : memref<10000x128xf32, #tpu.memory_space<vmem_shared>>) offsets(%dma_start3A_209 : memref<128xi32, #tpu.memory_space<vmem>>) semaphore(%arg19 : memref<!tpu.dma_semaphore, #tpu.memory_space<semaphore_mem>>) {add = true}
      } else {
      }
    }
    %scan3A_82 = arith.constant 20 : i32
    %add3A_83 = arith.constant 39 : i32
    %add3A_84 = arith.addi %add3A_69, %add3A_83 : i32
    %lt3A_85 = arith.constant 2500 : i32
    %lt3A_86 = arith.cmpi slt, %add3A_84, %lt3A_85 : i32
    %convert_element_type3A_87 = arith.extui %lt3A_86 : i1 to i32
    %cond3A_88 = arith.constant 0 : i32
    %cond3A_89 = arith.cmpi ne, %convert_element_type3A_87, %cond3A_88 : i32
    scf.if %cond3A_89 {
      %dma_wait3A = arith.constant 39 : i32
      %dma_wait3A_145 = arith.constant 0 : i32
      %dma_wait3A_146 = tpu.memref_slice %arg12[%dma_wait3A, %dma_wait3A_145] : memref<40x128xi32, #tpu.memory_space<vmem>> -> memref<1x128xi32, #tpu.memory_space<vmem>>
      %dma_wait3A_147 = tpu.memref_squeeze %dma_wait3A_146 : memref<1x128xi32, #tpu.memory_space<vmem>> -> memref<128xi32, #tpu.memory_space<vmem>>
      %dma_wait3A_148 = arith.constant 0 : i32
      %dma_wait3A_149 = arith.constant 0 : i32
      %dma_wait3A_150 = tpu.memref_slice %arg15[%dma_wait3A_148, %dma_wait3A_149] : memref<10000x128xf32, #tpu.memory_space<vmem_shared>> -> memref<10000x128xf32, #tpu.memory_space<vmem_shared>>
      tpu.wait_indirect_dma semaphore(%arg19 : memref<!tpu.dma_semaphore, #tpu.memory_space<semaphore_mem>>) src(%arg14 : memref<128x128xf32, #tpu.memory_space<vmem>>) dst(%dma_wait3A_150 : memref<10000x128xf32, #tpu.memory_space<vmem_shared>>)
    } else {
    }
    %add3A_90 = arith.constant 40 : i32
    %add3A_91 = arith.addi %mul3A_2, %add3A_90 : i32
    "tpu.region"() ({
      %run_scoped3A = tpu.sem_alloc : memref<!tpu.dma_semaphore, #tpu.memory_space<semaphore_mem>>
      %dma_start3A = arith.constant 0 : i32
      %dma_start3A_145 = tpu.memref_slice %arg3[%add3A_91, %dma_start3A] : memref<2560x128xi32, #tpu.memory_space<hbm>> -> memref<40x128xi32, #tpu.memory_space<hbm>>
      %dma_start3A_146 = arith.constant 0 : i32
      %dma_start3A_147 = tpu.memref_slice %arg3[%add3A_91, %dma_start3A_146] : memref<2560x128xi32, #tpu.memory_space<hbm>> -> memref<40x128xi32, #tpu.memory_space<hbm>>
      tpu.enqueue_dma source(%dma_start3A_147 : memref<40x128xi32, #tpu.memory_space<hbm>>) target(%arg11 : memref<40x128xi32, #tpu.memory_space<vmem>>) target_semaphore(%run_scoped3A : memref<!tpu.dma_semaphore, #tpu.memory_space<semaphore_mem>>)
      %dma_wait3A = arith.constant 0 : i32
      %dma_wait3A_148 = tpu.memref_slice %arg3[%add3A_91, %dma_wait3A] : memref<2560x128xi32, #tpu.memory_space<hbm>> -> memref<40x128xi32, #tpu.memory_space<hbm>>
      %dma_wait3A_149 = arith.constant 0 : i32
      %dma_wait3A_150 = tpu.memref_slice %arg3[%add3A_91, %dma_wait3A_149] : memref<2560x128xi32, #tpu.memory_space<hbm>> -> memref<40x128xi32, #tpu.memory_space<hbm>>
      tpu.wait_dma2 semaphore(%run_scoped3A : memref<!tpu.dma_semaphore, #tpu.memory_space<semaphore_mem>>) src(%dma_wait3A_150 : memref<40x128xi32, #tpu.memory_space<hbm>>) dst(%arg11 : memref<40x128xi32, #tpu.memory_space<vmem>>)
      tpu.yield
    }) : () -> ()
    "tpu.region"() ({
      %run_scoped3A = tpu.sem_alloc : memref<!tpu.dma_semaphore, #tpu.memory_space<semaphore_mem>>
      %dma_start3A = arith.constant 0 : i32
      %dma_start3A_145 = tpu.memref_slice %arg4[%add3A_91, %dma_start3A] : memref<2560x128xi32, #tpu.memory_space<hbm>> -> memref<40x128xi32, #tpu.memory_space<hbm>>
      %dma_start3A_146 = arith.constant 0 : i32
      %dma_start3A_147 = tpu.memref_slice %arg4[%add3A_91, %dma_start3A_146] : memref<2560x128xi32, #tpu.memory_space<hbm>> -> memref<40x128xi32, #tpu.memory_space<hbm>>
      tpu.enqueue_dma source(%dma_start3A_147 : memref<40x128xi32, #tpu.memory_space<hbm>>) target(%arg12 : memref<40x128xi32, #tpu.memory_space<vmem>>) target_semaphore(%run_scoped3A : memref<!tpu.dma_semaphore, #tpu.memory_space<semaphore_mem>>)
      %dma_wait3A = arith.constant 0 : i32
      %dma_wait3A_148 = tpu.memref_slice %arg4[%add3A_91, %dma_wait3A] : memref<2560x128xi32, #tpu.memory_space<hbm>> -> memref<40x128xi32, #tpu.memory_space<hbm>>
      %dma_wait3A_149 = arith.constant 0 : i32
      %dma_wait3A_150 = tpu.memref_slice %arg4[%add3A_91, %dma_wait3A_149] : memref<2560x128xi32, #tpu.memory_space<hbm>> -> memref<40x128xi32, #tpu.memory_space<hbm>>
      tpu.wait_dma2 semaphore(%run_scoped3A : memref<!tpu.dma_semaphore, #tpu.memory_space<semaphore_mem>>) src(%dma_wait3A_150 : memref<40x128xi32, #tpu.memory_space<hbm>>) dst(%arg12 : memref<40x128xi32, #tpu.memory_space<vmem>>)
      tpu.yield
    }) : () -> ()
    %add3A_92 = arith.constant 0 : i32
    %add3A_93 = arith.addi %add3A_91, %add3A_92 : i32
    %lt3A_94 = arith.constant 2500 : i32
    %lt3A_95 = arith.cmpi slt, %add3A_93, %lt3A_94 : i32
    %convert_element_type3A_96 = arith.extui %lt3A_95 : i1 to i32
    %cond3A_97 = arith.constant 0 : i32
    %cond3A_98 = arith.cmpi ne, %convert_element_type3A_96, %cond3A_97 : i32
    scf.if %cond3A_98 {
      %dma_start3A = arith.constant 0 : i32
      %dma_start3A_145 = arith.constant 0 : i32
      %dma_start3A_146 = tpu.memref_slice %arg11[%dma_start3A, %dma_start3A_145] : memref<40x128xi32, #tpu.memory_space<vmem>> -> memref<1x128xi32, #tpu.memory_space<vmem>>
      %dma_start3A_147 = tpu.memref_squeeze %dma_start3A_146 : memref<1x128xi32, #tpu.memory_space<vmem>> -> memref<128xi32, #tpu.memory_space<vmem>>
      %dma_start3A_148 = arith.constant 0 : i32
      %dma_start3A_149 = arith.constant 0 : i32
      %dma_start3A_150 = tpu.memref_slice %arg2[%dma_start3A_148, %dma_start3A_149] : memref<10000x128xf32, #tpu.memory_space<hbm>> -> memref<10000x128xf32, #tpu.memory_space<hbm>>
      tpu.enqueue_indirect_dma source(%dma_start3A_150 : memref<10000x128xf32, #tpu.memory_space<hbm>>) target(%arg13 : memref<128x128xf32, #tpu.memory_space<vmem>>) offsets(%dma_start3A_147 : memref<128xi32, #tpu.memory_space<vmem>>) semaphore(%arg16 : memref<!tpu.dma_semaphore, #tpu.memory_space<semaphore_mem>>)
    } else {
    }
    %scan3A_99 = arith.constant 0 : i32
    %scan3A_100 = arith.constant 0 : i32
    %scan3A_101 = arith.constant 20 : i32
    %scan3A_102 = arith.addi %scan3A_100, %scan3A_101 : i32
    %scan3A_103 = arith.constant 1 : i32
    scf.for %scan3A_145 = %scan3A_100 to %scan3A_102 step %scan3A_103  : i32 {
      %mul3A_146 = arith.constant 2 : i32
      %mul3A_147 = arith.muli %mul3A_146, %scan3A_145 : i32
      %mul3A_148 = arith.constant 2 : i32
      %mul3A_149 = arith.muli %mul3A_148, %scan3A_145 : i32
      %add3A_150 = arith.constant 1 : i32
      %add3A_151 = arith.addi %mul3A_149, %add3A_150 : i32
      %add3A_152 = arith.addi %add3A_91, %mul3A_147 : i32
      %lt3A_153 = arith.constant 2500 : i32
      %lt3A_154 = arith.cmpi slt, %add3A_152, %lt3A_153 : i32
      %convert_element_type3A_155 = arith.extui %lt3A_154 : i1 to i32
      %cond3A_156 = arith.constant 0 : i32
      %cond3A_157 = arith.cmpi ne, %convert_element_type3A_155, %cond3A_156 : i32
      scf.if %cond3A_157 {
        %dma_wait3A = arith.constant 0 : i32
        %dma_wait3A_208 = tpu.memref_slice %arg11[%mul3A_147, %dma_wait3A] : memref<40x128xi32, #tpu.memory_space<vmem>> -> memref<1x128xi32, #tpu.memory_space<vmem>>
        %dma_wait3A_209 = tpu.memref_squeeze %dma_wait3A_208 : memref<1x128xi32, #tpu.memory_space<vmem>> -> memref<128xi32, #tpu.memory_space<vmem>>
        %dma_wait3A_210 = arith.constant 0 : i32
        %dma_wait3A_211 = arith.constant 0 : i32
        %dma_wait3A_212 = tpu.memref_slice %arg2[%dma_wait3A_210, %dma_wait3A_211] : memref<10000x128xf32, #tpu.memory_space<hbm>> -> memref<10000x128xf32, #tpu.memory_space<hbm>>
        tpu.wait_indirect_dma semaphore(%arg16 : memref<!tpu.dma_semaphore, #tpu.memory_space<semaphore_mem>>) src(%dma_wait3A_212 : memref<10000x128xf32, #tpu.memory_space<hbm>>) dst(%arg13 : memref<128x128xf32, #tpu.memory_space<vmem>>)
      } else {
      }
      %add3A_158 = arith.addi %add3A_91, %mul3A_147 : i32
      %lt3A_159 = arith.constant 2500 : i32
      %lt3A_160 = arith.cmpi slt, %add3A_158, %lt3A_159 : i32
      %convert_element_type3A_161 = arith.extui %lt3A_160 : i1 to i32
      %cond3A_162 = arith.constant 0 : i32
      %cond3A_163 = arith.cmpi ne, %convert_element_type3A_161, %cond3A_162 : i32
      scf.if %cond3A_163 {
        %dma_start3A = arith.constant 0 : i32
        %dma_start3A_208 = tpu.memref_slice %arg12[%mul3A_147, %dma_start3A] : memref<40x128xi32, #tpu.memory_space<vmem>> -> memref<1x128xi32, #tpu.memory_space<vmem>>
        %dma_start3A_209 = tpu.memref_squeeze %dma_start3A_208 : memref<1x128xi32, #tpu.memory_space<vmem>> -> memref<128xi32, #tpu.memory_space<vmem>>
        %dma_start3A_210 = arith.constant 0 : i32
        %dma_start3A_211 = arith.constant 0 : i32
        %dma_start3A_212 = tpu.memref_slice %arg15[%dma_start3A_210, %dma_start3A_211] : memref<10000x128xf32, #tpu.memory_space<vmem_shared>> -> memref<10000x128xf32, #tpu.memory_space<vmem_shared>>
        tpu.enqueue_indirect_dma source(%arg13 : memref<128x128xf32, #tpu.memory_space<vmem>>) target(%dma_start3A_212 : memref<10000x128xf32, #tpu.memory_space<vmem_shared>>) offsets(%dma_start3A_209 : memref<128xi32, #tpu.memory_space<vmem>>) semaphore(%arg18 : memref<!tpu.dma_semaphore, #tpu.memory_space<semaphore_mem>>) {add = true}
      } else {
      }
      %gt3A = arith.constant 0 : i32
      %gt3A_164 = arith.cmpi sgt, %scan3A_145, %gt3A : i32
      %sub3A = arith.constant 2 : i32
      %sub3A_165 = arith.subi %add3A_151, %sub3A : i32
      %add3A_166 = arith.addi %add3A_91, %sub3A_165 : i32
      %lt3A_167 = arith.constant 2500 : i32
      %lt3A_168 = arith.cmpi slt, %add3A_166, %lt3A_167 : i32
      %and3A_169 = arith.andi %gt3A_164, %lt3A_168 : i1
      %convert_element_type3A_170 = arith.extui %and3A_169 : i1 to i32
      %cond3A_171 = arith.constant 0 : i32
      %cond3A_172 = arith.cmpi ne, %convert_element_type3A_170, %cond3A_171 : i32
      scf.if %cond3A_172 {
        %sub3A_208 = arith.constant 2 : i32
        %sub3A_209 = arith.subi %add3A_151, %sub3A_208 : i32
        %dma_wait3A = arith.constant 0 : i32
        %dma_wait3A_210 = tpu.memref_slice %arg12[%sub3A_209, %dma_wait3A] : memref<40x128xi32, #tpu.memory_space<vmem>> -> memref<1x128xi32, #tpu.memory_space<vmem>>
        %dma_wait3A_211 = tpu.memref_squeeze %dma_wait3A_210 : memref<1x128xi32, #tpu.memory_space<vmem>> -> memref<128xi32, #tpu.memory_space<vmem>>
        %dma_wait3A_212 = arith.constant 0 : i32
        %dma_wait3A_213 = arith.constant 0 : i32
        %dma_wait3A_214 = tpu.memref_slice %arg15[%dma_wait3A_212, %dma_wait3A_213] : memref<10000x128xf32, #tpu.memory_space<vmem_shared>> -> memref<10000x128xf32, #tpu.memory_space<vmem_shared>>
        tpu.wait_indirect_dma semaphore(%arg19 : memref<!tpu.dma_semaphore, #tpu.memory_space<semaphore_mem>>) src(%arg14 : memref<128x128xf32, #tpu.memory_space<vmem>>) dst(%dma_wait3A_214 : memref<10000x128xf32, #tpu.memory_space<vmem_shared>>)
      } else {
      }
      %add3A_173 = arith.addi %add3A_91, %add3A_151 : i32
      %lt3A_174 = arith.constant 2500 : i32
      %lt3A_175 = arith.cmpi slt, %add3A_173, %lt3A_174 : i32
      %convert_element_type3A_176 = arith.extui %lt3A_175 : i1 to i32
      %cond3A_177 = arith.constant 0 : i32
      %cond3A_178 = arith.cmpi ne, %convert_element_type3A_176, %cond3A_177 : i32
      scf.if %cond3A_178 {
        %dma_start3A = arith.constant 0 : i32
        %dma_start3A_208 = tpu.memref_slice %arg11[%add3A_151, %dma_start3A] : memref<40x128xi32, #tpu.memory_space<vmem>> -> memref<1x128xi32, #tpu.memory_space<vmem>>
        %dma_start3A_209 = tpu.memref_squeeze %dma_start3A_208 : memref<1x128xi32, #tpu.memory_space<vmem>> -> memref<128xi32, #tpu.memory_space<vmem>>
        %dma_start3A_210 = arith.constant 0 : i32
        %dma_start3A_211 = arith.constant 0 : i32
        %dma_start3A_212 = tpu.memref_slice %arg2[%dma_start3A_210, %dma_start3A_211] : memref<10000x128xf32, #tpu.memory_space<hbm>> -> memref<10000x128xf32, #tpu.memory_space<hbm>>
        tpu.enqueue_indirect_dma source(%dma_start3A_212 : memref<10000x128xf32, #tpu.memory_space<hbm>>) target(%arg14 : memref<128x128xf32, #tpu.memory_space<vmem>>) offsets(%dma_start3A_209 : memref<128xi32, #tpu.memory_space<vmem>>) semaphore(%arg17 : memref<!tpu.dma_semaphore, #tpu.memory_space<semaphore_mem>>)
      } else {
      }
      %add3A_179 = arith.addi %add3A_91, %add3A_151 : i32
      %lt3A_180 = arith.constant 2500 : i32
      %lt3A_181 = arith.cmpi slt, %add3A_179, %lt3A_180 : i32
      %convert_element_type3A_182 = arith.extui %lt3A_181 : i1 to i32
      %cond3A_183 = arith.constant 0 : i32
      %cond3A_184 = arith.cmpi ne, %convert_element_type3A_182, %cond3A_183 : i32
      scf.if %cond3A_184 {
        %dma_wait3A = arith.constant 0 : i32
        %dma_wait3A_208 = tpu.memref_slice %arg11[%add3A_151, %dma_wait3A] : memref<40x128xi32, #tpu.memory_space<vmem>> -> memref<1x128xi32, #tpu.memory_space<vmem>>
        %dma_wait3A_209 = tpu.memref_squeeze %dma_wait3A_208 : memref<1x128xi32, #tpu.memory_space<vmem>> -> memref<128xi32, #tpu.memory_space<vmem>>
        %dma_wait3A_210 = arith.constant 0 : i32
        %dma_wait3A_211 = arith.constant 0 : i32
        %dma_wait3A_212 = tpu.memref_slice %arg2[%dma_wait3A_210, %dma_wait3A_211] : memref<10000x128xf32, #tpu.memory_space<hbm>> -> memref<10000x128xf32, #tpu.memory_space<hbm>>
        tpu.wait_indirect_dma semaphore(%arg17 : memref<!tpu.dma_semaphore, #tpu.memory_space<semaphore_mem>>) src(%dma_wait3A_212 : memref<10000x128xf32, #tpu.memory_space<hbm>>) dst(%arg14 : memref<128x128xf32, #tpu.memory_space<vmem>>)
      } else {
      }
      %add3A_185 = arith.addi %add3A_91, %mul3A_147 : i32
      %lt3A_186 = arith.constant 2500 : i32
      %lt3A_187 = arith.cmpi slt, %add3A_185, %lt3A_186 : i32
      %convert_element_type3A_188 = arith.extui %lt3A_187 : i1 to i32
      %cond3A_189 = arith.constant 0 : i32
      %cond3A_190 = arith.cmpi ne, %convert_element_type3A_188, %cond3A_189 : i32
      scf.if %cond3A_190 {
        %dma_wait3A = arith.constant 0 : i32
        %dma_wait3A_208 = tpu.memref_slice %arg12[%mul3A_147, %dma_wait3A] : memref<40x128xi32, #tpu.memory_space<vmem>> -> memref<1x128xi32, #tpu.memory_space<vmem>>
        %dma_wait3A_209 = tpu.memref_squeeze %dma_wait3A_208 : memref<1x128xi32, #tpu.memory_space<vmem>> -> memref<128xi32, #tpu.memory_space<vmem>>
        %dma_wait3A_210 = arith.constant 0 : i32
        %dma_wait3A_211 = arith.constant 0 : i32
        %dma_wait3A_212 = tpu.memref_slice %arg15[%dma_wait3A_210, %dma_wait3A_211] : memref<10000x128xf32, #tpu.memory_space<vmem_shared>> -> memref<10000x128xf32, #tpu.memory_space<vmem_shared>>
        tpu.wait_indirect_dma semaphore(%arg18 : memref<!tpu.dma_semaphore, #tpu.memory_space<semaphore_mem>>) src(%arg13 : memref<128x128xf32, #tpu.memory_space<vmem>>) dst(%dma_wait3A_212 : memref<10000x128xf32, #tpu.memory_space<vmem_shared>>)
      } else {
      }
      %lt3A_191 = arith.constant 19 : i32
      %lt3A_192 = arith.cmpi slt, %scan3A_145, %lt3A_191 : i32
      %add3A_193 = arith.constant 2 : i32
      %add3A_194 = arith.addi %mul3A_147, %add3A_193 : i32
      %add3A_195 = arith.addi %add3A_91, %add3A_194 : i32
      %lt3A_196 = arith.constant 2500 : i32
      %lt3A_197 = arith.cmpi slt, %add3A_195, %lt3A_196 : i32
      %and3A_198 = arith.andi %lt3A_192, %lt3A_197 : i1
      %convert_element_type3A_199 = arith.extui %and3A_198 : i1 to i32
      %cond3A_200 = arith.constant 0 : i32
      %cond3A_201 = arith.cmpi ne, %convert_element_type3A_199, %cond3A_200 : i32
      scf.if %cond3A_201 {
        %add3A_208 = arith.constant 2 : i32
        %add3A_209 = arith.addi %mul3A_147, %add3A_208 : i32
        %dma_start3A = arith.constant 0 : i32
        %dma_start3A_210 = tpu.memref_slice %arg11[%add3A_209, %dma_start3A] : memref<40x128xi32, #tpu.memory_space<vmem>> -> memref<1x128xi32, #tpu.memory_space<vmem>>
        %dma_start3A_211 = tpu.memref_squeeze %dma_start3A_210 : memref<1x128xi32, #tpu.memory_space<vmem>> -> memref<128xi32, #tpu.memory_space<vmem>>
        %dma_start3A_212 = arith.constant 0 : i32
        %dma_start3A_213 = arith.constant 0 : i32
        %dma_start3A_214 = tpu.memref_slice %arg2[%dma_start3A_212, %dma_start3A_213] : memref<10000x128xf32, #tpu.memory_space<hbm>> -> memref<10000x128xf32, #tpu.memory_space<hbm>>
        tpu.enqueue_indirect_dma source(%dma_start3A_214 : memref<10000x128xf32, #tpu.memory_space<hbm>>) target(%arg13 : memref<128x128xf32, #tpu.memory_space<vmem>>) offsets(%dma_start3A_211 : memref<128xi32, #tpu.memory_space<vmem>>) semaphore(%arg16 : memref<!tpu.dma_semaphore, #tpu.memory_space<semaphore_mem>>)
      } else {
      }
      %add3A_202 = arith.addi %add3A_91, %add3A_151 : i32
      %lt3A_203 = arith.constant 2500 : i32
      %lt3A_204 = arith.cmpi slt, %add3A_202, %lt3A_203 : i32
      %convert_element_type3A_205 = arith.extui %lt3A_204 : i1 to i32
      %cond3A_206 = arith.constant 0 : i32
      %cond3A_207 = arith.cmpi ne, %convert_element_type3A_205, %cond3A_206 : i32
      scf.if %cond3A_207 {
        %dma_start3A = arith.constant 0 : i32
        %dma_start3A_208 = tpu.memref_slice %arg12[%add3A_151, %dma_start3A] : memref<40x128xi32, #tpu.memory_space<vmem>> -> memref<1x128xi32, #tpu.memory_space<vmem>>
        %dma_start3A_209 = tpu.memref_squeeze %dma_start3A_208 : memref<1x128xi32, #tpu.memory_space<vmem>> -> memref<128xi32, #tpu.memory_space<vmem>>
        %dma_start3A_210 = arith.constant 0 : i32
        %dma_start3A_211 = arith.constant 0 : i32
        %dma_start3A_212 = tpu.memref_slice %arg15[%dma_start3A_210, %dma_start3A_211] : memref<10000x128xf32, #tpu.memory_space<vmem_shared>> -> memref<10000x128xf32, #tpu.memory_space<vmem_shared>>
        tpu.enqueue_indirect_dma source(%arg14 : memref<128x128xf32, #tpu.memory_space<vmem>>) target(%dma_start3A_212 : memref<10000x128xf32, #tpu.memory_space<vmem_shared>>) offsets(%dma_start3A_209 : memref<128xi32, #tpu.memory_space<vmem>>) semaphore(%arg19 : memref<!tpu.dma_semaphore, #tpu.memory_space<semaphore_mem>>) {add = true}
      } else {
      }
    }
    %scan3A_104 = arith.constant 20 : i32
    %add3A_105 = arith.constant 39 : i32
    %add3A_106 = arith.addi %add3A_91, %add3A_105 : i32
    %lt3A_107 = arith.constant 2500 : i32
    %lt3A_108 = arith.cmpi slt, %add3A_106, %lt3A_107 : i32
    %convert_element_type3A_109 = arith.extui %lt3A_108 : i1 to i32
    %cond3A_110 = arith.constant 0 : i32
    %cond3A_111 = arith.cmpi ne, %convert_element_type3A_109, %cond3A_110 : i32
    scf.if %cond3A_111 {
      %dma_wait3A = arith.constant 39 : i32
      %dma_wait3A_145 = arith.constant 0 : i32
      %dma_wait3A_146 = tpu.memref_slice %arg12[%dma_wait3A, %dma_wait3A_145] : memref<40x128xi32, #tpu.memory_space<vmem>> -> memref<1x128xi32, #tpu.memory_space<vmem>>
      %dma_wait3A_147 = tpu.memref_squeeze %dma_wait3A_146 : memref<1x128xi32, #tpu.memory_space<vmem>> -> memref<128xi32, #tpu.memory_space<vmem>>
      %dma_wait3A_148 = arith.constant 0 : i32
      %dma_wait3A_149 = arith.constant 0 : i32
      %dma_wait3A_150 = tpu.memref_slice %arg15[%dma_wait3A_148, %dma_wait3A_149] : memref<10000x128xf32, #tpu.memory_space<vmem_shared>> -> memref<10000x128xf32, #tpu.memory_space<vmem_shared>>
      tpu.wait_indirect_dma semaphore(%arg19 : memref<!tpu.dma_semaphore, #tpu.memory_space<semaphore_mem>>) src(%arg14 : memref<128x128xf32, #tpu.memory_space<vmem>>) dst(%dma_wait3A_150 : memref<10000x128xf32, #tpu.memory_space<vmem_shared>>)
    } else {
    }
    %barrier3A_112 = arith.constant 0 : index
    tpu.barrier barrier_id(%barrier3A_112)
    %eq3A_113 = arith.constant 0 : i32
    %eq3A_114 = arith.cmpi eq, %arg0, %eq3A_113 : i32
    %lt3A_115 = arith.constant 15 : i32
    %lt3A_116 = arith.cmpi slt, %arg1, %lt3A_115 : i32
    %and3A_117 = arith.andi %eq3A_114, %lt3A_116 : i1
    %convert_element_type3A_118 = arith.extui %and3A_117 : i1 to i32
    %cond3A_119 = arith.constant 0 : i32
    %cond3A_120 = arith.cmpi ne, %convert_element_type3A_118, %cond3A_119 : i32
    scf.if %cond3A_120 {
      %mul3A_145 = arith.constant 624 : i32
      %mul3A_146 = arith.muli %arg1, %mul3A_145 : i32
      %mul3A_147 = arith.constant 624 : i32
      %mul3A_148 = arith.muli %arg1, %mul3A_147 : i32
      "tpu.region"() ({
        %run_scoped3A = tpu.sem_alloc : memref<!tpu.dma_semaphore, #tpu.memory_space<semaphore_mem>>
        %dma_start3A = arith.constant 0 : i32
        %dma_start3A_149 = tpu.memref_slice %arg7[%mul3A_148, %dma_start3A] : memref<10000x128xf32, #tpu.memory_space<hbm>> -> memref<624x128xf32, #tpu.memory_space<hbm>>
        %dma_start3A_150 = arith.constant 0 : i32
        %dma_start3A_151 = tpu.memref_slice %arg15[%mul3A_146, %dma_start3A_150] : memref<10000x128xf32, #tpu.memory_space<vmem_shared>> -> memref<624x128xf32, #tpu.memory_space<vmem_shared>>
        tpu.enqueue_dma source(%dma_start3A_151 : memref<624x128xf32, #tpu.memory_space<vmem_shared>>) target(%dma_start3A_149 : memref<624x128xf32, #tpu.memory_space<hbm>>) target_semaphore(%run_scoped3A : memref<!tpu.dma_semaphore, #tpu.memory_space<semaphore_mem>>)
        %dma_wait3A = arith.constant 0 : i32
        %dma_wait3A_152 = tpu.memref_slice %arg7[%mul3A_148, %dma_wait3A] : memref<10000x128xf32, #tpu.memory_space<hbm>> -> memref<624x128xf32, #tpu.memory_space<hbm>>
        %dma_wait3A_153 = arith.constant 0 : i32
        %dma_wait3A_154 = tpu.memref_slice %arg15[%mul3A_146, %dma_wait3A_153] : memref<10000x128xf32, #tpu.memory_space<vmem_shared>> -> memref<624x128xf32, #tpu.memory_space<vmem_shared>>
        tpu.wait_dma2 semaphore(%run_scoped3A : memref<!tpu.dma_semaphore, #tpu.memory_space<semaphore_mem>>) src(%dma_wait3A_154 : memref<624x128xf32, #tpu.memory_space<vmem_shared>>) dst(%dma_wait3A_152 : memref<624x128xf32, #tpu.memory_space<hbm>>)
        tpu.yield
      }) : () -> ()
    } else {
    }
    %eq3A_121 = arith.constant 0 : i32
    %eq3A_122 = arith.cmpi eq, %arg0, %eq3A_121 : i32
    %eq3A_123 = arith.constant 15 : i32
    %eq3A_124 = arith.cmpi eq, %arg1, %eq3A_123 : i32
    %and3A_125 = arith.andi %eq3A_122, %eq3A_124 : i1
    %convert_element_type3A_126 = arith.extui %and3A_125 : i1 to i32
    %cond3A_127 = arith.constant 0 : i32
    %cond3A_128 = arith.cmpi ne, %convert_element_type3A_126, %cond3A_127 : i32
    scf.if %cond3A_128 {
      "tpu.region"() ({
        %run_scoped3A = tpu.sem_alloc : memref<!tpu.dma_semaphore, #tpu.memory_space<semaphore_mem>>
        %dma_start3A = arith.constant 9360 : i32
        %dma_start3A_145 = arith.constant 0 : i32
        %dma_start3A_146 = tpu.memref_slice %arg7[%dma_start3A, %dma_start3A_145] : memref<10000x128xf32, #tpu.memory_space<hbm>> -> memref<640x128xf32, #tpu.memory_space<hbm>>
        %dma_start3A_147 = arith.constant 9360 : i32
        %dma_start3A_148 = arith.constant 0 : i32
        %dma_start3A_149 = tpu.memref_slice %arg15[%dma_start3A_147, %dma_start3A_148] : memref<10000x128xf32, #tpu.memory_space<vmem_shared>> -> memref<640x128xf32, #tpu.memory_space<vmem_shared>>
        tpu.enqueue_dma source(%dma_start3A_149 : memref<640x128xf32, #tpu.memory_space<vmem_shared>>) target(%dma_start3A_146 : memref<640x128xf32, #tpu.memory_space<hbm>>) target_semaphore(%run_scoped3A : memref<!tpu.dma_semaphore, #tpu.memory_space<semaphore_mem>>)
        %dma_wait3A = arith.constant 9360 : i32
        %dma_wait3A_150 = arith.constant 0 : i32
        %dma_wait3A_151 = tpu.memref_slice %arg7[%dma_wait3A, %dma_wait3A_150] : memref<10000x128xf32, #tpu.memory_space<hbm>> -> memref<640x128xf32, #tpu.memory_space<hbm>>
        %dma_wait3A_152 = arith.constant 9360 : i32
        %dma_wait3A_153 = arith.constant 0 : i32
        %dma_wait3A_154 = tpu.memref_slice %arg15[%dma_wait3A_152, %dma_wait3A_153] : memref<10000x128xf32, #tpu.memory_space<vmem_shared>> -> memref<640x128xf32, #tpu.memory_space<vmem_shared>>
        tpu.wait_dma2 semaphore(%run_scoped3A : memref<!tpu.dma_semaphore, #tpu.memory_space<semaphore_mem>>) src(%dma_wait3A_154 : memref<640x128xf32, #tpu.memory_space<vmem_shared>>) dst(%dma_wait3A_151 : memref<640x128xf32, #tpu.memory_space<hbm>>)
        tpu.yield
      }) : () -> ()
    } else {
    }
    %eq3A_129 = arith.constant 1 : i32
    %eq3A_130 = arith.cmpi eq, %arg0, %eq3A_129 : i32
    %lt3A_131 = arith.constant 15 : i32
    %lt3A_132 = arith.cmpi slt, %arg1, %lt3A_131 : i32
    %and3A_133 = arith.andi %eq3A_130, %lt3A_132 : i1
    %convert_element_type3A_134 = arith.extui %and3A_133 : i1 to i32
    %cond3A_135 = arith.constant 0 : i32
    %cond3A_136 = arith.cmpi ne, %convert_element_type3A_134, %cond3A_135 : i32
    scf.if %cond3A_136 {
      %mul3A_145 = arith.constant 624 : i32
      %mul3A_146 = arith.muli %arg1, %mul3A_145 : i32
      %mul3A_147 = arith.constant 624 : i32
      %mul3A_148 = arith.muli %arg1, %mul3A_147 : i32
      "tpu.region"() ({
        %run_scoped3A = tpu.sem_alloc : memref<!tpu.dma_semaphore, #tpu.memory_space<semaphore_mem>>
        %dma_start3A = arith.constant 0 : i32
        %dma_start3A_149 = tpu.memref_slice %arg8[%mul3A_148, %dma_start3A] : memref<10000x128xf32, #tpu.memory_space<hbm>> -> memref<624x128xf32, #tpu.memory_space<hbm>>
        %dma_start3A_150 = arith.constant 0 : i32
        %dma_start3A_151 = tpu.memref_slice %arg15[%mul3A_146, %dma_start3A_150] : memref<10000x128xf32, #tpu.memory_space<vmem_shared>> -> memref<624x128xf32, #tpu.memory_space<vmem_shared>>
        tpu.enqueue_dma source(%dma_start3A_151 : memref<624x128xf32, #tpu.memory_space<vmem_shared>>) target(%dma_start3A_149 : memref<624x128xf32, #tpu.memory_space<hbm>>) target_semaphore(%run_scoped3A : memref<!tpu.dma_semaphore, #tpu.memory_space<semaphore_mem>>)
        %dma_wait3A = arith.constant 0 : i32
        %dma_wait3A_152 = tpu.memref_slice %arg8[%mul3A_148, %dma_wait3A] : memref<10000x128xf32, #tpu.memory_space<hbm>> -> memref<624x128xf32, #tpu.memory_space<hbm>>
        %dma_wait3A_153 = arith.constant 0 : i32
        %dma_wait3A_154 = tpu.memref_slice %arg15[%mul3A_146, %dma_wait3A_153] : memref<10000x128xf32, #tpu.memory_space<vmem_shared>> -> memref<624x128xf32, #tpu.memory_space<vmem_shared>>
        tpu.wait_dma2 semaphore(%run_scoped3A : memref<!tpu.dma_semaphore, #tpu.memory_space<semaphore_mem>>) src(%dma_wait3A_154 : memref<624x128xf32, #tpu.memory_space<vmem_shared>>) dst(%dma_wait3A_152 : memref<624x128xf32, #tpu.memory_space<hbm>>)
        tpu.yield
      }) : () -> ()
    } else {
    }
    %eq3A_137 = arith.constant 1 : i32
    %eq3A_138 = arith.cmpi eq, %arg0, %eq3A_137 : i32
    %eq3A_139 = arith.constant 15 : i32
    %eq3A_140 = arith.cmpi eq, %arg1, %eq3A_139 : i32
    %and3A_141 = arith.andi %eq3A_138, %eq3A_140 : i1
    %convert_element_type3A_142 = arith.extui %and3A_141 : i1 to i32
    %cond3A_143 = arith.constant 0 : i32
    %cond3A_144 = arith.cmpi ne, %convert_element_type3A_142, %cond3A_143 : i32
    scf.if %cond3A_144 {
      "tpu.region"() ({
        %run_scoped3A = tpu.sem_alloc : memref<!tpu.dma_semaphore, #tpu.memory_space<semaphore_mem>>
        %dma_start3A = arith.constant 9360 : i32
        %dma_start3A_145 = arith.constant 0 : i32
        %dma_start3A_146 = tpu.memref_slice %arg8[%dma_start3A, %dma_start3A_145] : memref<10000x128xf32, #tpu.memory_space<hbm>> -> memref<640x128xf32, #tpu.memory_space<hbm>>
        %dma_start3A_147 = arith.constant 9360 : i32
        %dma_start3A_148 = arith.constant 0 : i32
        %dma_start3A_149 = tpu.memref_slice %arg15[%dma_start3A_147, %dma_start3A_148] : memref<10000x128xf32, #tpu.memory_space<vmem_shared>> -> memref<640x128xf32, #tpu.memory_space<vmem_shared>>
        tpu.enqueue_dma source(%dma_start3A_149 : memref<640x128xf32, #tpu.memory_space<vmem_shared>>) target(%dma_start3A_146 : memref<640x128xf32, #tpu.memory_space<hbm>>) target_semaphore(%run_scoped3A : memref<!tpu.dma_semaphore, #tpu.memory_space<semaphore_mem>>)
        %dma_wait3A = arith.constant 9360 : i32
        %dma_wait3A_150 = arith.constant 0 : i32
        %dma_wait3A_151 = tpu.memref_slice %arg8[%dma_wait3A, %dma_wait3A_150] : memref<10000x128xf32, #tpu.memory_space<hbm>> -> memref<640x128xf32, #tpu.memory_space<hbm>>
        %dma_wait3A_152 = arith.constant 9360 : i32
        %dma_wait3A_153 = arith.constant 0 : i32
        %dma_wait3A_154 = tpu.memref_slice %arg15[%dma_wait3A_152, %dma_wait3A_153] : memref<10000x128xf32, #tpu.memory_space<vmem_shared>> -> memref<640x128xf32, #tpu.memory_space<vmem_shared>>
        tpu.wait_dma2 semaphore(%run_scoped3A : memref<!tpu.dma_semaphore, #tpu.memory_space<semaphore_mem>>) src(%dma_wait3A_154 : memref<640x128xf32, #tpu.memory_space<vmem_shared>>) dst(%dma_wait3A_151 : memref<640x128xf32, #tpu.memory_space<hbm>>)
        tpu.yield
      }) : () -> ()
    } else {
    }
    return
  }
}

#map = affine_map<(d0, d1) -> (0, 0)>
module attributes {stable_mosaic.version = 14 : i64} {
  func.func @_sc_agg_body(%arg0: i32, %arg1: i32, %arg2: memref<10000x128xf32, #tpu.memory_space<hbm>>, %arg3: memref<2560x128xi32, #tpu.memory_space<hbm>>, %arg4: memref<2560x128xi32, #tpu.memory_space<hbm>>, %arg5: memref<640x128xf32, #tpu.memory_space<hbm>>, %arg6: memref<10000x128xf32, #tpu.memory_space<hbm>>, %arg7: memref<10000x128xf32, #tpu.memory_space<hbm>>, %arg8: memref<40x128xi32, #tpu.memory_space<vmem>>, %arg9: memref<40x128xi32, #tpu.memory_space<vmem>>, %arg10: memref<128x128xf32, #tpu.memory_space<vmem>>, %arg11: memref<128x128xf32, #tpu.memory_space<vmem>>, %arg12: memref<10000x128xf32, #tpu.memory_space<vmem_shared>>, %arg13: memref<!tpu.dma_semaphore, #tpu.memory_space<semaphore_mem>>, %arg14: memref<!tpu.dma_semaphore, #tpu.memory_space<semaphore_mem>>, %arg15: memref<!tpu.dma_semaphore, #tpu.memory_space<semaphore_mem>>, %arg16: memref<!tpu.dma_semaphore, #tpu.memory_space<semaphore_mem>>) attributes {dimension_semantics = [#tpu.dimension_semantics<core_parallel>, #tpu.dimension_semantics<subcore_parallel>], iteration_bounds = array<i64: 2, 16>, scalar_prefetch = 0 : i64, scratch_operands = 9 : i64, tpu.core_type = #tpu.core_type<sc_vector_subcore>, window_params = [{transform_indices = #map}, {transform_indices = #map}, {transform_indices = #map}, {transform_indices = #map}, {transform_indices = #map}, {transform_indices = #map}]} {
    %mul3A = arith.constant 16 : i32
    %mul3A_0 = arith.muli %arg0, %mul3A : i32
    %add3A = arith.addi %mul3A_0, %arg1 : i32
    %mul3A_1 = arith.constant 80 : i32
    %mul3A_2 = arith.muli %add3A, %mul3A_1 : i32
    %lt3A = arith.constant 15 : i32
    %lt3A_3 = arith.cmpi slt, %arg1, %lt3A : i32
    %convert_element_type3A = arith.extui %lt3A_3 : i1 to i32
    %cond3A = arith.constant 0 : i32
    %cond3A_4 = arith.cmpi ne, %convert_element_type3A, %cond3A : i32
    scf.if %cond3A_4 {
      %mul3A_84 = arith.constant 624 : i32
      %mul3A_85 = arith.muli %arg1, %mul3A_84 : i32
      "tpu.region"() ({
        %run_scoped3A = tpu.sem_alloc : memref<!tpu.dma_semaphore, #tpu.memory_space<semaphore_mem>>
        %dma_start3A = arith.constant 0 : i32
        %dma_start3A_86 = tpu.memref_slice %arg12[%mul3A_85, %dma_start3A] : memref<10000x128xf32, #tpu.memory_space<vmem_shared>> -> memref<624x128xf32, #tpu.memory_space<vmem_shared>>
        %dma_start3A_87 = arith.constant 0 : i32
        %dma_start3A_88 = arith.constant 0 : i32
        %dma_start3A_89 = tpu.memref_slice %arg5[%dma_start3A_87, %dma_start3A_88] : memref<640x128xf32, #tpu.memory_space<hbm>> -> memref<624x128xf32, #tpu.memory_space<hbm>>
        tpu.enqueue_dma source(%dma_start3A_89 : memref<624x128xf32, #tpu.memory_space<hbm>>) target(%dma_start3A_86 : memref<624x128xf32, #tpu.memory_space<vmem_shared>>) target_semaphore(%run_scoped3A : memref<!tpu.dma_semaphore, #tpu.memory_space<semaphore_mem>>)
        %dma_wait3A = arith.constant 0 : i32
        %dma_wait3A_90 = tpu.memref_slice %arg12[%mul3A_85, %dma_wait3A] : memref<10000x128xf32, #tpu.memory_space<vmem_shared>> -> memref<624x128xf32, #tpu.memory_space<vmem_shared>>
        %dma_wait3A_91 = arith.constant 0 : i32
        %dma_wait3A_92 = arith.constant 0 : i32
        %dma_wait3A_93 = tpu.memref_slice %arg5[%dma_wait3A_91, %dma_wait3A_92] : memref<640x128xf32, #tpu.memory_space<hbm>> -> memref<624x128xf32, #tpu.memory_space<hbm>>
        tpu.wait_dma2 semaphore(%run_scoped3A : memref<!tpu.dma_semaphore, #tpu.memory_space<semaphore_mem>>) src(%dma_wait3A_93 : memref<624x128xf32, #tpu.memory_space<hbm>>) dst(%dma_wait3A_90 : memref<624x128xf32, #tpu.memory_space<vmem_shared>>)
        tpu.yield
      }) : () -> ()
    } else {
    }
    %eq3A = arith.constant 15 : i32
    %eq3A_5 = arith.cmpi eq, %arg1, %eq3A : i32
    %convert_element_type3A_6 = arith.extui %eq3A_5 : i1 to i32
    %cond3A_7 = arith.constant 0 : i32
    %cond3A_8 = arith.cmpi ne, %convert_element_type3A_6, %cond3A_7 : i32
    scf.if %cond3A_8 {
      "tpu.region"() ({
        %run_scoped3A = tpu.sem_alloc : memref<!tpu.dma_semaphore, #tpu.memory_space<semaphore_mem>>
        %dma_start3A = arith.constant 9360 : i32
        %dma_start3A_84 = arith.constant 0 : i32
        %dma_start3A_85 = tpu.memref_slice %arg12[%dma_start3A, %dma_start3A_84] : memref<10000x128xf32, #tpu.memory_space<vmem_shared>> -> memref<640x128xf32, #tpu.memory_space<vmem_shared>>
        tpu.enqueue_dma source(%arg5 : memref<640x128xf32, #tpu.memory_space<hbm>>) target(%dma_start3A_85 : memref<640x128xf32, #tpu.memory_space<vmem_shared>>) target_semaphore(%run_scoped3A : memref<!tpu.dma_semaphore, #tpu.memory_space<semaphore_mem>>)
        %dma_wait3A = arith.constant 9360 : i32
        %dma_wait3A_86 = arith.constant 0 : i32
        %dma_wait3A_87 = tpu.memref_slice %arg12[%dma_wait3A, %dma_wait3A_86] : memref<10000x128xf32, #tpu.memory_space<vmem_shared>> -> memref<640x128xf32, #tpu.memory_space<vmem_shared>>
        tpu.wait_dma2 semaphore(%run_scoped3A : memref<!tpu.dma_semaphore, #tpu.memory_space<semaphore_mem>>) src(%arg5 : memref<640x128xf32, #tpu.memory_space<hbm>>) dst(%dma_wait3A_87 : memref<640x128xf32, #tpu.memory_space<vmem_shared>>)
        tpu.yield
      }) : () -> ()
    } else {
    }
    %barrier3A = arith.constant 0 : index
    tpu.barrier barrier_id(%barrier3A)
    %add3A_9 = arith.constant 0 : i32
    %add3A_10 = arith.addi %mul3A_2, %add3A_9 : i32
    "tpu.region"() ({
      %run_scoped3A = tpu.sem_alloc : memref<!tpu.dma_semaphore, #tpu.memory_space<semaphore_mem>>
      %dma_start3A = arith.constant 0 : i32
      %dma_start3A_84 = tpu.memref_slice %arg3[%add3A_10, %dma_start3A] : memref<2560x128xi32, #tpu.memory_space<hbm>> -> memref<40x128xi32, #tpu.memory_space<hbm>>
      %dma_start3A_85 = arith.constant 0 : i32
      %dma_start3A_86 = tpu.memref_slice %arg3[%add3A_10, %dma_start3A_85] : memref<2560x128xi32, #tpu.memory_space<hbm>> -> memref<40x128xi32, #tpu.memory_space<hbm>>
      tpu.enqueue_dma source(%dma_start3A_86 : memref<40x128xi32, #tpu.memory_space<hbm>>) target(%arg8 : memref<40x128xi32, #tpu.memory_space<vmem>>) target_semaphore(%run_scoped3A : memref<!tpu.dma_semaphore, #tpu.memory_space<semaphore_mem>>)
      %dma_wait3A = arith.constant 0 : i32
      %dma_wait3A_87 = tpu.memref_slice %arg3[%add3A_10, %dma_wait3A] : memref<2560x128xi32, #tpu.memory_space<hbm>> -> memref<40x128xi32, #tpu.memory_space<hbm>>
      %dma_wait3A_88 = arith.constant 0 : i32
      %dma_wait3A_89 = tpu.memref_slice %arg3[%add3A_10, %dma_wait3A_88] : memref<2560x128xi32, #tpu.memory_space<hbm>> -> memref<40x128xi32, #tpu.memory_space<hbm>>
      tpu.wait_dma2 semaphore(%run_scoped3A : memref<!tpu.dma_semaphore, #tpu.memory_space<semaphore_mem>>) src(%dma_wait3A_89 : memref<40x128xi32, #tpu.memory_space<hbm>>) dst(%arg8 : memref<40x128xi32, #tpu.memory_space<vmem>>)
      tpu.yield
    }) : () -> ()
    "tpu.region"() ({
      %run_scoped3A = tpu.sem_alloc : memref<!tpu.dma_semaphore, #tpu.memory_space<semaphore_mem>>
      %dma_start3A = arith.constant 0 : i32
      %dma_start3A_84 = tpu.memref_slice %arg4[%add3A_10, %dma_start3A] : memref<2560x128xi32, #tpu.memory_space<hbm>> -> memref<40x128xi32, #tpu.memory_space<hbm>>
      %dma_start3A_85 = arith.constant 0 : i32
      %dma_start3A_86 = tpu.memref_slice %arg4[%add3A_10, %dma_start3A_85] : memref<2560x128xi32, #tpu.memory_space<hbm>> -> memref<40x128xi32, #tpu.memory_space<hbm>>
      tpu.enqueue_dma source(%dma_start3A_86 : memref<40x128xi32, #tpu.memory_space<hbm>>) target(%arg9 : memref<40x128xi32, #tpu.memory_space<vmem>>) target_semaphore(%run_scoped3A : memref<!tpu.dma_semaphore, #tpu.memory_space<semaphore_mem>>)
      %dma_wait3A = arith.constant 0 : i32
      %dma_wait3A_87 = tpu.memref_slice %arg4[%add3A_10, %dma_wait3A] : memref<2560x128xi32, #tpu.memory_space<hbm>> -> memref<40x128xi32, #tpu.memory_space<hbm>>
      %dma_wait3A_88 = arith.constant 0 : i32
      %dma_wait3A_89 = tpu.memref_slice %arg4[%add3A_10, %dma_wait3A_88] : memref<2560x128xi32, #tpu.memory_space<hbm>> -> memref<40x128xi32, #tpu.memory_space<hbm>>
      tpu.wait_dma2 semaphore(%run_scoped3A : memref<!tpu.dma_semaphore, #tpu.memory_space<semaphore_mem>>) src(%dma_wait3A_89 : memref<40x128xi32, #tpu.memory_space<hbm>>) dst(%arg9 : memref<40x128xi32, #tpu.memory_space<vmem>>)
      tpu.yield
    }) : () -> ()
    %add3A_11 = arith.constant 0 : i32
    %add3A_12 = arith.addi %add3A_10, %add3A_11 : i32
    %lt3A_13 = arith.constant 2500 : i32
    %lt3A_14 = arith.cmpi slt, %add3A_12, %lt3A_13 : i32
    %convert_element_type3A_15 = arith.extui %lt3A_14 : i1 to i32
    %cond3A_16 = arith.constant 0 : i32
    %cond3A_17 = arith.cmpi ne, %convert_element_type3A_15, %cond3A_16 : i32
    scf.if %cond3A_17 {
      %dma_start3A = arith.constant 0 : i32
      %dma_start3A_84 = arith.constant 0 : i32
      %dma_start3A_85 = tpu.memref_slice %arg8[%dma_start3A, %dma_start3A_84] : memref<40x128xi32, #tpu.memory_space<vmem>> -> memref<1x128xi32, #tpu.memory_space<vmem>>
      %dma_start3A_86 = tpu.memref_squeeze %dma_start3A_85 : memref<1x128xi32, #tpu.memory_space<vmem>> -> memref<128xi32, #tpu.memory_space<vmem>>
      %dma_start3A_87 = arith.constant 0 : i32
      %dma_start3A_88 = arith.constant 0 : i32
      %dma_start3A_89 = tpu.memref_slice %arg2[%dma_start3A_87, %dma_start3A_88] : memref<10000x128xf32, #tpu.memory_space<hbm>> -> memref<10000x128xf32, #tpu.memory_space<hbm>>
      tpu.enqueue_indirect_dma source(%dma_start3A_89 : memref<10000x128xf32, #tpu.memory_space<hbm>>) target(%arg10 : memref<128x128xf32, #tpu.memory_space<vmem>>) offsets(%dma_start3A_86 : memref<128xi32, #tpu.memory_space<vmem>>) semaphore(%arg13 : memref<!tpu.dma_semaphore, #tpu.memory_space<semaphore_mem>>)
    } else {
    }
    %scan3A = arith.constant 0 : i32
    %scan3A_18 = arith.constant 0 : i32
    %scan3A_19 = arith.constant 20 : i32
    %scan3A_20 = arith.addi %scan3A_18, %scan3A_19 : i32
    %scan3A_21 = arith.constant 1 : i32
    scf.for %scan3A_84 = %scan3A_18 to %scan3A_20 step %scan3A_21  : i32 {
      %mul3A_85 = arith.constant 2 : i32
      %mul3A_86 = arith.muli %mul3A_85, %scan3A_84 : i32
      %mul3A_87 = arith.constant 2 : i32
      %mul3A_88 = arith.muli %mul3A_87, %scan3A_84 : i32
      %add3A_89 = arith.constant 1 : i32
      %add3A_90 = arith.addi %mul3A_88, %add3A_89 : i32
      %add3A_91 = arith.addi %add3A_10, %mul3A_86 : i32
      %lt3A_92 = arith.constant 2500 : i32
      %lt3A_93 = arith.cmpi slt, %add3A_91, %lt3A_92 : i32
      %convert_element_type3A_94 = arith.extui %lt3A_93 : i1 to i32
      %cond3A_95 = arith.constant 0 : i32
      %cond3A_96 = arith.cmpi ne, %convert_element_type3A_94, %cond3A_95 : i32
      scf.if %cond3A_96 {
        %dma_wait3A = arith.constant 0 : i32
        %dma_wait3A_147 = tpu.memref_slice %arg8[%mul3A_86, %dma_wait3A] : memref<40x128xi32, #tpu.memory_space<vmem>> -> memref<1x128xi32, #tpu.memory_space<vmem>>
        %dma_wait3A_148 = tpu.memref_squeeze %dma_wait3A_147 : memref<1x128xi32, #tpu.memory_space<vmem>> -> memref<128xi32, #tpu.memory_space<vmem>>
        %dma_wait3A_149 = arith.constant 0 : i32
        %dma_wait3A_150 = arith.constant 0 : i32
        %dma_wait3A_151 = tpu.memref_slice %arg2[%dma_wait3A_149, %dma_wait3A_150] : memref<10000x128xf32, #tpu.memory_space<hbm>> -> memref<10000x128xf32, #tpu.memory_space<hbm>>
        tpu.wait_indirect_dma semaphore(%arg13 : memref<!tpu.dma_semaphore, #tpu.memory_space<semaphore_mem>>) src(%dma_wait3A_151 : memref<10000x128xf32, #tpu.memory_space<hbm>>) dst(%arg10 : memref<128x128xf32, #tpu.memory_space<vmem>>)
      } else {
      }
      %add3A_97 = arith.addi %add3A_10, %mul3A_86 : i32
      %lt3A_98 = arith.constant 2500 : i32
      %lt3A_99 = arith.cmpi slt, %add3A_97, %lt3A_98 : i32
      %convert_element_type3A_100 = arith.extui %lt3A_99 : i1 to i32
      %cond3A_101 = arith.constant 0 : i32
      %cond3A_102 = arith.cmpi ne, %convert_element_type3A_100, %cond3A_101 : i32
      scf.if %cond3A_102 {
        %dma_start3A = arith.constant 0 : i32
        %dma_start3A_147 = tpu.memref_slice %arg9[%mul3A_86, %dma_start3A] : memref<40x128xi32, #tpu.memory_space<vmem>> -> memref<1x128xi32, #tpu.memory_space<vmem>>
        %dma_start3A_148 = tpu.memref_squeeze %dma_start3A_147 : memref<1x128xi32, #tpu.memory_space<vmem>> -> memref<128xi32, #tpu.memory_space<vmem>>
        %dma_start3A_149 = arith.constant 0 : i32
        %dma_start3A_150 = arith.constant 0 : i32
        %dma_start3A_151 = tpu.memref_slice %arg12[%dma_start3A_149, %dma_start3A_150] : memref<10000x128xf32, #tpu.memory_space<vmem_shared>> -> memref<10000x128xf32, #tpu.memory_space<vmem_shared>>
        tpu.enqueue_indirect_dma source(%arg10 : memref<128x128xf32, #tpu.memory_space<vmem>>) target(%dma_start3A_151 : memref<10000x128xf32, #tpu.memory_space<vmem_shared>>) offsets(%dma_start3A_148 : memref<128xi32, #tpu.memory_space<vmem>>) semaphore(%arg15 : memref<!tpu.dma_semaphore, #tpu.memory_space<semaphore_mem>>) {add = true}
      } else {
      }
      %gt3A = arith.constant 0 : i32
      %gt3A_103 = arith.cmpi sgt, %scan3A_84, %gt3A : i32
      %sub3A = arith.constant 2 : i32
      %sub3A_104 = arith.subi %add3A_90, %sub3A : i32
      %add3A_105 = arith.addi %add3A_10, %sub3A_104 : i32
      %lt3A_106 = arith.constant 2500 : i32
      %lt3A_107 = arith.cmpi slt, %add3A_105, %lt3A_106 : i32
      %and3A_108 = arith.andi %gt3A_103, %lt3A_107 : i1
      %convert_element_type3A_109 = arith.extui %and3A_108 : i1 to i32
      %cond3A_110 = arith.constant 0 : i32
      %cond3A_111 = arith.cmpi ne, %convert_element_type3A_109, %cond3A_110 : i32
      scf.if %cond3A_111 {
        %sub3A_147 = arith.constant 2 : i32
        %sub3A_148 = arith.subi %add3A_90, %sub3A_147 : i32
        %dma_wait3A = arith.constant 0 : i32
        %dma_wait3A_149 = tpu.memref_slice %arg9[%sub3A_148, %dma_wait3A] : memref<40x128xi32, #tpu.memory_space<vmem>> -> memref<1x128xi32, #tpu.memory_space<vmem>>
        %dma_wait3A_150 = tpu.memref_squeeze %dma_wait3A_149 : memref<1x128xi32, #tpu.memory_space<vmem>> -> memref<128xi32, #tpu.memory_space<vmem>>
        %dma_wait3A_151 = arith.constant 0 : i32
        %dma_wait3A_152 = arith.constant 0 : i32
        %dma_wait3A_153 = tpu.memref_slice %arg12[%dma_wait3A_151, %dma_wait3A_152] : memref<10000x128xf32, #tpu.memory_space<vmem_shared>> -> memref<10000x128xf32, #tpu.memory_space<vmem_shared>>
        tpu.wait_indirect_dma semaphore(%arg16 : memref<!tpu.dma_semaphore, #tpu.memory_space<semaphore_mem>>) src(%arg11 : memref<128x128xf32, #tpu.memory_space<vmem>>) dst(%dma_wait3A_153 : memref<10000x128xf32, #tpu.memory_space<vmem_shared>>)
      } else {
      }
      %add3A_112 = arith.addi %add3A_10, %add3A_90 : i32
      %lt3A_113 = arith.constant 2500 : i32
      %lt3A_114 = arith.cmpi slt, %add3A_112, %lt3A_113 : i32
      %convert_element_type3A_115 = arith.extui %lt3A_114 : i1 to i32
      %cond3A_116 = arith.constant 0 : i32
      %cond3A_117 = arith.cmpi ne, %convert_element_type3A_115, %cond3A_116 : i32
      scf.if %cond3A_117 {
        %dma_start3A = arith.constant 0 : i32
        %dma_start3A_147 = tpu.memref_slice %arg8[%add3A_90, %dma_start3A] : memref<40x128xi32, #tpu.memory_space<vmem>> -> memref<1x128xi32, #tpu.memory_space<vmem>>
        %dma_start3A_148 = tpu.memref_squeeze %dma_start3A_147 : memref<1x128xi32, #tpu.memory_space<vmem>> -> memref<128xi32, #tpu.memory_space<vmem>>
        %dma_start3A_149 = arith.constant 0 : i32
        %dma_start3A_150 = arith.constant 0 : i32
        %dma_start3A_151 = tpu.memref_slice %arg2[%dma_start3A_149, %dma_start3A_150] : memref<10000x128xf32, #tpu.memory_space<hbm>> -> memref<10000x128xf32, #tpu.memory_space<hbm>>
        tpu.enqueue_indirect_dma source(%dma_start3A_151 : memref<10000x128xf32, #tpu.memory_space<hbm>>) target(%arg11 : memref<128x128xf32, #tpu.memory_space<vmem>>) offsets(%dma_start3A_148 : memref<128xi32, #tpu.memory_space<vmem>>) semaphore(%arg14 : memref<!tpu.dma_semaphore, #tpu.memory_space<semaphore_mem>>)
      } else {
      }
      %add3A_118 = arith.addi %add3A_10, %add3A_90 : i32
      %lt3A_119 = arith.constant 2500 : i32
      %lt3A_120 = arith.cmpi slt, %add3A_118, %lt3A_119 : i32
      %convert_element_type3A_121 = arith.extui %lt3A_120 : i1 to i32
      %cond3A_122 = arith.constant 0 : i32
      %cond3A_123 = arith.cmpi ne, %convert_element_type3A_121, %cond3A_122 : i32
      scf.if %cond3A_123 {
        %dma_wait3A = arith.constant 0 : i32
        %dma_wait3A_147 = tpu.memref_slice %arg8[%add3A_90, %dma_wait3A] : memref<40x128xi32, #tpu.memory_space<vmem>> -> memref<1x128xi32, #tpu.memory_space<vmem>>
        %dma_wait3A_148 = tpu.memref_squeeze %dma_wait3A_147 : memref<1x128xi32, #tpu.memory_space<vmem>> -> memref<128xi32, #tpu.memory_space<vmem>>
        %dma_wait3A_149 = arith.constant 0 : i32
        %dma_wait3A_150 = arith.constant 0 : i32
        %dma_wait3A_151 = tpu.memref_slice %arg2[%dma_wait3A_149, %dma_wait3A_150] : memref<10000x128xf32, #tpu.memory_space<hbm>> -> memref<10000x128xf32, #tpu.memory_space<hbm>>
        tpu.wait_indirect_dma semaphore(%arg14 : memref<!tpu.dma_semaphore, #tpu.memory_space<semaphore_mem>>) src(%dma_wait3A_151 : memref<10000x128xf32, #tpu.memory_space<hbm>>) dst(%arg11 : memref<128x128xf32, #tpu.memory_space<vmem>>)
      } else {
      }
      %add3A_124 = arith.addi %add3A_10, %mul3A_86 : i32
      %lt3A_125 = arith.constant 2500 : i32
      %lt3A_126 = arith.cmpi slt, %add3A_124, %lt3A_125 : i32
      %convert_element_type3A_127 = arith.extui %lt3A_126 : i1 to i32
      %cond3A_128 = arith.constant 0 : i32
      %cond3A_129 = arith.cmpi ne, %convert_element_type3A_127, %cond3A_128 : i32
      scf.if %cond3A_129 {
        %dma_wait3A = arith.constant 0 : i32
        %dma_wait3A_147 = tpu.memref_slice %arg9[%mul3A_86, %dma_wait3A] : memref<40x128xi32, #tpu.memory_space<vmem>> -> memref<1x128xi32, #tpu.memory_space<vmem>>
        %dma_wait3A_148 = tpu.memref_squeeze %dma_wait3A_147 : memref<1x128xi32, #tpu.memory_space<vmem>> -> memref<128xi32, #tpu.memory_space<vmem>>
        %dma_wait3A_149 = arith.constant 0 : i32
        %dma_wait3A_150 = arith.constant 0 : i32
        %dma_wait3A_151 = tpu.memref_slice %arg12[%dma_wait3A_149, %dma_wait3A_150] : memref<10000x128xf32, #tpu.memory_space<vmem_shared>> -> memref<10000x128xf32, #tpu.memory_space<vmem_shared>>
        tpu.wait_indirect_dma semaphore(%arg15 : memref<!tpu.dma_semaphore, #tpu.memory_space<semaphore_mem>>) src(%arg10 : memref<128x128xf32, #tpu.memory_space<vmem>>) dst(%dma_wait3A_151 : memref<10000x128xf32, #tpu.memory_space<vmem_shared>>)
      } else {
      }
      %lt3A_130 = arith.constant 19 : i32
      %lt3A_131 = arith.cmpi slt, %scan3A_84, %lt3A_130 : i32
      %add3A_132 = arith.constant 2 : i32
      %add3A_133 = arith.addi %mul3A_86, %add3A_132 : i32
      %add3A_134 = arith.addi %add3A_10, %add3A_133 : i32
      %lt3A_135 = arith.constant 2500 : i32
      %lt3A_136 = arith.cmpi slt, %add3A_134, %lt3A_135 : i32
      %and3A_137 = arith.andi %lt3A_131, %lt3A_136 : i1
      %convert_element_type3A_138 = arith.extui %and3A_137 : i1 to i32
      %cond3A_139 = arith.constant 0 : i32
      %cond3A_140 = arith.cmpi ne, %convert_element_type3A_138, %cond3A_139 : i32
      scf.if %cond3A_140 {
        %add3A_147 = arith.constant 2 : i32
        %add3A_148 = arith.addi %mul3A_86, %add3A_147 : i32
        %dma_start3A = arith.constant 0 : i32
        %dma_start3A_149 = tpu.memref_slice %arg8[%add3A_148, %dma_start3A] : memref<40x128xi32, #tpu.memory_space<vmem>> -> memref<1x128xi32, #tpu.memory_space<vmem>>
        %dma_start3A_150 = tpu.memref_squeeze %dma_start3A_149 : memref<1x128xi32, #tpu.memory_space<vmem>> -> memref<128xi32, #tpu.memory_space<vmem>>
        %dma_start3A_151 = arith.constant 0 : i32
        %dma_start3A_152 = arith.constant 0 : i32
        %dma_start3A_153 = tpu.memref_slice %arg2[%dma_start3A_151, %dma_start3A_152] : memref<10000x128xf32, #tpu.memory_space<hbm>> -> memref<10000x128xf32, #tpu.memory_space<hbm>>
        tpu.enqueue_indirect_dma source(%dma_start3A_153 : memref<10000x128xf32, #tpu.memory_space<hbm>>) target(%arg10 : memref<128x128xf32, #tpu.memory_space<vmem>>) offsets(%dma_start3A_150 : memref<128xi32, #tpu.memory_space<vmem>>) semaphore(%arg13 : memref<!tpu.dma_semaphore, #tpu.memory_space<semaphore_mem>>)
      } else {
      }
      %add3A_141 = arith.addi %add3A_10, %add3A_90 : i32
      %lt3A_142 = arith.constant 2500 : i32
      %lt3A_143 = arith.cmpi slt, %add3A_141, %lt3A_142 : i32
      %convert_element_type3A_144 = arith.extui %lt3A_143 : i1 to i32
      %cond3A_145 = arith.constant 0 : i32
      %cond3A_146 = arith.cmpi ne, %convert_element_type3A_144, %cond3A_145 : i32
      scf.if %cond3A_146 {
        %dma_start3A = arith.constant 0 : i32
        %dma_start3A_147 = tpu.memref_slice %arg9[%add3A_90, %dma_start3A] : memref<40x128xi32, #tpu.memory_space<vmem>> -> memref<1x128xi32, #tpu.memory_space<vmem>>
        %dma_start3A_148 = tpu.memref_squeeze %dma_start3A_147 : memref<1x128xi32, #tpu.memory_space<vmem>> -> memref<128xi32, #tpu.memory_space<vmem>>
        %dma_start3A_149 = arith.constant 0 : i32
        %dma_start3A_150 = arith.constant 0 : i32
        %dma_start3A_151 = tpu.memref_slice %arg12[%dma_start3A_149, %dma_start3A_150] : memref<10000x128xf32, #tpu.memory_space<vmem_shared>> -> memref<10000x128xf32, #tpu.memory_space<vmem_shared>>
        tpu.enqueue_indirect_dma source(%arg11 : memref<128x128xf32, #tpu.memory_space<vmem>>) target(%dma_start3A_151 : memref<10000x128xf32, #tpu.memory_space<vmem_shared>>) offsets(%dma_start3A_148 : memref<128xi32, #tpu.memory_space<vmem>>) semaphore(%arg16 : memref<!tpu.dma_semaphore, #tpu.memory_space<semaphore_mem>>) {add = true}
      } else {
      }
    }
    %scan3A_22 = arith.constant 20 : i32
    %add3A_23 = arith.constant 39 : i32
    %add3A_24 = arith.addi %add3A_10, %add3A_23 : i32
    %lt3A_25 = arith.constant 2500 : i32
    %lt3A_26 = arith.cmpi slt, %add3A_24, %lt3A_25 : i32
    %convert_element_type3A_27 = arith.extui %lt3A_26 : i1 to i32
    %cond3A_28 = arith.constant 0 : i32
    %cond3A_29 = arith.cmpi ne, %convert_element_type3A_27, %cond3A_28 : i32
    scf.if %cond3A_29 {
      %dma_wait3A = arith.constant 39 : i32
      %dma_wait3A_84 = arith.constant 0 : i32
      %dma_wait3A_85 = tpu.memref_slice %arg9[%dma_wait3A, %dma_wait3A_84] : memref<40x128xi32, #tpu.memory_space<vmem>> -> memref<1x128xi32, #tpu.memory_space<vmem>>
      %dma_wait3A_86 = tpu.memref_squeeze %dma_wait3A_85 : memref<1x128xi32, #tpu.memory_space<vmem>> -> memref<128xi32, #tpu.memory_space<vmem>>
      %dma_wait3A_87 = arith.constant 0 : i32
      %dma_wait3A_88 = arith.constant 0 : i32
      %dma_wait3A_89 = tpu.memref_slice %arg12[%dma_wait3A_87, %dma_wait3A_88] : memref<10000x128xf32, #tpu.memory_space<vmem_shared>> -> memref<10000x128xf32, #tpu.memory_space<vmem_shared>>
      tpu.wait_indirect_dma semaphore(%arg16 : memref<!tpu.dma_semaphore, #tpu.memory_space<semaphore_mem>>) src(%arg11 : memref<128x128xf32, #tpu.memory_space<vmem>>) dst(%dma_wait3A_89 : memref<10000x128xf32, #tpu.memory_space<vmem_shared>>)
    } else {
    }
    %add3A_30 = arith.constant 40 : i32
    %add3A_31 = arith.addi %mul3A_2, %add3A_30 : i32
    "tpu.region"() ({
      %run_scoped3A = tpu.sem_alloc : memref<!tpu.dma_semaphore, #tpu.memory_space<semaphore_mem>>
      %dma_start3A = arith.constant 0 : i32
      %dma_start3A_84 = tpu.memref_slice %arg3[%add3A_31, %dma_start3A] : memref<2560x128xi32, #tpu.memory_space<hbm>> -> memref<40x128xi32, #tpu.memory_space<hbm>>
      %dma_start3A_85 = arith.constant 0 : i32
      %dma_start3A_86 = tpu.memref_slice %arg3[%add3A_31, %dma_start3A_85] : memref<2560x128xi32, #tpu.memory_space<hbm>> -> memref<40x128xi32, #tpu.memory_space<hbm>>
      tpu.enqueue_dma source(%dma_start3A_86 : memref<40x128xi32, #tpu.memory_space<hbm>>) target(%arg8 : memref<40x128xi32, #tpu.memory_space<vmem>>) target_semaphore(%run_scoped3A : memref<!tpu.dma_semaphore, #tpu.memory_space<semaphore_mem>>)
      %dma_wait3A = arith.constant 0 : i32
      %dma_wait3A_87 = tpu.memref_slice %arg3[%add3A_31, %dma_wait3A] : memref<2560x128xi32, #tpu.memory_space<hbm>> -> memref<40x128xi32, #tpu.memory_space<hbm>>
      %dma_wait3A_88 = arith.constant 0 : i32
      %dma_wait3A_89 = tpu.memref_slice %arg3[%add3A_31, %dma_wait3A_88] : memref<2560x128xi32, #tpu.memory_space<hbm>> -> memref<40x128xi32, #tpu.memory_space<hbm>>
      tpu.wait_dma2 semaphore(%run_scoped3A : memref<!tpu.dma_semaphore, #tpu.memory_space<semaphore_mem>>) src(%dma_wait3A_89 : memref<40x128xi32, #tpu.memory_space<hbm>>) dst(%arg8 : memref<40x128xi32, #tpu.memory_space<vmem>>)
      tpu.yield
    }) : () -> ()
    "tpu.region"() ({
      %run_scoped3A = tpu.sem_alloc : memref<!tpu.dma_semaphore, #tpu.memory_space<semaphore_mem>>
      %dma_start3A = arith.constant 0 : i32
      %dma_start3A_84 = tpu.memref_slice %arg4[%add3A_31, %dma_start3A] : memref<2560x128xi32, #tpu.memory_space<hbm>> -> memref<40x128xi32, #tpu.memory_space<hbm>>
      %dma_start3A_85 = arith.constant 0 : i32
      %dma_start3A_86 = tpu.memref_slice %arg4[%add3A_31, %dma_start3A_85] : memref<2560x128xi32, #tpu.memory_space<hbm>> -> memref<40x128xi32, #tpu.memory_space<hbm>>
      tpu.enqueue_dma source(%dma_start3A_86 : memref<40x128xi32, #tpu.memory_space<hbm>>) target(%arg9 : memref<40x128xi32, #tpu.memory_space<vmem>>) target_semaphore(%run_scoped3A : memref<!tpu.dma_semaphore, #tpu.memory_space<semaphore_mem>>)
      %dma_wait3A = arith.constant 0 : i32
      %dma_wait3A_87 = tpu.memref_slice %arg4[%add3A_31, %dma_wait3A] : memref<2560x128xi32, #tpu.memory_space<hbm>> -> memref<40x128xi32, #tpu.memory_space<hbm>>
      %dma_wait3A_88 = arith.constant 0 : i32
      %dma_wait3A_89 = tpu.memref_slice %arg4[%add3A_31, %dma_wait3A_88] : memref<2560x128xi32, #tpu.memory_space<hbm>> -> memref<40x128xi32, #tpu.memory_space<hbm>>
      tpu.wait_dma2 semaphore(%run_scoped3A : memref<!tpu.dma_semaphore, #tpu.memory_space<semaphore_mem>>) src(%dma_wait3A_89 : memref<40x128xi32, #tpu.memory_space<hbm>>) dst(%arg9 : memref<40x128xi32, #tpu.memory_space<vmem>>)
      tpu.yield
    }) : () -> ()
    %add3A_32 = arith.constant 0 : i32
    %add3A_33 = arith.addi %add3A_31, %add3A_32 : i32
    %lt3A_34 = arith.constant 2500 : i32
    %lt3A_35 = arith.cmpi slt, %add3A_33, %lt3A_34 : i32
    %convert_element_type3A_36 = arith.extui %lt3A_35 : i1 to i32
    %cond3A_37 = arith.constant 0 : i32
    %cond3A_38 = arith.cmpi ne, %convert_element_type3A_36, %cond3A_37 : i32
    scf.if %cond3A_38 {
      %dma_start3A = arith.constant 0 : i32
      %dma_start3A_84 = arith.constant 0 : i32
      %dma_start3A_85 = tpu.memref_slice %arg8[%dma_start3A, %dma_start3A_84] : memref<40x128xi32, #tpu.memory_space<vmem>> -> memref<1x128xi32, #tpu.memory_space<vmem>>
      %dma_start3A_86 = tpu.memref_squeeze %dma_start3A_85 : memref<1x128xi32, #tpu.memory_space<vmem>> -> memref<128xi32, #tpu.memory_space<vmem>>
      %dma_start3A_87 = arith.constant 0 : i32
      %dma_start3A_88 = arith.constant 0 : i32
      %dma_start3A_89 = tpu.memref_slice %arg2[%dma_start3A_87, %dma_start3A_88] : memref<10000x128xf32, #tpu.memory_space<hbm>> -> memref<10000x128xf32, #tpu.memory_space<hbm>>
      tpu.enqueue_indirect_dma source(%dma_start3A_89 : memref<10000x128xf32, #tpu.memory_space<hbm>>) target(%arg10 : memref<128x128xf32, #tpu.memory_space<vmem>>) offsets(%dma_start3A_86 : memref<128xi32, #tpu.memory_space<vmem>>) semaphore(%arg13 : memref<!tpu.dma_semaphore, #tpu.memory_space<semaphore_mem>>)
    } else {
    }
    %scan3A_39 = arith.constant 0 : i32
    %scan3A_40 = arith.constant 0 : i32
    %scan3A_41 = arith.constant 20 : i32
    %scan3A_42 = arith.addi %scan3A_40, %scan3A_41 : i32
    %scan3A_43 = arith.constant 1 : i32
    scf.for %scan3A_84 = %scan3A_40 to %scan3A_42 step %scan3A_43  : i32 {
      %mul3A_85 = arith.constant 2 : i32
      %mul3A_86 = arith.muli %mul3A_85, %scan3A_84 : i32
      %mul3A_87 = arith.constant 2 : i32
      %mul3A_88 = arith.muli %mul3A_87, %scan3A_84 : i32
      %add3A_89 = arith.constant 1 : i32
      %add3A_90 = arith.addi %mul3A_88, %add3A_89 : i32
      %add3A_91 = arith.addi %add3A_31, %mul3A_86 : i32
      %lt3A_92 = arith.constant 2500 : i32
      %lt3A_93 = arith.cmpi slt, %add3A_91, %lt3A_92 : i32
      %convert_element_type3A_94 = arith.extui %lt3A_93 : i1 to i32
      %cond3A_95 = arith.constant 0 : i32
      %cond3A_96 = arith.cmpi ne, %convert_element_type3A_94, %cond3A_95 : i32
      scf.if %cond3A_96 {
        %dma_wait3A = arith.constant 0 : i32
        %dma_wait3A_147 = tpu.memref_slice %arg8[%mul3A_86, %dma_wait3A] : memref<40x128xi32, #tpu.memory_space<vmem>> -> memref<1x128xi32, #tpu.memory_space<vmem>>
        %dma_wait3A_148 = tpu.memref_squeeze %dma_wait3A_147 : memref<1x128xi32, #tpu.memory_space<vmem>> -> memref<128xi32, #tpu.memory_space<vmem>>
        %dma_wait3A_149 = arith.constant 0 : i32
        %dma_wait3A_150 = arith.constant 0 : i32
        %dma_wait3A_151 = tpu.memref_slice %arg2[%dma_wait3A_149, %dma_wait3A_150] : memref<10000x128xf32, #tpu.memory_space<hbm>> -> memref<10000x128xf32, #tpu.memory_space<hbm>>
        tpu.wait_indirect_dma semaphore(%arg13 : memref<!tpu.dma_semaphore, #tpu.memory_space<semaphore_mem>>) src(%dma_wait3A_151 : memref<10000x128xf32, #tpu.memory_space<hbm>>) dst(%arg10 : memref<128x128xf32, #tpu.memory_space<vmem>>)
      } else {
      }
      %add3A_97 = arith.addi %add3A_31, %mul3A_86 : i32
      %lt3A_98 = arith.constant 2500 : i32
      %lt3A_99 = arith.cmpi slt, %add3A_97, %lt3A_98 : i32
      %convert_element_type3A_100 = arith.extui %lt3A_99 : i1 to i32
      %cond3A_101 = arith.constant 0 : i32
      %cond3A_102 = arith.cmpi ne, %convert_element_type3A_100, %cond3A_101 : i32
      scf.if %cond3A_102 {
        %dma_start3A = arith.constant 0 : i32
        %dma_start3A_147 = tpu.memref_slice %arg9[%mul3A_86, %dma_start3A] : memref<40x128xi32, #tpu.memory_space<vmem>> -> memref<1x128xi32, #tpu.memory_space<vmem>>
        %dma_start3A_148 = tpu.memref_squeeze %dma_start3A_147 : memref<1x128xi32, #tpu.memory_space<vmem>> -> memref<128xi32, #tpu.memory_space<vmem>>
        %dma_start3A_149 = arith.constant 0 : i32
        %dma_start3A_150 = arith.constant 0 : i32
        %dma_start3A_151 = tpu.memref_slice %arg12[%dma_start3A_149, %dma_start3A_150] : memref<10000x128xf32, #tpu.memory_space<vmem_shared>> -> memref<10000x128xf32, #tpu.memory_space<vmem_shared>>
        tpu.enqueue_indirect_dma source(%arg10 : memref<128x128xf32, #tpu.memory_space<vmem>>) target(%dma_start3A_151 : memref<10000x128xf32, #tpu.memory_space<vmem_shared>>) offsets(%dma_start3A_148 : memref<128xi32, #tpu.memory_space<vmem>>) semaphore(%arg15 : memref<!tpu.dma_semaphore, #tpu.memory_space<semaphore_mem>>) {add = true}
      } else {
      }
      %gt3A = arith.constant 0 : i32
      %gt3A_103 = arith.cmpi sgt, %scan3A_84, %gt3A : i32
      %sub3A = arith.constant 2 : i32
      %sub3A_104 = arith.subi %add3A_90, %sub3A : i32
      %add3A_105 = arith.addi %add3A_31, %sub3A_104 : i32
      %lt3A_106 = arith.constant 2500 : i32
      %lt3A_107 = arith.cmpi slt, %add3A_105, %lt3A_106 : i32
      %and3A_108 = arith.andi %gt3A_103, %lt3A_107 : i1
      %convert_element_type3A_109 = arith.extui %and3A_108 : i1 to i32
      %cond3A_110 = arith.constant 0 : i32
      %cond3A_111 = arith.cmpi ne, %convert_element_type3A_109, %cond3A_110 : i32
      scf.if %cond3A_111 {
        %sub3A_147 = arith.constant 2 : i32
        %sub3A_148 = arith.subi %add3A_90, %sub3A_147 : i32
        %dma_wait3A = arith.constant 0 : i32
        %dma_wait3A_149 = tpu.memref_slice %arg9[%sub3A_148, %dma_wait3A] : memref<40x128xi32, #tpu.memory_space<vmem>> -> memref<1x128xi32, #tpu.memory_space<vmem>>
        %dma_wait3A_150 = tpu.memref_squeeze %dma_wait3A_149 : memref<1x128xi32, #tpu.memory_space<vmem>> -> memref<128xi32, #tpu.memory_space<vmem>>
        %dma_wait3A_151 = arith.constant 0 : i32
        %dma_wait3A_152 = arith.constant 0 : i32
        %dma_wait3A_153 = tpu.memref_slice %arg12[%dma_wait3A_151, %dma_wait3A_152] : memref<10000x128xf32, #tpu.memory_space<vmem_shared>> -> memref<10000x128xf32, #tpu.memory_space<vmem_shared>>
        tpu.wait_indirect_dma semaphore(%arg16 : memref<!tpu.dma_semaphore, #tpu.memory_space<semaphore_mem>>) src(%arg11 : memref<128x128xf32, #tpu.memory_space<vmem>>) dst(%dma_wait3A_153 : memref<10000x128xf32, #tpu.memory_space<vmem_shared>>)
      } else {
      }
      %add3A_112 = arith.addi %add3A_31, %add3A_90 : i32
      %lt3A_113 = arith.constant 2500 : i32
      %lt3A_114 = arith.cmpi slt, %add3A_112, %lt3A_113 : i32
      %convert_element_type3A_115 = arith.extui %lt3A_114 : i1 to i32
      %cond3A_116 = arith.constant 0 : i32
      %cond3A_117 = arith.cmpi ne, %convert_element_type3A_115, %cond3A_116 : i32
      scf.if %cond3A_117 {
        %dma_start3A = arith.constant 0 : i32
        %dma_start3A_147 = tpu.memref_slice %arg8[%add3A_90, %dma_start3A] : memref<40x128xi32, #tpu.memory_space<vmem>> -> memref<1x128xi32, #tpu.memory_space<vmem>>
        %dma_start3A_148 = tpu.memref_squeeze %dma_start3A_147 : memref<1x128xi32, #tpu.memory_space<vmem>> -> memref<128xi32, #tpu.memory_space<vmem>>
        %dma_start3A_149 = arith.constant 0 : i32
        %dma_start3A_150 = arith.constant 0 : i32
        %dma_start3A_151 = tpu.memref_slice %arg2[%dma_start3A_149, %dma_start3A_150] : memref<10000x128xf32, #tpu.memory_space<hbm>> -> memref<10000x128xf32, #tpu.memory_space<hbm>>
        tpu.enqueue_indirect_dma source(%dma_start3A_151 : memref<10000x128xf32, #tpu.memory_space<hbm>>) target(%arg11 : memref<128x128xf32, #tpu.memory_space<vmem>>) offsets(%dma_start3A_148 : memref<128xi32, #tpu.memory_space<vmem>>) semaphore(%arg14 : memref<!tpu.dma_semaphore, #tpu.memory_space<semaphore_mem>>)
      } else {
      }
      %add3A_118 = arith.addi %add3A_31, %add3A_90 : i32
      %lt3A_119 = arith.constant 2500 : i32
      %lt3A_120 = arith.cmpi slt, %add3A_118, %lt3A_119 : i32
      %convert_element_type3A_121 = arith.extui %lt3A_120 : i1 to i32
      %cond3A_122 = arith.constant 0 : i32
      %cond3A_123 = arith.cmpi ne, %convert_element_type3A_121, %cond3A_122 : i32
      scf.if %cond3A_123 {
        %dma_wait3A = arith.constant 0 : i32
        %dma_wait3A_147 = tpu.memref_slice %arg8[%add3A_90, %dma_wait3A] : memref<40x128xi32, #tpu.memory_space<vmem>> -> memref<1x128xi32, #tpu.memory_space<vmem>>
        %dma_wait3A_148 = tpu.memref_squeeze %dma_wait3A_147 : memref<1x128xi32, #tpu.memory_space<vmem>> -> memref<128xi32, #tpu.memory_space<vmem>>
        %dma_wait3A_149 = arith.constant 0 : i32
        %dma_wait3A_150 = arith.constant 0 : i32
        %dma_wait3A_151 = tpu.memref_slice %arg2[%dma_wait3A_149, %dma_wait3A_150] : memref<10000x128xf32, #tpu.memory_space<hbm>> -> memref<10000x128xf32, #tpu.memory_space<hbm>>
        tpu.wait_indirect_dma semaphore(%arg14 : memref<!tpu.dma_semaphore, #tpu.memory_space<semaphore_mem>>) src(%dma_wait3A_151 : memref<10000x128xf32, #tpu.memory_space<hbm>>) dst(%arg11 : memref<128x128xf32, #tpu.memory_space<vmem>>)
      } else {
      }
      %add3A_124 = arith.addi %add3A_31, %mul3A_86 : i32
      %lt3A_125 = arith.constant 2500 : i32
      %lt3A_126 = arith.cmpi slt, %add3A_124, %lt3A_125 : i32
      %convert_element_type3A_127 = arith.extui %lt3A_126 : i1 to i32
      %cond3A_128 = arith.constant 0 : i32
      %cond3A_129 = arith.cmpi ne, %convert_element_type3A_127, %cond3A_128 : i32
      scf.if %cond3A_129 {
        %dma_wait3A = arith.constant 0 : i32
        %dma_wait3A_147 = tpu.memref_slice %arg9[%mul3A_86, %dma_wait3A] : memref<40x128xi32, #tpu.memory_space<vmem>> -> memref<1x128xi32, #tpu.memory_space<vmem>>
        %dma_wait3A_148 = tpu.memref_squeeze %dma_wait3A_147 : memref<1x128xi32, #tpu.memory_space<vmem>> -> memref<128xi32, #tpu.memory_space<vmem>>
        %dma_wait3A_149 = arith.constant 0 : i32
        %dma_wait3A_150 = arith.constant 0 : i32
        %dma_wait3A_151 = tpu.memref_slice %arg12[%dma_wait3A_149, %dma_wait3A_150] : memref<10000x128xf32, #tpu.memory_space<vmem_shared>> -> memref<10000x128xf32, #tpu.memory_space<vmem_shared>>
        tpu.wait_indirect_dma semaphore(%arg15 : memref<!tpu.dma_semaphore, #tpu.memory_space<semaphore_mem>>) src(%arg10 : memref<128x128xf32, #tpu.memory_space<vmem>>) dst(%dma_wait3A_151 : memref<10000x128xf32, #tpu.memory_space<vmem_shared>>)
      } else {
      }
      %lt3A_130 = arith.constant 19 : i32
      %lt3A_131 = arith.cmpi slt, %scan3A_84, %lt3A_130 : i32
      %add3A_132 = arith.constant 2 : i32
      %add3A_133 = arith.addi %mul3A_86, %add3A_132 : i32
      %add3A_134 = arith.addi %add3A_31, %add3A_133 : i32
      %lt3A_135 = arith.constant 2500 : i32
      %lt3A_136 = arith.cmpi slt, %add3A_134, %lt3A_135 : i32
      %and3A_137 = arith.andi %lt3A_131, %lt3A_136 : i1
      %convert_element_type3A_138 = arith.extui %and3A_137 : i1 to i32
      %cond3A_139 = arith.constant 0 : i32
      %cond3A_140 = arith.cmpi ne, %convert_element_type3A_138, %cond3A_139 : i32
      scf.if %cond3A_140 {
        %add3A_147 = arith.constant 2 : i32
        %add3A_148 = arith.addi %mul3A_86, %add3A_147 : i32
        %dma_start3A = arith.constant 0 : i32
        %dma_start3A_149 = tpu.memref_slice %arg8[%add3A_148, %dma_start3A] : memref<40x128xi32, #tpu.memory_space<vmem>> -> memref<1x128xi32, #tpu.memory_space<vmem>>
        %dma_start3A_150 = tpu.memref_squeeze %dma_start3A_149 : memref<1x128xi32, #tpu.memory_space<vmem>> -> memref<128xi32, #tpu.memory_space<vmem>>
        %dma_start3A_151 = arith.constant 0 : i32
        %dma_start3A_152 = arith.constant 0 : i32
        %dma_start3A_153 = tpu.memref_slice %arg2[%dma_start3A_151, %dma_start3A_152] : memref<10000x128xf32, #tpu.memory_space<hbm>> -> memref<10000x128xf32, #tpu.memory_space<hbm>>
        tpu.enqueue_indirect_dma source(%dma_start3A_153 : memref<10000x128xf32, #tpu.memory_space<hbm>>) target(%arg10 : memref<128x128xf32, #tpu.memory_space<vmem>>) offsets(%dma_start3A_150 : memref<128xi32, #tpu.memory_space<vmem>>) semaphore(%arg13 : memref<!tpu.dma_semaphore, #tpu.memory_space<semaphore_mem>>)
      } else {
      }
      %add3A_141 = arith.addi %add3A_31, %add3A_90 : i32
      %lt3A_142 = arith.constant 2500 : i32
      %lt3A_143 = arith.cmpi slt, %add3A_141, %lt3A_142 : i32
      %convert_element_type3A_144 = arith.extui %lt3A_143 : i1 to i32
      %cond3A_145 = arith.constant 0 : i32
      %cond3A_146 = arith.cmpi ne, %convert_element_type3A_144, %cond3A_145 : i32
      scf.if %cond3A_146 {
        %dma_start3A = arith.constant 0 : i32
        %dma_start3A_147 = tpu.memref_slice %arg9[%add3A_90, %dma_start3A] : memref<40x128xi32, #tpu.memory_space<vmem>> -> memref<1x128xi32, #tpu.memory_space<vmem>>
        %dma_start3A_148 = tpu.memref_squeeze %dma_start3A_147 : memref<1x128xi32, #tpu.memory_space<vmem>> -> memref<128xi32, #tpu.memory_space<vmem>>
        %dma_start3A_149 = arith.constant 0 : i32
        %dma_start3A_150 = arith.constant 0 : i32
        %dma_start3A_151 = tpu.memref_slice %arg12[%dma_start3A_149, %dma_start3A_150] : memref<10000x128xf32, #tpu.memory_space<vmem_shared>> -> memref<10000x128xf32, #tpu.memory_space<vmem_shared>>
        tpu.enqueue_indirect_dma source(%arg11 : memref<128x128xf32, #tpu.memory_space<vmem>>) target(%dma_start3A_151 : memref<10000x128xf32, #tpu.memory_space<vmem_shared>>) offsets(%dma_start3A_148 : memref<128xi32, #tpu.memory_space<vmem>>) semaphore(%arg16 : memref<!tpu.dma_semaphore, #tpu.memory_space<semaphore_mem>>) {add = true}
      } else {
      }
    }
    %scan3A_44 = arith.constant 20 : i32
    %add3A_45 = arith.constant 39 : i32
    %add3A_46 = arith.addi %add3A_31, %add3A_45 : i32
    %lt3A_47 = arith.constant 2500 : i32
    %lt3A_48 = arith.cmpi slt, %add3A_46, %lt3A_47 : i32
    %convert_element_type3A_49 = arith.extui %lt3A_48 : i1 to i32
    %cond3A_50 = arith.constant 0 : i32
    %cond3A_51 = arith.cmpi ne, %convert_element_type3A_49, %cond3A_50 : i32
    scf.if %cond3A_51 {
      %dma_wait3A = arith.constant 39 : i32
      %dma_wait3A_84 = arith.constant 0 : i32
      %dma_wait3A_85 = tpu.memref_slice %arg9[%dma_wait3A, %dma_wait3A_84] : memref<40x128xi32, #tpu.memory_space<vmem>> -> memref<1x128xi32, #tpu.memory_space<vmem>>
      %dma_wait3A_86 = tpu.memref_squeeze %dma_wait3A_85 : memref<1x128xi32, #tpu.memory_space<vmem>> -> memref<128xi32, #tpu.memory_space<vmem>>
      %dma_wait3A_87 = arith.constant 0 : i32
      %dma_wait3A_88 = arith.constant 0 : i32
      %dma_wait3A_89 = tpu.memref_slice %arg12[%dma_wait3A_87, %dma_wait3A_88] : memref<10000x128xf32, #tpu.memory_space<vmem_shared>> -> memref<10000x128xf32, #tpu.memory_space<vmem_shared>>
      tpu.wait_indirect_dma semaphore(%arg16 : memref<!tpu.dma_semaphore, #tpu.memory_space<semaphore_mem>>) src(%arg11 : memref<128x128xf32, #tpu.memory_space<vmem>>) dst(%dma_wait3A_89 : memref<10000x128xf32, #tpu.memory_space<vmem_shared>>)
    } else {
    }
    %barrier3A_52 = arith.constant 0 : index
    tpu.barrier barrier_id(%barrier3A_52)
    %eq3A_53 = arith.constant 0 : i32
    %eq3A_54 = arith.cmpi eq, %arg0, %eq3A_53 : i32
    %lt3A_55 = arith.constant 15 : i32
    %lt3A_56 = arith.cmpi slt, %arg1, %lt3A_55 : i32
    %and3A = arith.andi %eq3A_54, %lt3A_56 : i1
    %convert_element_type3A_57 = arith.extui %and3A : i1 to i32
    %cond3A_58 = arith.constant 0 : i32
    %cond3A_59 = arith.cmpi ne, %convert_element_type3A_57, %cond3A_58 : i32
    scf.if %cond3A_59 {
      %mul3A_84 = arith.constant 624 : i32
      %mul3A_85 = arith.muli %arg1, %mul3A_84 : i32
      %mul3A_86 = arith.constant 624 : i32
      %mul3A_87 = arith.muli %arg1, %mul3A_86 : i32
      "tpu.region"() ({
        %run_scoped3A = tpu.sem_alloc : memref<!tpu.dma_semaphore, #tpu.memory_space<semaphore_mem>>
        %dma_start3A = arith.constant 0 : i32
        %dma_start3A_88 = tpu.memref_slice %arg6[%mul3A_87, %dma_start3A] : memref<10000x128xf32, #tpu.memory_space<hbm>> -> memref<624x128xf32, #tpu.memory_space<hbm>>
        %dma_start3A_89 = arith.constant 0 : i32
        %dma_start3A_90 = tpu.memref_slice %arg12[%mul3A_85, %dma_start3A_89] : memref<10000x128xf32, #tpu.memory_space<vmem_shared>> -> memref<624x128xf32, #tpu.memory_space<vmem_shared>>
        tpu.enqueue_dma source(%dma_start3A_90 : memref<624x128xf32, #tpu.memory_space<vmem_shared>>) target(%dma_start3A_88 : memref<624x128xf32, #tpu.memory_space<hbm>>) target_semaphore(%run_scoped3A : memref<!tpu.dma_semaphore, #tpu.memory_space<semaphore_mem>>)
        %dma_wait3A = arith.constant 0 : i32
        %dma_wait3A_91 = tpu.memref_slice %arg6[%mul3A_87, %dma_wait3A] : memref<10000x128xf32, #tpu.memory_space<hbm>> -> memref<624x128xf32, #tpu.memory_space<hbm>>
        %dma_wait3A_92 = arith.constant 0 : i32
        %dma_wait3A_93 = tpu.memref_slice %arg12[%mul3A_85, %dma_wait3A_92] : memref<10000x128xf32, #tpu.memory_space<vmem_shared>> -> memref<624x128xf32, #tpu.memory_space<vmem_shared>>
        tpu.wait_dma2 semaphore(%run_scoped3A : memref<!tpu.dma_semaphore, #tpu.memory_space<semaphore_mem>>) src(%dma_wait3A_93 : memref<624x128xf32, #tpu.memory_space<vmem_shared>>) dst(%dma_wait3A_91 : memref<624x128xf32, #tpu.memory_space<hbm>>)
        tpu.yield
      }) : () -> ()
    } else {
    }
    %eq3A_60 = arith.constant 0 : i32
    %eq3A_61 = arith.cmpi eq, %arg0, %eq3A_60 : i32
    %eq3A_62 = arith.constant 15 : i32
    %eq3A_63 = arith.cmpi eq, %arg1, %eq3A_62 : i32
    %and3A_64 = arith.andi %eq3A_61, %eq3A_63 : i1
    %convert_element_type3A_65 = arith.extui %and3A_64 : i1 to i32
    %cond3A_66 = arith.constant 0 : i32
    %cond3A_67 = arith.cmpi ne, %convert_element_type3A_65, %cond3A_66 : i32
    scf.if %cond3A_67 {
      "tpu.region"() ({
        %run_scoped3A = tpu.sem_alloc : memref<!tpu.dma_semaphore, #tpu.memory_space<semaphore_mem>>
        %dma_start3A = arith.constant 9360 : i32
        %dma_start3A_84 = arith.constant 0 : i32
        %dma_start3A_85 = tpu.memref_slice %arg6[%dma_start3A, %dma_start3A_84] : memref<10000x128xf32, #tpu.memory_space<hbm>> -> memref<640x128xf32, #tpu.memory_space<hbm>>
        %dma_start3A_86 = arith.constant 9360 : i32
        %dma_start3A_87 = arith.constant 0 : i32
        %dma_start3A_88 = tpu.memref_slice %arg12[%dma_start3A_86, %dma_start3A_87] : memref<10000x128xf32, #tpu.memory_space<vmem_shared>> -> memref<640x128xf32, #tpu.memory_space<vmem_shared>>
        tpu.enqueue_dma source(%dma_start3A_88 : memref<640x128xf32, #tpu.memory_space<vmem_shared>>) target(%dma_start3A_85 : memref<640x128xf32, #tpu.memory_space<hbm>>) target_semaphore(%run_scoped3A : memref<!tpu.dma_semaphore, #tpu.memory_space<semaphore_mem>>)
        %dma_wait3A = arith.constant 9360 : i32
        %dma_wait3A_89 = arith.constant 0 : i32
        %dma_wait3A_90 = tpu.memref_slice %arg6[%dma_wait3A, %dma_wait3A_89] : memref<10000x128xf32, #tpu.memory_space<hbm>> -> memref<640x128xf32, #tpu.memory_space<hbm>>
        %dma_wait3A_91 = arith.constant 9360 : i32
        %dma_wait3A_92 = arith.constant 0 : i32
        %dma_wait3A_93 = tpu.memref_slice %arg12[%dma_wait3A_91, %dma_wait3A_92] : memref<10000x128xf32, #tpu.memory_space<vmem_shared>> -> memref<640x128xf32, #tpu.memory_space<vmem_shared>>
        tpu.wait_dma2 semaphore(%run_scoped3A : memref<!tpu.dma_semaphore, #tpu.memory_space<semaphore_mem>>) src(%dma_wait3A_93 : memref<640x128xf32, #tpu.memory_space<vmem_shared>>) dst(%dma_wait3A_90 : memref<640x128xf32, #tpu.memory_space<hbm>>)
        tpu.yield
      }) : () -> ()
    } else {
    }
    %eq3A_68 = arith.constant 1 : i32
    %eq3A_69 = arith.cmpi eq, %arg0, %eq3A_68 : i32
    %lt3A_70 = arith.constant 15 : i32
    %lt3A_71 = arith.cmpi slt, %arg1, %lt3A_70 : i32
    %and3A_72 = arith.andi %eq3A_69, %lt3A_71 : i1
    %convert_element_type3A_73 = arith.extui %and3A_72 : i1 to i32
    %cond3A_74 = arith.constant 0 : i32
    %cond3A_75 = arith.cmpi ne, %convert_element_type3A_73, %cond3A_74 : i32
    scf.if %cond3A_75 {
      %mul3A_84 = arith.constant 624 : i32
      %mul3A_85 = arith.muli %arg1, %mul3A_84 : i32
      %mul3A_86 = arith.constant 624 : i32
      %mul3A_87 = arith.muli %arg1, %mul3A_86 : i32
      "tpu.region"() ({
        %run_scoped3A = tpu.sem_alloc : memref<!tpu.dma_semaphore, #tpu.memory_space<semaphore_mem>>
        %dma_start3A = arith.constant 0 : i32
        %dma_start3A_88 = tpu.memref_slice %arg7[%mul3A_87, %dma_start3A] : memref<10000x128xf32, #tpu.memory_space<hbm>> -> memref<624x128xf32, #tpu.memory_space<hbm>>
        %dma_start3A_89 = arith.constant 0 : i32
        %dma_start3A_90 = tpu.memref_slice %arg12[%mul3A_85, %dma_start3A_89] : memref<10000x128xf32, #tpu.memory_space<vmem_shared>> -> memref<624x128xf32, #tpu.memory_space<vmem_shared>>
        tpu.enqueue_dma source(%dma_start3A_90 : memref<624x128xf32, #tpu.memory_space<vmem_shared>>) target(%dma_start3A_88 : memref<624x128xf32, #tpu.memory_space<hbm>>) target_semaphore(%run_scoped3A : memref<!tpu.dma_semaphore, #tpu.memory_space<semaphore_mem>>)
        %dma_wait3A = arith.constant 0 : i32
        %dma_wait3A_91 = tpu.memref_slice %arg7[%mul3A_87, %dma_wait3A] : memref<10000x128xf32, #tpu.memory_space<hbm>> -> memref<624x128xf32, #tpu.memory_space<hbm>>
        %dma_wait3A_92 = arith.constant 0 : i32
        %dma_wait3A_93 = tpu.memref_slice %arg12[%mul3A_85, %dma_wait3A_92] : memref<10000x128xf32, #tpu.memory_space<vmem_shared>> -> memref<624x128xf32, #tpu.memory_space<vmem_shared>>
        tpu.wait_dma2 semaphore(%run_scoped3A : memref<!tpu.dma_semaphore, #tpu.memory_space<semaphore_mem>>) src(%dma_wait3A_93 : memref<624x128xf32, #tpu.memory_space<vmem_shared>>) dst(%dma_wait3A_91 : memref<624x128xf32, #tpu.memory_space<hbm>>)
        tpu.yield
      }) : () -> ()
    } else {
    }
    %eq3A_76 = arith.constant 1 : i32
    %eq3A_77 = arith.cmpi eq, %arg0, %eq3A_76 : i32
    %eq3A_78 = arith.constant 15 : i32
    %eq3A_79 = arith.cmpi eq, %arg1, %eq3A_78 : i32
    %and3A_80 = arith.andi %eq3A_77, %eq3A_79 : i1
    %convert_element_type3A_81 = arith.extui %and3A_80 : i1 to i32
    %cond3A_82 = arith.constant 0 : i32
    %cond3A_83 = arith.cmpi ne, %convert_element_type3A_81, %cond3A_82 : i32
    scf.if %cond3A_83 {
      "tpu.region"() ({
        %run_scoped3A = tpu.sem_alloc : memref<!tpu.dma_semaphore, #tpu.memory_space<semaphore_mem>>
        %dma_start3A = arith.constant 9360 : i32
        %dma_start3A_84 = arith.constant 0 : i32
        %dma_start3A_85 = tpu.memref_slice %arg7[%dma_start3A, %dma_start3A_84] : memref<10000x128xf32, #tpu.memory_space<hbm>> -> memref<640x128xf32, #tpu.memory_space<hbm>>
        %dma_start3A_86 = arith.constant 9360 : i32
        %dma_start3A_87 = arith.constant 0 : i32
        %dma_start3A_88 = tpu.memref_slice %arg12[%dma_start3A_86, %dma_start3A_87] : memref<10000x128xf32, #tpu.memory_space<vmem_shared>> -> memref<640x128xf32, #tpu.memory_space<vmem_shared>>
        tpu.enqueue_dma source(%dma_start3A_88 : memref<640x128xf32, #tpu.memory_space<vmem_shared>>) target(%dma_start3A_85 : memref<640x128xf32, #tpu.memory_space<hbm>>) target_semaphore(%run_scoped3A : memref<!tpu.dma_semaphore, #tpu.memory_space<semaphore_mem>>)
        %dma_wait3A = arith.constant 9360 : i32
        %dma_wait3A_89 = arith.constant 0 : i32
        %dma_wait3A_90 = tpu.memref_slice %arg7[%dma_wait3A, %dma_wait3A_89] : memref<10000x128xf32, #tpu.memory_space<hbm>> -> memref<640x128xf32, #tpu.memory_space<hbm>>
        %dma_wait3A_91 = arith.constant 9360 : i32
        %dma_wait3A_92 = arith.constant 0 : i32
        %dma_wait3A_93 = tpu.memref_slice %arg12[%dma_wait3A_91, %dma_wait3A_92] : memref<10000x128xf32, #tpu.memory_space<vmem_shared>> -> memref<640x128xf32, #tpu.memory_space<vmem_shared>>
        tpu.wait_dma2 semaphore(%run_scoped3A : memref<!tpu.dma_semaphore, #tpu.memory_space<semaphore_mem>>) src(%dma_wait3A_93 : memref<640x128xf32, #tpu.memory_space<vmem_shared>>) dst(%dma_wait3A_90 : memref<640x128xf32, #tpu.memory_space<hbm>>)
        tpu.yield
      }) : () -> ()
    } else {
    }
    return
  }
}

module attributes {stable_mosaic.version = 14 : i64} {
  func.func @_tc_layer_body(%arg0: i32, %arg1: memref<1000x128xf32, #tpu.memory_space<vmem>>, %arg2: memref<1000x128xf32, #tpu.memory_space<vmem>>, %arg3: memref<1000x1xf32, #tpu.memory_space<vmem>>, %arg4: memref<1000x1xf32, #tpu.memory_space<vmem>>, %arg5: memref<1000x128xf32, #tpu.memory_space<vmem>>, %arg6: memref<128x128xf32, #tpu.memory_space<vmem>>, %arg7: memref<1x128xf32, #tpu.memory_space<vmem>>, %arg8: memref<128x128xf32, #tpu.memory_space<vmem>>, %arg9: memref<1000x128xf32, #tpu.memory_space<vmem>>, %arg10: memref<1000x1xf32, #tpu.memory_space<vmem>>) attributes {dimension_semantics = [#tpu.dimension_semantics<arbitrary>], iteration_bounds = array<i64: 10>, scalar_prefetch = 0 : i64, scratch_operands = 0 : i64, tpu.core_type = #tpu.core_type<tc>, window_params = [{transform_indices = @transform_0, window_bounds = array<i64: 1000, 128>}, {transform_indices = @transform_1, window_bounds = array<i64: 1000, 128>}, {transform_indices = @transform_2, window_bounds = array<i64: 1000, 1>}, {transform_indices = @transform_3, window_bounds = array<i64: 1000, 1>}, {transform_indices = @transform_4, window_bounds = array<i64: 1000, 128>}, {pipeline_mode = #tpu.pipeline_mode<synchronous>, transform_indices = @transform_5, window_bounds = array<i64: 128, 128>}, {pipeline_mode = #tpu.pipeline_mode<synchronous>, transform_indices = @transform_6, window_bounds = array<i64: 1, 128>}, {pipeline_mode = #tpu.pipeline_mode<synchronous>, transform_indices = @transform_7, window_bounds = array<i64: 128, 128>}, {transform_indices = @transform_8, window_bounds = array<i64: 1000, 128>}, {transform_indices = @transform_9, window_bounds = array<i64: 1000, 1>}]} {
    %get3A = arith.constant 0 : index
    %get3A_0 = arith.constant 0 : index
    %get3A_1 = vector.load %arg3[%get3A, %get3A_0] : memref<1000x1xf32, #tpu.memory_space<vmem>>, vector<1000x1xf32>
    %get3A_2 = arith.constant 0 : index
    %get3A_3 = arith.constant 0 : index
    %get3A_4 = vector.load %arg4[%get3A_2, %get3A_3] : memref<1000x1xf32, #tpu.memory_space<vmem>>, vector<1000x1xf32>
    %add3A = arith.addf %get3A_1, %get3A_4 : vector<1000x1xf32>
    %swap3A = arith.constant 0 : index
    %swap3A_5 = arith.constant 0 : index
    %swap3A_6 = vector.load %arg10[%swap3A, %swap3A_5] : memref<1000x1xf32, #tpu.memory_space<vmem>>, vector<1000x1xf32>
    tpu.vector_store %arg10[%swap3A, %swap3A_5], %add3A {strides = array<i32>} : memref<1000x1xf32, #tpu.memory_space<vmem>>, vector<1000x1xf32>,
    %jit3A = arith.constant 1.000000e+00 : f32
    %max3A = vector.broadcast %jit3A : f32 to vector<1000x1xf32>
    %max3A_7 = arith.maximumf %max3A, %add3A : vector<1000x1xf32>
    %div3A = arith.constant 1.000000e+00 : f32
    %div3A_8 = vector.broadcast %div3A : f32 to vector<1000x1xf32>
    %div3A_9 = arith.divf %div3A_8, %max3A_7 : vector<1000x1xf32>
    %get3A_10 = arith.constant 0 : index
    %get3A_11 = arith.constant 0 : index
    %get3A_12 = vector.load %arg1[%get3A_10, %get3A_11] : memref<1000x128xf32, #tpu.memory_space<vmem>>, vector<1000x128xf32>
    %get3A_13 = arith.constant 0 : index
    %get3A_14 = arith.constant 0 : index
    %get3A_15 = vector.load %arg2[%get3A_13, %get3A_14] : memref<1000x128xf32, #tpu.memory_space<vmem>>, vector<1000x128xf32>
    %add3A_16 = arith.addf %get3A_12, %get3A_15 : vector<1000x128xf32>
    %mul3A = vector.broadcast %div3A_9 : vector<1000x1xf32> to vector<1000x128xf32>
    %mul3A_17 = arith.mulf %add3A_16, %mul3A : vector<1000x128xf32>
    %get3A_18 = arith.constant 0 : index
    %get3A_19 = arith.constant 0 : index
    %get3A_20 = vector.load %arg6[%get3A_18, %get3A_19] : memref<128x128xf32, #tpu.memory_space<vmem>>, vector<128x128xf32>
    %dot_general3A = arith.constant dense<0.000000e+00> : vector<1000x128xf32>
    %dot_general3A_21 = tpu.matmul %mul3A_17, %get3A_20, %dot_general3A {dimension_numbers = #tpu.dot_dimension_numbers<[1], [1], [0], [0], [0, 0, 1, 0], [], []>, transpose_lhs_hint = false} : vector<1000x128xf32>, vector<128x128xf32>, vector<1000x128xf32> -> vector<1000x128xf32>
    %get3A_22 = arith.constant 0 : index
    %get3A_23 = arith.constant 0 : index
    %get3A_24 = vector.load %arg7[%get3A_22, %get3A_23] : memref<1x128xf32, #tpu.memory_space<vmem>>, vector<1x128xf32>
    %add3A_25 = vector.broadcast %get3A_24 : vector<1x128xf32> to vector<1000x128xf32>
    %add3A_26 = arith.addf %dot_general3A_21, %add3A_25 : vector<1000x128xf32>
    %get3A_27 = arith.constant 0 : index
    %get3A_28 = arith.constant 0 : index
    %get3A_29 = vector.load %arg5[%get3A_27, %get3A_28] : memref<1000x128xf32, #tpu.memory_space<vmem>>, vector<1000x128xf32>
    %get3A_30 = arith.constant 0 : index
    %get3A_31 = arith.constant 0 : index
    %get3A_32 = vector.load %arg8[%get3A_30, %get3A_31] : memref<128x128xf32, #tpu.memory_space<vmem>>, vector<128x128xf32>
    %dot_general3A_33 = arith.constant dense<0.000000e+00> : vector<1000x128xf32>
    %dot_general3A_34 = tpu.matmul %get3A_29, %get3A_32, %dot_general3A_33 {dimension_numbers = #tpu.dot_dimension_numbers<[1], [1], [0], [0], [0, 0, 1, 0], [], []>, transpose_lhs_hint = false} : vector<1000x128xf32>, vector<128x128xf32>, vector<1000x128xf32> -> vector<1000x128xf32>
    %add3A_35 = arith.addf %add3A_26, %dot_general3A_34 : vector<1000x128xf32>
    %max3A_36 = arith.constant 0.000000e+00 : f32
    %max3A_37 = vector.broadcast %max3A_36 : f32 to vector<1000x128xf32>
    %max3A_38 = arith.maximumf %add3A_35, %max3A_37 : vector<1000x128xf32>
    %swap3A_39 = arith.constant 0 : index
    %swap3A_40 = arith.constant 0 : index
    %swap3A_41 = vector.load %arg9[%swap3A_39, %swap3A_40] : memref<1000x128xf32, #tpu.memory_space<vmem>>, vector<1000x128xf32>
    tpu.vector_store %arg9[%swap3A_39, %swap3A_40], %max3A_38 {strides = array<i32>} : memref<1000x128xf32, #tpu.memory_space<vmem>>, vector<1000x128xf32>,
    return
  }
  func.func @transform_0(%arg0: i32) -> (i32, i32) {
    %c0_i32 = arith.constant 0 : i32
    %c0_i32_0 = arith.constant 0 : i32
    return %arg0, %c0_i32 : i32, i32
  }
  func.func @transform_1(%arg0: i32) -> (i32, i32) {
    %c0_i32 = arith.constant 0 : i32
    %c0_i32_0 = arith.constant 0 : i32
    return %arg0, %c0_i32 : i32, i32
  }
  func.func @transform_2(%arg0: i32) -> (i32, i32) {
    %c0_i32 = arith.constant 0 : i32
    %c0_i32_0 = arith.constant 0 : i32
    return %arg0, %c0_i32 : i32, i32
  }
  func.func @transform_3(%arg0: i32) -> (i32, i32) {
    %c0_i32 = arith.constant 0 : i32
    %c0_i32_0 = arith.constant 0 : i32
    return %arg0, %c0_i32 : i32, i32
  }
  func.func @transform_4(%arg0: i32) -> (i32, i32) {
    %c0_i32 = arith.constant 0 : i32
    %c0_i32_0 = arith.constant 0 : i32
    return %arg0, %c0_i32 : i32, i32
  }
  func.func @transform_5(%arg0: i32) -> (i32, i32) {
    %c0_i32 = arith.constant 0 : i32
    %c0_i32_0 = arith.constant 0 : i32
    %c0_i32_1 = arith.constant 0 : i32
    return %c0_i32, %c0_i32_0 : i32, i32
  }
  func.func @transform_6(%arg0: i32) -> (i32, i32) {
    %c0_i32 = arith.constant 0 : i32
    %c0_i32_0 = arith.constant 0 : i32
    %c0_i32_1 = arith.constant 0 : i32
    return %c0_i32, %c0_i32_0 : i32, i32
  }
  func.func @transform_7(%arg0: i32) -> (i32, i32) {
    %c0_i32 = arith.constant 0 : i32
    %c0_i32_0 = arith.constant 0 : i32
    %c0_i32_1 = arith.constant 0 : i32
    return %c0_i32, %c0_i32_0 : i32, i32
  }
  func.func @transform_8(%arg0: i32) -> (i32, i32) {
    %c0_i32 = arith.constant 0 : i32
    %c0_i32_0 = arith.constant 0 : i32
    return %arg0, %c0_i32 : i32, i32
  }
  func.func @transform_9(%arg0: i32) -> (i32, i32) {
    %c0_i32 = arith.constant 0 : i32
    %c0_i32_0 = arith.constant 0 : i32
    return %arg0, %c0_i32 : i32, i32
  }
}

module attributes {stable_mosaic.version = 14 : i64} {
  func.func @_tc_final_body(%arg0: i32, %arg1: memref<1000x128xf32, #tpu.memory_space<vmem>>, %arg2: memref<1000x128xf32, #tpu.memory_space<vmem>>, %arg3: memref<1000x1xf32, #tpu.memory_space<vmem>>, %arg4: memref<1000x128xf32, #tpu.memory_space<vmem>>, %arg5: memref<128x128xf32, #tpu.memory_space<vmem>>, %arg6: memref<1x128xf32, #tpu.memory_space<vmem>>, %arg7: memref<128x128xf32, #tpu.memory_space<vmem>>, %arg8: memref<1000x1xi32, #tpu.memory_space<vmem>>, %arg9: memref<64x128xf32, #tpu.memory_space<vmem>>, %arg10: memref<1x64xf32, #tpu.memory_space<vmem>>, %arg11: memref<16x64xf32, #tpu.memory_space<vmem>>, %arg12: memref<16x128xf32, #tpu.memory_space<vmem>>, %arg13: memref<16x128xf32, #tpu.memory_space<vmem>>) attributes {dimension_semantics = [#tpu.dimension_semantics<arbitrary>], iteration_bounds = array<i64: 10>, scalar_prefetch = 0 : i64, scratch_operands = 2 : i64, tpu.core_type = #tpu.core_type<tc>, window_params = [{transform_indices = @transform_0, window_bounds = array<i64: 1000, 128>}, {transform_indices = @transform_1, window_bounds = array<i64: 1000, 128>}, {transform_indices = @transform_2, window_bounds = array<i64: 1000, 1>}, {transform_indices = @transform_3, window_bounds = array<i64: 1000, 128>}, {pipeline_mode = #tpu.pipeline_mode<synchronous>, transform_indices = @transform_4, window_bounds = array<i64: 128, 128>}, {pipeline_mode = #tpu.pipeline_mode<synchronous>, transform_indices = @transform_5, window_bounds = array<i64: 1, 128>}, {pipeline_mode = #tpu.pipeline_mode<synchronous>, transform_indices = @transform_6, window_bounds = array<i64: 128, 128>}, {transform_indices = @transform_7, window_bounds = array<i64: 1000, 1>}, {pipeline_mode = #tpu.pipeline_mode<synchronous>, transform_indices = @transform_8, window_bounds = array<i64: 64, 128>}, {pipeline_mode = #tpu.pipeline_mode<synchronous>, transform_indices = @transform_9, window_bounds = array<i64: 1, 64>}, {pipeline_mode = #tpu.pipeline_mode<synchronous>, transform_indices = @transform_10, window_bounds = array<i64: 16, 64>}]} {
    %eq3A = arith.constant 0 : i32
    %eq3A_0 = arith.cmpi eq, %arg0, %eq3A : i32
    %convert_element_type3A = arith.extui %eq3A_0 : i1 to i32
    %cond3A = arith.constant 0 : i32
    %cond3A_1 = arith.cmpi ne, %convert_element_type3A, %cond3A : i32
    scf.if %cond3A_1 {
      %broadcast_in_dim3A_66 = arith.constant 0.000000e+00 : f32
      %broadcast_in_dim3A_67 = vector.broadcast %broadcast_in_dim3A_66 : f32 to vector<16x128xf32>
      %swap3A_68 = arith.constant 0 : index
      %swap3A_69 = arith.constant 0 : index
      %swap3A_70 = vector.load %arg12[%swap3A_68, %swap3A_69] : memref<16x128xf32, #tpu.memory_space<vmem>>, vector<16x128xf32>
      tpu.vector_store %arg12[%swap3A_68, %swap3A_69], %broadcast_in_dim3A_67 {strides = array<i32>} : memref<16x128xf32, #tpu.memory_space<vmem>>, vector<16x128xf32>,
      %broadcast_in_dim3A_71 = arith.constant 0.000000e+00 : f32
      %broadcast_in_dim3A_72 = vector.broadcast %broadcast_in_dim3A_71 : f32 to vector<16x128xf32>
      %swap3A_73 = arith.constant 0 : index
      %swap3A_74 = arith.constant 0 : index
      %swap3A_75 = vector.load %arg13[%swap3A_73, %swap3A_74] : memref<16x128xf32, #tpu.memory_space<vmem>>, vector<16x128xf32>
      tpu.vector_store %arg13[%swap3A_73, %swap3A_74], %broadcast_in_dim3A_72 {strides = array<i32>} : memref<16x128xf32, #tpu.memory_space<vmem>>, vector<16x128xf32>,
    } else {
    }
    %get3A = arith.constant 0 : index
    %get3A_2 = arith.constant 0 : index
    %get3A_3 = vector.load %arg3[%get3A, %get3A_2] : memref<1000x1xf32, #tpu.memory_space<vmem>>, vector<1000x1xf32>
    %jit3A = arith.constant 1.000000e+00 : f32
    %max3A = vector.broadcast %jit3A : f32 to vector<1000x1xf32>
    %max3A_4 = arith.maximumf %max3A, %get3A_3 : vector<1000x1xf32>
    %div3A = arith.constant 1.000000e+00 : f32
    %div3A_5 = vector.broadcast %div3A : f32 to vector<1000x1xf32>
    %div3A_6 = arith.divf %div3A_5, %max3A_4 : vector<1000x1xf32>
    %get3A_7 = arith.constant 0 : index
    %get3A_8 = arith.constant 0 : index
    %get3A_9 = vector.load %arg1[%get3A_7, %get3A_8] : memref<1000x128xf32, #tpu.memory_space<vmem>>, vector<1000x128xf32>
    %get3A_10 = arith.constant 0 : index
    %get3A_11 = arith.constant 0 : index
    %get3A_12 = vector.load %arg2[%get3A_10, %get3A_11] : memref<1000x128xf32, #tpu.memory_space<vmem>>, vector<1000x128xf32>
    %add3A = arith.addf %get3A_9, %get3A_12 : vector<1000x128xf32>
    %mul3A = vector.broadcast %div3A_6 : vector<1000x1xf32> to vector<1000x128xf32>
    %mul3A_13 = arith.mulf %add3A, %mul3A : vector<1000x128xf32>
    %get3A_14 = arith.constant 0 : index
    %get3A_15 = arith.constant 0 : index
    %get3A_16 = vector.load %arg5[%get3A_14, %get3A_15] : memref<128x128xf32, #tpu.memory_space<vmem>>, vector<128x128xf32>
    %dot_general3A = arith.constant dense<0.000000e+00> : vector<1000x128xf32>
    %dot_general3A_17 = tpu.matmul %mul3A_13, %get3A_16, %dot_general3A {dimension_numbers = #tpu.dot_dimension_numbers<[1], [1], [0], [0], [0, 0, 1, 0], [], []>, transpose_lhs_hint = false} : vector<1000x128xf32>, vector<128x128xf32>, vector<1000x128xf32> -> vector<1000x128xf32>
    %get3A_18 = arith.constant 0 : index
    %get3A_19 = arith.constant 0 : index
    %get3A_20 = vector.load %arg6[%get3A_18, %get3A_19] : memref<1x128xf32, #tpu.memory_space<vmem>>, vector<1x128xf32>
    %add3A_21 = vector.broadcast %get3A_20 : vector<1x128xf32> to vector<1000x128xf32>
    %add3A_22 = arith.addf %dot_general3A_17, %add3A_21 : vector<1000x128xf32>
    %get3A_23 = arith.constant 0 : index
    %get3A_24 = arith.constant 0 : index
    %get3A_25 = vector.load %arg4[%get3A_23, %get3A_24] : memref<1000x128xf32, #tpu.memory_space<vmem>>, vector<1000x128xf32>
    %get3A_26 = arith.constant 0 : index
    %get3A_27 = arith.constant 0 : index
    %get3A_28 = vector.load %arg7[%get3A_26, %get3A_27] : memref<128x128xf32, #tpu.memory_space<vmem>>, vector<128x128xf32>
    %dot_general3A_29 = arith.constant dense<0.000000e+00> : vector<1000x128xf32>
    %dot_general3A_30 = tpu.matmul %get3A_25, %get3A_28, %dot_general3A_29 {dimension_numbers = #tpu.dot_dimension_numbers<[1], [1], [0], [0], [0, 0, 1, 0], [], []>, transpose_lhs_hint = false} : vector<1000x128xf32>, vector<128x128xf32>, vector<1000x128xf32> -> vector<1000x128xf32>
    %add3A_31 = arith.addf %add3A_22, %dot_general3A_30 : vector<1000x128xf32>
    %max3A_32 = arith.constant 0.000000e+00 : f32
    %max3A_33 = vector.broadcast %max3A_32 : f32 to vector<1000x128xf32>
    %max3A_34 = arith.maximumf %add3A_31, %max3A_33 : vector<1000x128xf32>
    %iota3A = tpu.iota {dimensions = array<i32: 1>} : vector<1x16xi32>
    %get3A_35 = arith.constant 0 : index
    %get3A_36 = arith.constant 0 : index
    %get3A_37 = vector.load %arg8[%get3A_35, %get3A_36] : memref<1000x1xi32, #tpu.memory_space<vmem>>, vector<1000x1xi32>
    %eq3A_38 = vector.broadcast %get3A_37 : vector<1000x1xi32> to vector<1000x16xi32>
    %eq3A_39 = vector.broadcast %iota3A : vector<1x16xi32> to vector<1000x16xi32>
    %eq3A_40 = arith.cmpi eq, %eq3A_38, %eq3A_39 : vector<1000x16xi32>
    %convert_element_type3A_41 = arith.extui %eq3A_40 : vector<1000x16xi1> to vector<1000x16xi32>
    %convert_element_type3A_42 = arith.sitofp %convert_element_type3A_41 : vector<1000x16xi32> to vector<1000x16xf32>
    %get3A_43 = arith.constant 0 : index
    %get3A_44 = arith.constant 0 : index
    %get3A_45 = vector.load %arg12[%get3A_43, %get3A_44] : memref<16x128xf32, #tpu.memory_space<vmem>>, vector<16x128xf32>
    %dot_general3A_46 = arith.constant dense<0.000000e+00> : vector<16x128xf32>
    %dot_general3A_47 = tpu.matmul %convert_element_type3A_42, %max3A_34, %dot_general3A_46 {dimension_numbers = #tpu.dot_dimension_numbers<[0], [0], [1], [1], [0, 1, 1, 1], [], []>, transpose_lhs_hint = false} : vector<1000x16xf32>, vector<1000x128xf32>, vector<16x128xf32> -> vector<16x128xf32>
    %add3A_48 = arith.addf %get3A_45, %dot_general3A_47 : vector<16x128xf32>
    %swap3A = arith.constant 0 : index
    %swap3A_49 = arith.constant 0 : index
    %swap3A_50 = vector.load %arg12[%swap3A, %swap3A_49] : memref<16x128xf32, #tpu.memory_space<vmem>>, vector<16x128xf32>
    tpu.vector_store %arg12[%swap3A, %swap3A_49], %add3A_48 {strides = array<i32>} : memref<16x128xf32, #tpu.memory_space<vmem>>, vector<16x128xf32>,
    %get3A_51 = arith.constant 0 : index
    %get3A_52 = arith.constant 0 : index
    %get3A_53 = vector.load %arg13[%get3A_51, %get3A_52] : memref<16x128xf32, #tpu.memory_space<vmem>>, vector<16x128xf32>
    %broadcast_in_dim3A = arith.constant 1.000000e+00 : f32
    %broadcast_in_dim3A_54 = vector.broadcast %broadcast_in_dim3A : f32 to vector<1000x128xf32>
    %dot_general3A_55 = arith.constant dense<0.000000e+00> : vector<16x128xf32>
    %dot_general3A_56 = tpu.matmul %convert_element_type3A_42, %broadcast_in_dim3A_54, %dot_general3A_55 {dimension_numbers = #tpu.dot_dimension_numbers<[0], [0], [1], [1], [0, 1, 1, 1], [], []>, transpose_lhs_hint = false} : vector<1000x16xf32>, vector<1000x128xf32>, vector<16x128xf32> -> vector<16x128xf32>
    %add3A_57 = arith.addf %get3A_53, %dot_general3A_56 : vector<16x128xf32>
    %swap3A_58 = arith.constant 0 : index
    %swap3A_59 = arith.constant 0 : index
    %swap3A_60 = vector.load %arg13[%swap3A_58, %swap3A_59] : memref<16x128xf32, #tpu.memory_space<vmem>>, vector<16x128xf32>
    tpu.vector_store %arg13[%swap3A_58, %swap3A_59], %add3A_57 {strides = array<i32>} : memref<16x128xf32, #tpu.memory_space<vmem>>, vector<16x128xf32>,
    %eq3A_61 = arith.constant 9 : i32
    %eq3A_62 = arith.cmpi eq, %arg0, %eq3A_61 : i32
    %convert_element_type3A_63 = arith.extui %eq3A_62 : i1 to i32
    %cond3A_64 = arith.constant 0 : i32
    %cond3A_65 = arith.cmpi ne, %convert_element_type3A_63, %cond3A_64 : i32
    scf.if %cond3A_65 {
      %get3A_66 = arith.constant 0 : index
      %get3A_67 = arith.constant 0 : index
      %get3A_68 = vector.load %arg12[%get3A_66, %get3A_67] : memref<16x128xf32, #tpu.memory_space<vmem>>, vector<16x128xf32>
      %get3A_69 = arith.constant 0 : index
      %get3A_70 = arith.constant 0 : index
      %get3A_71 = vector.load %arg13[%get3A_69, %get3A_70] : memref<16x128xf32, #tpu.memory_space<vmem>>, vector<16x128xf32>
      %jit3A_72 = arith.constant 1.000000e+00 : f32
      %max3A_73 = vector.broadcast %jit3A_72 : f32 to vector<16x128xf32>
      %max3A_74 = arith.maximumf %max3A_73, %get3A_71 : vector<16x128xf32>
      %div3A_75 = arith.divf %get3A_68, %max3A_74 : vector<16x128xf32>
      %get3A_76 = arith.constant 0 : index
      %get3A_77 = arith.constant 0 : index
      %get3A_78 = vector.load %arg9[%get3A_76, %get3A_77] : memref<64x128xf32, #tpu.memory_space<vmem>>, vector<64x128xf32>
      %dot_general3A_79 = arith.constant dense<0.000000e+00> : vector<16x64xf32>
      %dot_general3A_80 = tpu.matmul %div3A_75, %get3A_78, %dot_general3A_79 {dimension_numbers = #tpu.dot_dimension_numbers<[1], [1], [0], [0], [0, 0, 1, 0], [], []>, transpose_lhs_hint = false} : vector<16x128xf32>, vector<64x128xf32>, vector<16x64xf32> -> vector<16x64xf32>
      %get3A_81 = arith.constant 0 : index
      %get3A_82 = arith.constant 0 : index
      %get3A_83 = vector.load %arg10[%get3A_81, %get3A_82] : memref<1x64xf32, #tpu.memory_space<vmem>>, vector<1x64xf32>
      %add3A_84 = vector.broadcast %get3A_83 : vector<1x64xf32> to vector<16x64xf32>
      %add3A_85 = arith.addf %dot_general3A_80, %add3A_84 : vector<16x64xf32>
      %swap3A_86 = arith.constant 0 : index
      %swap3A_87 = arith.constant 0 : index
      %swap3A_88 = vector.load %arg11[%swap3A_86, %swap3A_87] : memref<16x64xf32, #tpu.memory_space<vmem>>, vector<16x64xf32>
      tpu.vector_store %arg11[%swap3A_86, %swap3A_87], %add3A_85 {strides = array<i32>} : memref<16x64xf32, #tpu.memory_space<vmem>>, vector<16x64xf32>,
    } else {
    }
    return
  }
  func.func @transform_0(%arg0: i32) -> (i32, i32) {
    %c0_i32 = arith.constant 0 : i32
    %c0_i32_0 = arith.constant 0 : i32
    return %arg0, %c0_i32 : i32, i32
  }
  func.func @transform_1(%arg0: i32) -> (i32, i32) {
    %c0_i32 = arith.constant 0 : i32
    %c0_i32_0 = arith.constant 0 : i32
    return %arg0, %c0_i32 : i32, i32
  }
  func.func @transform_2(%arg0: i32) -> (i32, i32) {
    %c0_i32 = arith.constant 0 : i32
    %c0_i32_0 = arith.constant 0 : i32
    return %arg0, %c0_i32 : i32, i32
  }
  func.func @transform_3(%arg0: i32) -> (i32, i32) {
    %c0_i32 = arith.constant 0 : i32
    %c0_i32_0 = arith.constant 0 : i32
    return %arg0, %c0_i32 : i32, i32
  }
  func.func @transform_4(%arg0: i32) -> (i32, i32) {
    %c0_i32 = arith.constant 0 : i32
    %c0_i32_0 = arith.constant 0 : i32
    %c0_i32_1 = arith.constant 0 : i32
    return %c0_i32, %c0_i32_0 : i32, i32
  }
  func.func @transform_5(%arg0: i32) -> (i32, i32) {
    %c0_i32 = arith.constant 0 : i32
    %c0_i32_0 = arith.constant 0 : i32
    %c0_i32_1 = arith.constant 0 : i32
    return %c0_i32, %c0_i32_0 : i32, i32
  }
  func.func @transform_6(%arg0: i32) -> (i32, i32) {
    %c0_i32 = arith.constant 0 : i32
    %c0_i32_0 = arith.constant 0 : i32
    %c0_i32_1 = arith.constant 0 : i32
    return %c0_i32, %c0_i32_0 : i32, i32
  }
  func.func @transform_7(%arg0: i32) -> (i32, i32) {
    %c0_i32 = arith.constant 0 : i32
    %c0_i32_0 = arith.constant 0 : i32
    return %arg0, %c0_i32 : i32, i32
  }
  func.func @transform_8(%arg0: i32) -> (i32, i32) {
    %c0_i32 = arith.constant 0 : i32
    %c0_i32_0 = arith.constant 0 : i32
    %c0_i32_1 = arith.constant 0 : i32
    return %c0_i32, %c0_i32_0 : i32, i32
  }
  func.func @transform_9(%arg0: i32) -> (i32, i32) {
    %c0_i32 = arith.constant 0 : i32
    %c0_i32_0 = arith.constant 0 : i32
    %c0_i32_1 = arith.constant 0 : i32
    return %c0_i32, %c0_i32_0 : i32, i32
  }
  func.func @transform_10(%arg0: i32) -> (i32, i32) {
    %c0_i32 = arith.constant 0 : i32
    %c0_i32_0 = arith.constant 0 : i32
    %c0_i32_1 = arith.constant 0 : i32
    return %c0_i32, %c0_i32_0 : i32, i32
  }
}

</mosaic_0001>

<sc_bundles>
// kernel: kernel.6.cloned.1.call-start
scs
__scs_entry_jumppad:
0x0: {  	(pc) =	sbr.rel $0x88, $3  }
0x1: {  	(tag) =	ssettag $0x0;
	lr =	simm.s32 $0x1  }
0x2: {  	[smem:$0x3F96] =	sst lr;
	_ =	strace $0xD0000000  }
0x3: {  	_ = 	snop  }
0x4: {  	_ = 	snop  }
0x5: {  	_ = 	snop  }
0x6: {  	_ = 	snop  }
0x7: {  	_ = 	snop  }
__scs_overlays_trampoline_lowered:
0x8: {  	[smem:$0x3FA5] =	sst s0  }
0x9: {  	[smem:$0x3FA6] =	sst s1  }
0xa: {  	[smem:$0x3FA7] =	sst s2  }
0xb: {  	[smem:$0x3FA8] =	sst s3  }
0xc: {  	[smem:$0x3FA9] =	sst s4  }
0xd: {  	[smem:$0x3FAA] =	sst s5  }
0xe: {  	[smem:$0x3FAB] =	sst s6  }
0xf: {  	[smem:$0x3FAC] =	sst s7  }
0x10: {  	[smem:$0x3FAD] =	sst s8  }
0x11: {  	[smem:$0x3FAE] =	sst s9;
	s0 =	simm.s32 @!p0 $0x0  }
0x12: {  	s1 =	sld [smem:$0x3F94];
	s0 =	simm.s32 @p0 $0x1  }
0x13: {  	[smem:$0x3FAF] =	sst s0;
	s0 =	simm.s32 @!p1 $0x0  }
0x14: {  	s2 =	sld [smem:$0x3F93];
	s0 =	simm.s32 @p1 $0x1  }
0x15: {  	[smem:$0x3FB0] =	sst s0;
	s0 =	simm.s32 @!p2 $0x0  }
0x16: {  	s3 =	sld [smem:$0x3FDB];
	s0 =	simm.s32 @p2 $0x1  }
0x17: {  	s4 =	simm.s32 $0x1BF5;
	[smem:$0x3FB2] =	sst s0  }
0x18: {  	s0 =	sld [smem:$0x3F95];
	_ =	swait.ge [sflag:s4], $0x0  }
0x19: {  	s7 =	sld [smem:$0x3F96]  }
0x1a: {  	s8 =	sadd.s32 $0xFFFFE003, lr  }
0x1b: {  	s9 =	sadd.s32 $0xFFFFFEF7, lr;
	s5 =	simm.s32 $0xFFFFFFFF;
	p2 =	slt.u32 s8, $0xFFFFF086  }
0x1c: {  	p1 =	slt.u32 s9, $0xF7A;
	s5 =	simm.s32 @!p2 $0x0  }
0x1d: {  	s5 =	simm.s32 @p1 $0x1;
	p0 =	seq.s32 s7, s2  }
0x1e: {  	s7 =	smul.u32 @!p0 $0xF7A, s2;
	p2 =	seq.s32 @!p0 s5, $0x0  }
0x1f: {  	s9 =	smul.u32 $0xF7A, s1;
	s8 =	simm.s32 @!p0 $0x1BF5;
	p2 =	por !p2, p0  }
0x20: {  	[sflag:s8] =	ssyncset.s32 @!p0 $0xFFFFF086;
	s6 =	sadd.s32 @!p0 s3, s7;
	s7 =	simm.s32 @!p0 $0x108  }
0x21: {  	s3 =	sadd.s32 s3, s9;
	s6 =	sadd.s32 @!p0 $0x88, s6;
	s7 =	simm.s32 @p2 $0x1082  }
0x22: {  	[simem:s7], [sflag:s8] =	dma.local @!p0 [hbm:s6], $0xF7A  }
0x23: {  	s9 =	sor.u32 $0xD0000000, s2;
	s6 =	simm.s32 $0x108;
	_ =	swait.ge @!p0 [sflag:s8], $0x0  }
0x24: {  	s3 =	sadd.s32 $0x88, s3;
	s6 =	simm.s32 @!p1 $0x1082;
	[sflag:s4] =	ssyncset.s32 $0xFFFFF086  }
0x25: {  	[simem:s6], [sflag:s4] =	dma.local [hbm:s3], $0xF7A  }
0x26: {  	[smem:$0x3F96] =	sst s1;
	(tag) =	ssettag s2;
	_ =	strace s9  }
0x27: {  	s1 =	sld [smem:$0x3FA6]  }
0x28: {  	s2 =	sld [smem:$0x3FA7]  }
0x29: {  	s4 =	sld [smem:$0x3FA9]  }
0x2a: {  	p0 =	seq.s32 s5, $0x0;
	s5 =	sld [smem:$0x3FAA]  }
0x2b: {  	s6 =	sld [smem:$0x3FAB]  }
0x2c: {  	s7 =	sld [smem:$0x3FAC]  }
0x2d: {  	s3 =	simm.s32 $0x108;
	s8 =	sld [smem:$0x3FAD]  }
0x2e: {  	s3 =	simm.s32 @!p0 $0x1082;
	s9 =	sld [smem:$0x3FAE]  }
0x2f: {  	lr =	sadd.s32 s0, s3;
	s0 =	sld [smem:$0x3FA5]  }
0x30: {  	s3 =	sld [smem:$0x3FA8]  }
0x31: {  	[smem:$0x3FB1] =	sst s10  }
0x32: {  	s10 =	sld [smem:$0x3FAF];
	_ =	sdelay $0x3  }
0x33: {  	p0 =	seq.s32 s10, $0x1;
	s10 =	sld [smem:$0x3FB1];
	_ =	sdelay $0x3  }
0x34: {  	[smem:$0x3FB1] =	sst s10  }
0x35: {  	s10 =	sld [smem:$0x3FB0];
	_ =	sdelay $0x3  }
0x36: {  	p1 =	seq.s32 s10, $0x1;
	s10 =	sld [smem:$0x3FB1];
	_ =	sdelay $0x3  }
0x37: {  	[smem:$0x3FB1] =	sst s10  }
0x38: {  	s10 =	sld [smem:$0x3FB2]  }
0x39: {  	_ = 	snop;
	(pc) =	sbr.ind lr, $3  }
0x3a: {  	_ = 	snop  }
0x3b: {  	_ = 	snop  }
0x3c: {  	p2 =	seq.s32 s10, $0x1;
	s10 =	sld [smem:$0x3FB1]  }
0x3d: {  	_ =	shalt  }
0x3e: {  	_ =	shalt  }
0x3f: {  	_ =	shalt  }
0x40: {  	_ =	shalt  }
0x41: {  	_ =	shalt  }
0x42: {  	_ =	shalt  }
0x43: {  	_ =	shalt  }
0x44: {  	_ =	shalt  }
0x45: {  	_ =	shalt  }
0x46: {  	_ =	shalt  }
0x47: {  	_ =	shalt  }
0x48: {  	_ =	shalt  }
0x49: {  	_ =	shalt  }
0x4a: {  	_ =	shalt  }
0x4b: {  	_ =	shalt  }
0x4c: {  	_ =	shalt  }
0x4d: {  	_ =	shalt  }
0x4e: {  	_ =	shalt  }
0x4f: {  	_ =	shalt  }
0x50: {  	_ =	shalt  }
0x51: {  	_ =	shalt  }
0x52: {  	_ =	shalt  }
0x53: {  	_ =	shalt  }
0x54: {  	_ =	shalt  }
0x55: {  	_ =	shalt  }
0x56: {  	_ =	shalt  }
0x57: {  	_ =	shalt  }
0x58: {  	_ =	shalt  }
0x59: {  	_ =	shalt  }
0x5a: {  	_ =	shalt  }
0x5b: {  	_ =	shalt  }
0x5c: {  	_ =	shalt  }
0x5d: {  	_ =	shalt  }
0x5e: {  	_ =	shalt  }
0x5f: {  	_ =	shalt  }
0x60: {  	_ =	shalt  }
0x61: {  	_ =	shalt  }
0x62: {  	_ =	shalt  }
0x63: {  	_ =	shalt  }
0x64: {  	_ =	shalt  }
0x65: {  	_ =	shalt  }
0x66: {  	_ =	shalt  }
0x67: {  	_ =	shalt  }
0x68: {  	_ =	shalt  }
0x69: {  	_ =	shalt  }
0x6a: {  	_ =	shalt  }
0x6b: {  	_ =	shalt  }
0x6c: {  	_ =	shalt  }
0x6d: {  	_ =	shalt  }
0x6e: {  	_ =	shalt  }
0x6f: {  	_ =	shalt  }
0x70: {  	_ =	shalt  }
0x71: {  	_ =	shalt  }
0x72: {  	_ =	shalt  }
0x73: {  	_ =	shalt  }
0x74: {  	_ =	shalt  }
0x75: {  	_ =	shalt  }
0x76: {  	_ =	shalt  }
0x77: {  	_ =	shalt  }
0x78: {  	_ =	shalt  }
0x79: {  	_ =	shalt  }
0x7a: {  	_ =	shalt  }
0x7b: {  	_ =	shalt  }
0x7c: {  	_ =	shalt  }
0x7d: {  	_ =	shalt  }
0x7e: {  	_ =	shalt  }
0x7f: {  	_ =	shalt  }
0x80: {  	_ =	shalt  }
0x81: {  	_ =	shalt  }
0x82: {  	_ =	shalt  }
0x83: {  	_ =	shalt  }
0x84: {  	_ =	shalt  }
0x85: {  	_ =	shalt  }
0x86: {  	_ =	shalt  }
0x87: {  	_ =	shalt  }
.Lfunc_end0:
.L_simem_size_0:
called_computation_lowered:
.L_overlay_start_0:
0x88: {  	s2 =	sld [smem:$0x3FD9]  }
0x89: {  	s3 =	sld [smem:$0x3FFE];
	_ =	sdelay $0x1  }
0x8a: {  	s1 =	srdreg.scid  }
0x8b: {  	s0 =	sand.u32 $0x1, s1  }
0x8c: {  	s17 =	sshll.u32 s0, $0xA;
	s2 =	sadd.s32 s3, s2  }
0x8d: {  	s2 =	sadd.s32 s2, s17  }
0x8e: {  	[smem:$0x3FBD] =	sst s2  }
0x8f: {  	_ = 	snop  }
0x90: {  	s2 =	sld [smem:$0x3FC9];
	(tm) =	ssettm $0x1  }
0x91: {  	s18 =	sld [smem:$0x3FFB];
	_ =	sdelay $0x3  }
0x92: {  	_ =	strace s18  }
0x93: {  	s3 =	sld [smem:$0x3FFC];
	_ =	sdelay $0x3  }
0x94: {  	_ =	strace s3  }
0x95: {  	s3 =	sld [smem:$0x3FFD];
	_ =	sdelay $0x3  }
0x96: {  	_ =	strace s3  }
0x97: {  	_ =	strace $0x8FFFFFFF  }
0x98: {  	s19 =	sld [smem:$0x3FDB];
	_ =	sdelay $0x1  }
0x99: {  	s4 =	simm.s32 $_scs_section_size  }
0x9a: {  	s5 =	simm.s32 $_size__tile_overlayer_lowered;
	s6 =	simm.s32 $_tile_overlayer_lowered  }
0x9b: {  	s22 =	simm.s32 $0x1BFF;
	s21 =	sshll.u32 s6, $0x1;
	s3 =	sadd.s32 s4, s19  }
0x9c: {  	s7 =	simm.s32 $0x0;
	s20 =	sshll.u32 s5, $0x1;
	s5 =	sadd.s32 s21, s3  }
0x9d: {  	[timem:s7], [sflag:s22] =	dma.local [hbm:s5], s20  }
0x9e: {  	_ =	swait.ge [sflag:s22], s20  }
0x9f: {  	s4 =	ssub.s32 $0x0, s20;
	[sflag:s22] =	ssyncset.done $0x0  }
0xa0: {  	[sflag:s22] =	ssyncadd.s32 s4;
	_ =	sdelay $0x1  }
0xa1: {  	s23 =	simm.s32 $0x1B8B  }
0xa2: {  	_ =	swait.ge [sflag:s23], $0x1  }
0xa3: {  	[sflag:s23] =	ssyncset.done $0x0  }
0xa4: {  	s25 =	simm.s32 $0x1B8E;
	s24 =	sld [smem:$0x3FFE];
	[sflag:s23] =	ssyncadd.s32 $0xFFFFFFFF  }
0xa5: {  	s26 =	simm.s32 $execute0_lowered;
	[smem:$0x3FD2] =	sst s25  }
0xa6: {  	s5 =	sshll.u32 s26, $0x1;
	_ =	strace $0x80000046;
	[dreg:$0x1] =	wrdreg $0xFFFFFFFF  }
0xa7: {  	s28 =	simm.s32 $_size_execute0_lowered;
	s3 =	sadd.s32 s3, s5;
	[dreg:$0x0] =	wrdreg $0x0  }
0xa8: {  	s5 =	sshll.u32 s28, $0x1;
	[dreg:$0x2] =	wrdreg s3  }
0xa9: {  	[dreg:$0x3] =	wrdreg s5  }
0xaa: {  	[dreg:$0x4] =	wrdreg $0xC0  }
0xab: {  	_ =	task [dreg:s7], $0x5FFFF  }
0xac: {  	[dreg:$0x1] =	wrdreg $0xFFFFFFFF  }
0xad: {  	[dreg:$0x0] =	wrdreg $0x60  }
0xae: {  	[dreg:$0x2] =	wrdreg s2  }
0xaf: {  	[dreg:$0x3] =	wrdreg s24  }
0xb0: {  	[dreg:$0x4] =	wrdreg $0xA8000  }
0xb1: {  	[dreg:$0x5] =	wrdreg $0x9  }
0xb2: {  	_ =	task.clear_ibuf [dreg:s7], $0x6FFFF;
	_ =	strace $0x90000046  }
0xb3: {  	s29 =	simm.s32 $0x9;
	_ =	strace $0x80000048  }
0xb4: {  	_ =	swait.ge [sflag:s29], $0x1  }
0xb5: {  	[sflag:s29] =	ssyncadd.s32 $0xFFFFFFFF  }
0xb6: {  	_ =	strace $0x90000048  }
0xb7: {  	_ =	sfence  }
0xb8: {  	s30 =	sld [smem:$0x0];
	_ =	sdelay $0x2  }
0xb9: {  	s31 =	sshll.u32 s1, $0xD;
	s1 =	sshrl.u32 s1, $0x2  }
0xba: {  	s3 =	sand.u32 $0x4000, s31;
	s1 =	sadd.s32 s1, s30  }
0xbb: {  	s0 =	sor.u32 s3, s0;
	s1 =	sshll.u32 s1, $0x11  }
0xbc: {  	s0 =	sor.u32 s1, s0  }
0xbd: {  	s0 =	sadd.s32 $0x8F2B, s0  }
0xbe: {  	[sflag:s0] =	ssyncadd.remote.s32 $0x1  }
0xbf: {  	_ =	sfence.sel $0xFFFF  }
0xc0: {  	[dreg:$0x0] =	wrdreg $0xFFFFFFFF;
	(pc) =	sbr.abs _section_cstart, $3  }
0xc1: {  	[dreg:$0x1] =	wrdreg $0xFFFFFFFF  }
0xc2: {  	_ =	task.clear_ibuf [dreg:s7], $0x2FFFF;
	_ =	strace $0x9FFFFFFF  }
0xc3: {  	(tm) =	ssettm $0x7FFFFFFF  }
tec
execute0_lowered:
.L_overlay_start_1:
0x0: {  	(tag) =	ssettag $0x1  }
0x1: {  	s1 =	rddreg [dreg:$0x0]  }
0x2: {  	s0 =	rddreg [dreg:$0x1]  }
0x3: {  	s2 =	rddreg [dreg:$0x2];
	s4 =	simm.s32 $0x0  }
0x4: {  	s3 =	stileid.u32;
	s8 =	srdreg.scid;
	s29 =	simm.s32 $0x80  }
0x5: {  	s28 =	simm.s32 $0x0;
	[smem:$0x7FF] =	sst s4;
	s6 =	sadd.s32 $0x2800, s0  }
0x6: {  	s10 =	sadd.s32 $0xC800, s0;
	s7 =	smul.u32 $0x2700, s3;
	s5 =	sadd.s32 $0x16800, s0  }
0x7: {  	s9 =	sadd.s32 $0x19000, s0;
	s11 =	sand.u32 $0x1, s8;
	s19 =	smul.u32 $0x4E000, s3  }
0x8: {  	p0 =	seq.s32 s3, $0xF;
	p1 =	sne.s32 s3, $0xF;
	s21 =	sadd.s32 $0x8C500, s0  }
0x9: {  	s23 =	sadd.s32 $0xB3700, s0;
	s24 =	smul.u32 $0x50, s3;
	s26 =	sadd.s32 $0x3E100, s0  }
0xa: {  	_ =	strace $0x80000047;
	[dreg:$0x4] =	wrdreg s9;
	s17 =	ssub.s32 $0x2, s11  }
0xb: {  	s8 =	sshll.u32 s11, $0x4;
	p2 =	seq.s32 s11, $0x0;
	[dreg:$0x6] =	wrdreg s21  }
0xc: {  	p4 =	seq.s32 s11, $0x1;
	s11 =	smul.u32 $0x500, s11;
	[dreg:$0x8] =	wrdreg s23  }
0xd: {  	[dreg:$0xc] =	wrdreg s26;
	s26 =	simm.s32 $0x1400;
	s12 =	sadd.s32 s7, s0  }
0xe: {  	s18 =	sshrl.u32 s17, $0x1;
	s13 =	sor.u32 s3, s8;
	s7 =	sadd.s32 $0x124800, s2  }
0xf: {  	s8 =	sshrl.u32 s19, $0x2;
	p3 =	por !p2, !p1;
	p2 =	por !p2, !p0  }
0x10: {  	p1 =	por !p1, !p4;
	p6 =	por !p4, !p0;
	s0 =	sadd.s32 $0x65300, s0  }
0x11: {  	s14 =	ssub.s32 s17, s18;
	s15 =	smul.u32 $0x500, s13;
	s8 =	sadd.s32 s8, s2  }
0x12: {  	p3 =	por !p3, !p3;
	s20 =	sadd.s32 $0x67C00, s12;
	[dreg:$0xe] =	wrdreg s0  }
0x13: {  	p2 =	por !p2, !p2;
	s22 =	sadd.s32 $0x8EE00, s12;
	[dreg:$0x5] =	wrdreg s20  }
0x14: {  	s25 =	sadd.s32 $0x19800, s12;
	s30 =	sadd.s32 $0x40A00, s12;
	[dreg:$0x7] =	wrdreg s22  }
0x15: {  	s21 =	sadd.s32 s24, s11;
	s24 =	simm.s32 $0x2800;
	[dreg:$0xb] =	wrdreg s25  }
0x16: {  	p5 =	seq.s32 s13, $0x1F;
	s17 =	simm.s32 @!p3 $0x0;
	[dreg:$0xd] =	wrdreg s30  }
0x17: {  	s31 =	smax.u32 s14, $0x1;
	s16 =	sadd.s32 $0x280, s15;
	s9 =	sadd.s32 s10, s15  }
0x18: {  	s17 =	simm.s32 @p3 $0x1;
	p3 =	por !p1, !p1;
	[dreg:$0xf] =	wrdreg s31  }
0x19: {  	s15 =	sadd.s32 s6, s15;
	[smem:$0x7FB] =	sst s17;
	s17 =	simm.s32 @!p2 $0x0  }
0x1a: {  	p1 =	por !p6, !p6;
	[dreg:$0x9] =	wrdreg s15;
	s17 =	simm.s32 @p2 $0x1  }
0x1b: {  	s6 =	sadd.s32 s6, s16;
	[smem:$0x7FC] =	sst s17;
	s17 =	simm.s32 @!p1 $0x0  }
0x1c: {  	s23 =	sadd.s32 $0x28, s21;
	[dreg:$0xa] =	wrdreg s6;
	s17 =	simm.s32 @p1 $0x1  }
0x1d: {  	s25 =	simm.s32 $0x5;
	s10 =	sadd.s32 s10, s16;
	[smem:$0x7FD] =	sst s17  }
.LBB2_1:
0x1e: {  	s0 =	sshrl.u32 @p0 s7, $0x3;
	s6 =	simm.s32 @p0 $0x1FC5  }
0x1f: {  	[spmem:s0], [sflag:s6] =	dma.local @p0 [hbm:s5], $0x2800  }
0x20: {  	s0 =	simm.s32 @p0 $0x5  }
0x21: {  	_ =	swait.ge @p0 [sflag:s0], $0x2800  }
0x22: {  	s6 =	sshll.u32 @!p0 s3, $0x6;
	[sflag:s0] =	ssyncset.done @p0 $0x0  }
0x23: {  	[sflag:s0] =	ssyncadd.s32 @p0 $0xFFFFD800;
	s0 =	sor.u32 @!p0 $0x1C05, s6;
	s6 =	sshrl.u32 @!p0 s8, $0x3  }
0x24: {  	[spmem:s6], [sflag:s0] =	dma.local @!p0 [hbm:s5], $0x2700  }
0x25: {  	s0 =	simm.s32 @!p0 $0x5  }
0x26: {  	_ =	swait.ge @!p0 [sflag:s0], $0x2700  }
0x27: {  	[sflag:s0] =	ssyncset.done @!p0 $0x0  }
0x28: {  	s31 =	rddreg [dreg:$0x4];
	[sflag:s0] =	ssyncadd.s32 @!p0 $0xFFFFD900  }
0x29: {  	[tilespmem:s24], [sflag:$0x5] =	stream.linear.gather [hbm4b:s31+s4], $0x4000, $0x38;
	[tilespmem:$0x1E080] =	vst v63  }
0x2a: {  	_ =	swait.ge [sflag:s25], $0x4000  }
0x2b: {  	[sflag:s25] =	ssyncset.done $0x0  }
0x2c: {  	[sflag:s25] =	ssyncadd.s32 $0xFFFFC000  }
0x2d: {  	[bflag:$0x0] =	sbarrier.arrive $0xFFFF  }
0x2e: {  	[tilespmem:s26], [sflag:$0x5] =	stream.linear.gather [hbm4b:s9+s4], $0x1400, $0x38;
	[tilespmem:$0x1E080] =	vst v63  }
0x2f: {  	p1 =	sgt.u32 s21, $0x9C3;
	_ =	swait.ge [sflag:s25], $0x1400  }
0x30: {  	s11 =	simm.s32 @!p1 $0x2800;
	[sflag:s25] =	ssyncset.done $0x0  }
0x31: {  	s6 =	simm.s32 @!p1 $0x1400;
	s0 =	simm.s32 @!p1 $0x80;
	[sflag:s25] =	ssyncadd.s32 $0xFFFFEC00  }
0x32: {  	[spmem:s2] =	stream.indirect.scatter.add.f32 @!p1 [tilespmem:s11], [sflag:$0x3], $0x80, s6, s0, $0xb8;
	[tilespmem:$0x1E080] =	vst v63  }
0x33: {  	s6 =	simm.s32 @!p1 $0x1480  }
0x34: {  	[spmem:s2] =	stream.indirect.scatter.add.f32 @!p1 [tilespmem:s11], [sflag:$0x3], $0x80, s6, s0, $0xb8;
	[tilespmem:$0x1E080] =	vst v63  }
0x35: {  	p2 =	sgt.u32 @!p1 s21, $0x9BF;
	s6 =	simm.s32 @!p1 $0x1500  }
0x36: {  	[spmem:s2] =	stream.indirect.scatter.add.f32 @!p1 [tilespmem:s11], [sflag:$0x3], $0x80, s6, s0, $0xb8;
	[tilespmem:$0x1E080] =	vst v63  }
0x37: {  	p6 =	por p2, p1;
	s6 =	simm.s32 @!p1 $0x1580  }
0x38: {  	[spmem:s2] =	stream.indirect.scatter.add.f32 @!p1 [tilespmem:s11], [sflag:$0x3], $0x80, s6, s0, $0xb8;
	[tilespmem:$0x1E080] =	vst v63  }
0x39: {  	s0 =	simm.s32 @!p6 $0x1600;
	s6 =	simm.s32 @!p6 $0x80;
	s11 =	simm.s32 @!p6 $0x2800  }
0x3a: {  	[spmem:s2] =	stream.indirect.scatter.add.f32 @!p6 [tilespmem:s11], [sflag:$0x3], $0x80, s0, s6, $0xb8;
	[tilespmem:$0x1E080] =	vst v63  }
0x3b: {  	s0 =	simm.s32 @!p6 $0x1680  }
0x3c: {  	[spmem:s2] =	stream.indirect.scatter.add.f32 @!p6 [tilespmem:s11], [sflag:$0x3], $0x80, s0, s6, $0xb8;
	[tilespmem:$0x1E080] =	vst v63  }
0x3d: {  	s0 =	simm.s32 @!p6 $0x1700  }
0x3e: {  	[spmem:s2] =	stream.indirect.scatter.add.f32 @!p6 [tilespmem:s11], [sflag:$0x3], $0x80, s0, s6, $0xb8;
	[tilespmem:$0x1E080] =	vst v63  }
0x3f: {  	s12 =	simm.s32 @!p1 $0x3;
	s0 =	simm.s32 @!p6 $0x1780  }
0x40: {  	[spmem:s2] =	stream.indirect.scatter.add.f32 @!p6 [tilespmem:s11], [sflag:$0x3], $0x80, s0, s6, $0xb8;
	[tilespmem:$0x1E080] =	vst v63  }
0x41: {  	_ =	swait.ge @!p1 [sflag:s12], $0x4000  }
0x42: {  	[sflag:s12] =	ssyncset.done @!p1 $0x0  }
0x43: {  	[sflag:s12] =	ssyncadd.s32 @!p1 $0xFFFFC000  }
0x44: {  	_ =	swait.ge @!p1 [sflag:s12], $0x4000  }
0x45: {  	[sflag:s12] =	ssyncset.done @!p1 $0x0  }
0x46: {  	[sflag:s12] =	ssyncadd.s32 @!p1 $0xFFFFC000  }
0x47: {  	_ =	swait.ge @!p1 [sflag:s12], $0x4000  }
0x48: {  	[sflag:s12] =	ssyncset.done @!p1 $0x0  }
0x49: {  	[sflag:s12] =	ssyncadd.s32 @!p1 $0xFFFFC000  }
0x4a: {  	_ =	swait.ge @!p1 [sflag:s12], $0x4000  }
0x4b: {  	[sflag:s12] =	ssyncset.done @!p1 $0x0  }
0x4c: {  	s13 =	simm.s32 @!p6 $0x3;
	[sflag:s12] =	ssyncadd.s32 @!p1 $0xFFFFC000  }
0x4d: {  	_ =	swait.ge @!p6 [sflag:s13], $0x4000  }
0x4e: {  	[sflag:s13] =	ssyncset.done @!p6 $0x0  }
0x4f: {  	[sflag:s13] =	ssyncadd.s32 @!p6 $0xFFFFC000  }
0x50: {  	_ =	swait.ge @!p6 [sflag:s13], $0x4000  }
0x51: {  	s11 =	sadd.s32 $0x8, s21;
	[sflag:s13] =	ssyncset.done @!p6 $0x0  }
0x52: {  	p4 =	sgt.u32 s11, $0x9C3;
	[sflag:s13] =	ssyncadd.s32 @!p6 $0xFFFFC000  }
0x53: {  	s6 =	simm.s32 $0x1000;
	s16 =	simm.s32 @!p4 $0x400;
	_ =	swait.ge @!p6 [sflag:s13], $0x4000  }
0x54: {  	s15 =	simm.s32 @!p4 $0x80;
	s12 =	simm.s32 $0x2000;
	[sflag:s13] =	ssyncset.done @!p6 $0x0  }
.LBB2_2:
0x55: {  	s0 =	sadd.s32 @!p4 $0x1400, s16  }
0x56: {  	s14 =	simm.s32 @!p4 $0x2800;
	[sflag:s13] =	ssyncadd.s32 @!p6 $0xFFFFC000;
	s17 =	smov.u32 s12  }
0x57: {  	s12 =	sadd.s32 $0x1000, s12;
	p2 =	sgt.u32 @!p4 s11, $0x9BF;
	_ =	swait.ge @!p6 [sflag:s13], $0x4000  }
0x58: {  	p1 =	sne.s32 s12, $0x5000;
	[sflag:s13] =	ssyncset.done @!p6 $0x0  }
0x59: {  	[sflag:s13] =	ssyncadd.s32 @!p6 $0xFFFFC000  }
0x5a: {  	[spmem:s2] =	stream.indirect.scatter.add.f32 @!p4 [tilespmem:s14], [sflag:$0x3], $0x80, s0, s15, $0xb8;
	[tilespmem:$0x1E080] =	vst v63  }
0x5b: {  	s0 =	sadd.s32 @!p4 $0x1480, s16  }
0x5c: {  	[spmem:s2] =	stream.indirect.scatter.add.f32 @!p4 [tilespmem:s14], [sflag:$0x3], $0x80, s0, s15, $0xb8;
	[tilespmem:$0x1E080] =	vst v63  }
0x5d: {  	p6 =	por p2, p4;
	s0 =	sadd.s32 @!p4 $0x1500, s16  }
0x5e: {  	[spmem:s2] =	stream.indirect.scatter.add.f32 @!p4 [tilespmem:s14], [sflag:$0x3], $0x80, s0, s15, $0xb8;
	[tilespmem:$0x1E080] =	vst v63  }
0x5f: {  	s13 =	sshra.s32 @!p6 s6, $0x2;
	s6 =	smov.u32 s17;
	s0 =	sadd.s32 @!p4 $0x1580, s16  }
0x60: {  	[spmem:s2] =	stream.indirect.scatter.add.f32 @!p4 [tilespmem:s14], [sflag:$0x3], $0x80, s0, s15, $0xb8;
	[tilespmem:$0x1E080] =	vst v63  }
0x61: {  	s0 =	sadd.s32 @!p6 $0x1600, s13;
	s14 =	simm.s32 @!p6 $0x80;
	s15 =	simm.s32 @!p6 $0x2800  }
0x62: {  	[spmem:s2] =	stream.indirect.scatter.add.f32 @!p6 [tilespmem:s15], [sflag:$0x3], $0x80, s0, s14, $0xb8;
	[tilespmem:$0x1E080] =	vst v63  }
0x63: {  	s16 =	sadd.s32 @!p6 $0x1700, s13;
	s0 =	sadd.s32 @!p6 $0x1680, s13;
	s13 =	sadd.s32 @!p6 $0x1780, s13  }
0x64: {  	[spmem:s2] =	stream.indirect.scatter.add.f32 @!p6 [tilespmem:s15], [sflag:$0x3], $0x80, s0, s14, $0xb8;
	[tilespmem:$0x1E080] =	vst v63  }
0x65: {  	_ = 	snop  }
0x66: {  	[spmem:s2] =	stream.indirect.scatter.add.f32 @!p6 [tilespmem:s15], [sflag:$0x3], $0x80, s16, s14, $0xb8;
	[tilespmem:$0x1E080] =	vst v63  }
0x67: {  	s0 =	simm.s32 @!p4 $0x3  }
0x68: {  	[spmem:s2] =	stream.indirect.scatter.add.f32 @!p6 [tilespmem:s15], [sflag:$0x3], $0x80, s13, s14, $0xb8;
	[tilespmem:$0x1E080] =	vst v63  }
0x69: {  	_ =	swait.ge @!p4 [sflag:s0], $0x4000  }
0x6a: {  	[sflag:s0] =	ssyncset.done @!p4 $0x0  }
0x6b: {  	[sflag:s0] =	ssyncadd.s32 @!p4 $0xFFFFC000  }
0x6c: {  	_ =	swait.ge @!p4 [sflag:s0], $0x4000  }
0x6d: {  	[sflag:s0] =	ssyncset.done @!p4 $0x0  }
0x6e: {  	[sflag:s0] =	ssyncadd.s32 @!p4 $0xFFFFC000  }
0x6f: {  	_ =	swait.ge @!p4 [sflag:s0], $0x4000  }
0x70: {  	[sflag:s0] =	ssyncset.done @!p4 $0x0  }
0x71: {  	[sflag:s0] =	ssyncadd.s32 @!p4 $0xFFFFC000  }
0x72: {  	_ =	swait.ge @!p4 [sflag:s0], $0x4000  }
0x73: {  	[sflag:s0] =	ssyncset.done @!p4 $0x0  }
0x74: {  	s13 =	simm.s32 @!p6 $0x3;
	[sflag:s0] =	ssyncadd.s32 @!p4 $0xFFFFC000  }
0x75: {  	_ =	swait.ge @!p6 [sflag:s13], $0x4000  }
0x76: {  	[sflag:s13] =	ssyncset.done @!p6 $0x0  }
0x77: {  	[sflag:s13] =	ssyncadd.s32 @!p6 $0xFFFFC000  }
.Ltmp0:
0x78: {  	_ =	swait.ge @!p6 [sflag:s13], $0x4000;
	(pc) =	sbr.rel @p1 .LBB2_2-.Ltmp0, $4  }
0x79: {  	[sflag:s13] =	ssyncset.done @!p6 $0x0  }
0x7a: {  	s11 =	sadd.s32 $0x8, s11;
	[sflag:s13] =	ssyncadd.s32 @!p6 $0xFFFFC000  }
0x7b: {  	p4 =	sgt.u32 s11, $0x9C3;
	_ =	swait.ge @!p6 [sflag:s13], $0x4000  }
0x7c: {  	s16 =	sshra.s32 @!p4 s6, $0x2;
	s15 =	simm.s32 @!p4 $0x80;
	[sflag:s13] =	ssyncset.done @!p6 $0x0  }
0x7d: {  	[sflag:s13] =	ssyncadd.s32 @!p6 $0xFFFFC000  }
0x7e: {  	_ =	swait.ge @!p6 [sflag:s13], $0x4000  }
0x7f: {  	[sflag:s13] =	ssyncset.done @!p6 $0x0  }
0x80: {  	s0 =	sadd.s32 @!p4 $0x1400, s16;
	s12 =	simm.s32 @!p4 $0x2800;
	[sflag:s13] =	ssyncadd.s32 @!p6 $0xFFFFC000  }
0x81: {  	[spmem:s2] =	stream.indirect.scatter.add.f32 @!p4 [tilespmem:s12], [sflag:$0x3], $0x80, s0, s15, $0xb8;
	[tilespmem:$0x1E080] =	vst v63  }
0x82: {  	p1 =	sgt.u32 @!p4 s11, $0x9BF;
	s0 =	sadd.s32 @!p4 $0x1480, s16  }
0x83: {  	[spmem:s2] =	stream.indirect.scatter.add.f32 @!p4 [tilespmem:s12], [sflag:$0x3], $0x80, s0, s15, $0xb8;
	[tilespmem:$0x1E080] =	vst v63  }
0x84: {  	p1 =	por p1, p4;
	s0 =	sadd.s32 @!p4 $0x1500, s16  }
0x85: {  	[spmem:s2] =	stream.indirect.scatter.add.f32 @!p4 [tilespmem:s12], [sflag:$0x3], $0x80, s0, s15, $0xb8;
	[tilespmem:$0x1E080] =	vst v63  }
0x86: {  	s6 =	sshra.s32 @!p1 s6, $0x2;
	s0 =	sadd.s32 @!p4 $0x1580, s16  }
0x87: {  	[spmem:s2] =	stream.indirect.scatter.add.f32 @!p4 [tilespmem:s12], [sflag:$0x3], $0x80, s0, s15, $0xb8;
	[tilespmem:$0x1E080] =	vst v63  }
0x88: {  	s11 =	simm.s32 @!p1 $0x80;
	s0 =	sadd.s32 @!p1 $0x1600, s6;
	s12 =	simm.s32 @!p1 $0x2800  }
0x89: {  	[spmem:s2] =	stream.indirect.scatter.add.f32 @!p1 [tilespmem:s12], [sflag:$0x3], $0x80, s0, s11, $0xb8;
	[tilespmem:$0x1E080] =	vst v63  }
0x8a: {  	s0 =	sadd.s32 @!p1 $0x1680, s6  }
0x8b: {  	[spmem:s2] =	stream.indirect.scatter.add.f32 @!p1 [tilespmem:s12], [sflag:$0x3], $0x80, s0, s11, $0xb8;
	[tilespmem:$0x1E080] =	vst v63  }
0x8c: {  	s0 =	sadd.s32 @!p1 $0x1700, s6  }
0x8d: {  	[spmem:s2] =	stream.indirect.scatter.add.f32 @!p1 [tilespmem:s12], [sflag:$0x3], $0x80, s0, s11, $0xb8;
	[tilespmem:$0x1E080] =	vst v63  }
0x8e: {  	s0 =	sadd.s32 @!p1 $0x1780, s6;
	s6 =	simm.s32 @!p4 $0x3  }
0x8f: {  	[spmem:s2] =	stream.indirect.scatter.add.f32 @!p1 [tilespmem:s12], [sflag:$0x3], $0x80, s0, s11, $0xb8;
	[tilespmem:$0x1E080] =	vst v63  }
0x90: {  	_ =	swait.ge @!p4 [sflag:s6], $0x4000  }
0x91: {  	[sflag:s6] =	ssyncset.done @!p4 $0x0  }
0x92: {  	[sflag:s6] =	ssyncadd.s32 @!p4 $0xFFFFC000  }
0x93: {  	_ =	swait.ge @!p4 [sflag:s6], $0x4000  }
0x94: {  	[sflag:s6] =	ssyncset.done @!p4 $0x0  }
0x95: {  	[sflag:s6] =	ssyncadd.s32 @!p4 $0xFFFFC000  }
0x96: {  	_ =	swait.ge @!p4 [sflag:s6], $0x4000  }
0x97: {  	[sflag:s6] =	ssyncset.done @!p4 $0x0  }
0x98: {  	[sflag:s6] =	ssyncadd.s32 @!p4 $0xFFFFC000  }
0x99: {  	_ =	swait.ge @!p4 [sflag:s6], $0x4000  }
0x9a: {  	[sflag:s6] =	ssyncset.done @!p4 $0x0  }
0x9b: {  	s0 =	simm.s32 @!p1 $0x3;
	[sflag:s6] =	ssyncadd.s32 @!p4 $0xFFFFC000  }
0x9c: {  	_ =	swait.ge @!p1 [sflag:s0], $0x4000  }
0x9d: {  	[sflag:s0] =	ssyncset.done @!p1 $0x0  }
0x9e: {  	[sflag:s0] =	ssyncadd.s32 @!p1 $0xFFFFC000  }
0x9f: {  	_ =	swait.ge @!p1 [sflag:s0], $0x4000  }
0xa0: {  	[sflag:s0] =	ssyncset.done @!p1 $0x0  }
0xa1: {  	[sflag:s0] =	ssyncadd.s32 @!p1 $0xFFFFC000  }
0xa2: {  	_ =	swait.ge @!p1 [sflag:s0], $0x4000  }
0xa3: {  	[sflag:s0] =	ssyncset.done @!p1 $0x0  }
0xa4: {  	[sflag:s0] =	ssyncadd.s32 @!p1 $0xFFFFC000  }
0xa5: {  	_ =	swait.ge @!p1 [sflag:s0], $0x4000  }
0xa6: {  	[sflag:s0] =	ssyncset.done @!p1 $0x0  }
0xa7: {  	s31 =	simm.s32 $0x0;
	[sflag:s0] =	ssyncadd.s32 @!p1 $0xFFFFC000  }
0xa8: {  	[tilespmem:s26], [sflag:$0x5] =	stream.linear.gather [hbm4b:s10+s31], $0x1400, $0x38;
	[tilespmem:$0x1E080] =	vst v63  }
0xa9: {  	p1 =	sgt.u32 s23, $0x9C3;
	_ =	swait.ge [sflag:s25], $0x1400  }
0xaa: {  	s0 =	simm.s32 @!p1 $0x80;
	[sflag:s25] =	ssyncset.done $0x0  }
0xab: {  	s6 =	simm.s32 @!p1 $0x1400;
	s11 =	simm.s32 @!p1 $0x2800;
	[sflag:s25] =	ssyncadd.s32 $0xFFFFEC00  }
0xac: {  	[spmem:s2] =	stream.indirect.scatter.add.f32 @!p1 [tilespmem:s11], [sflag:$0x3], $0x80, s6, s0, $0xb8;
	[tilespmem:$0x1E080] =	vst v63  }
0xad: {  	s6 =	simm.s32 @!p1 $0x1480  }
0xae: {  	[spmem:s2] =	stream.indirect.scatter.add.f32 @!p1 [tilespmem:s11], [sflag:$0x3], $0x80, s6, s0, $0xb8;
	[tilespmem:$0x1E080] =	vst v63  }
0xaf: {  	p2 =	sgt.u32 @!p1 s23, $0x9BF;
	s6 =	simm.s32 @!p1 $0x1500  }
0xb0: {  	[spmem:s2] =	stream.indirect.scatter.add.f32 @!p1 [tilespmem:s11], [sflag:$0x3], $0x80, s6, s0, $0xb8;
	[tilespmem:$0x1E080] =	vst v63  }
0xb1: {  	p6 =	por p2, p1;
	s6 =	simm.s32 @!p1 $0x1580  }
0xb2: {  	[spmem:s2] =	stream.indirect.scatter.add.f32 @!p1 [tilespmem:s11], [sflag:$0x3], $0x80, s6, s0, $0xb8;
	[tilespmem:$0x1E080] =	vst v63  }
0xb3: {  	s0 =	simm.s32 @!p6 $0x1600;
	s6 =	simm.s32 @!p6 $0x80;
	s11 =	simm.s32 @!p6 $0x2800  }
0xb4: {  	[spmem:s2] =	stream.indirect.scatter.add.f32 @!p6 [tilespmem:s11], [sflag:$0x3], $0x80, s0, s6, $0xb8;
	[tilespmem:$0x1E080] =	vst v63  }
0xb5: {  	s0 =	simm.s32 @!p6 $0x1680  }
0xb6: {  	[spmem:s2] =	stream.indirect.scatter.add.f32 @!p6 [tilespmem:s11], [sflag:$0x3], $0x80, s0, s6, $0xb8;
	[tilespmem:$0x1E080] =	vst v63  }
0xb7: {  	s0 =	simm.s32 @!p6 $0x1700  }
0xb8: {  	[spmem:s2] =	stream.indirect.scatter.add.f32 @!p6 [tilespmem:s11], [sflag:$0x3], $0x80, s0, s6, $0xb8;
	[tilespmem:$0x1E080] =	vst v63  }
0xb9: {  	s12 =	simm.s32 @!p1 $0x3;
	s0 =	simm.s32 @!p6 $0x1780  }
0xba: {  	[spmem:s2] =	stream.indirect.scatter.add.f32 @!p6 [tilespmem:s11], [sflag:$0x3], $0x80, s0, s6, $0xb8;
	[tilespmem:$0x1E080] =	vst v63  }
0xbb: {  	_ =	swait.ge @!p1 [sflag:s12], $0x4000  }
0xbc: {  	[sflag:s12] =	ssyncset.done @!p1 $0x0  }
0xbd: {  	[sflag:s12] =	ssyncadd.s32 @!p1 $0xFFFFC000  }
0xbe: {  	_ =	swait.ge @!p1 [sflag:s12], $0x4000  }
0xbf: {  	[sflag:s12] =	ssyncset.done @!p1 $0x0  }
0xc0: {  	[sflag:s12] =	ssyncadd.s32 @!p1 $0xFFFFC000  }
0xc1: {  	_ =	swait.ge @!p1 [sflag:s12], $0x4000  }
0xc2: {  	[sflag:s12] =	ssyncset.done @!p1 $0x0  }
0xc3: {  	[sflag:s12] =	ssyncadd.s32 @!p1 $0xFFFFC000  }
0xc4: {  	_ =	swait.ge @!p1 [sflag:s12], $0x4000  }
0xc5: {  	[sflag:s12] =	ssyncset.done @!p1 $0x0  }
0xc6: {  	s13 =	simm.s32 @!p6 $0x3;
	[sflag:s12] =	ssyncadd.s32 @!p1 $0xFFFFC000  }
0xc7: {  	_ =	swait.ge @!p6 [sflag:s13], $0x4000  }
0xc8: {  	[sflag:s13] =	ssyncset.done @!p6 $0x0  }
0xc9: {  	[sflag:s13] =	ssyncadd.s32 @!p6 $0xFFFFC000  }
0xca: {  	_ =	swait.ge @!p6 [sflag:s13], $0x4000  }
0xcb: {  	s11 =	sadd.s32 $0x8, s23;
	[sflag:s13] =	ssyncset.done @!p6 $0x0  }
0xcc: {  	p4 =	sgt.u32 s11, $0x9C3;
	[sflag:s13] =	ssyncadd.s32 @!p6 $0xFFFFC000  }
0xcd: {  	s6 =	simm.s32 $0x1000;
	s16 =	simm.s32 @!p4 $0x400;
	_ =	swait.ge @!p6 [sflag:s13], $0x4000  }
0xce: {  	s15 =	simm.s32 @!p4 $0x80;
	s12 =	simm.s32 $0x2000;
	[sflag:s13] =	ssyncset.done @!p6 $0x0  }
.LBB2_4:
0xcf: {  	s0 =	sadd.s32 @!p4 $0x1400, s16  }
0xd0: {  	s14 =	simm.s32 @!p4 $0x2800;
	[sflag:s13] =	ssyncadd.s32 @!p6 $0xFFFFC000;
	s17 =	smov.u32 s12  }
0xd1: {  	s12 =	sadd.s32 $0x1000, s12;
	p2 =	sgt.u32 @!p4 s11, $0x9BF;
	_ =	swait.ge @!p6 [sflag:s13], $0x4000  }
0xd2: {  	p1 =	sne.s32 s12, $0x5000;
	[sflag:s13] =	ssyncset.done @!p6 $0x0  }
0xd3: {  	[sflag:s13] =	ssyncadd.s32 @!p6 $0xFFFFC000  }
0xd4: {  	[spmem:s2] =	stream.indirect.scatter.add.f32 @!p4 [tilespmem:s14], [sflag:$0x3], $0x80, s0, s15, $0xb8;
	[tilespmem:$0x1E080] =	vst v63  }
0xd5: {  	s0 =	sadd.s32 @!p4 $0x1480, s16  }
0xd6: {  	[spmem:s2] =	stream.indirect.scatter.add.f32 @!p4 [tilespmem:s14], [sflag:$0x3], $0x80, s0, s15, $0xb8;
	[tilespmem:$0x1E080] =	vst v63  }
0xd7: {  	p6 =	por p2, p4;
	s0 =	sadd.s32 @!p4 $0x1500, s16  }
0xd8: {  	[spmem:s2] =	stream.indirect.scatter.add.f32 @!p4 [tilespmem:s14], [sflag:$0x3], $0x80, s0, s15, $0xb8;
	[tilespmem:$0x1E080] =	vst v63  }
0xd9: {  	s13 =	sshra.s32 @!p6 s6, $0x2;
	s6 =	smov.u32 s17;
	s0 =	sadd.s32 @!p4 $0x1580, s16  }
0xda: {  	[spmem:s2] =	stream.indirect.scatter.add.f32 @!p4 [tilespmem:s14], [sflag:$0x3], $0x80, s0, s15, $0xb8;
	[tilespmem:$0x1E080] =	vst v63  }
0xdb: {  	s0 =	sadd.s32 @!p6 $0x1600, s13;
	s14 =	simm.s32 @!p6 $0x80;
	s15 =	simm.s32 @!p6 $0x2800  }
0xdc: {  	[spmem:s2] =	stream.indirect.scatter.add.f32 @!p6 [tilespmem:s15], [sflag:$0x3], $0x80, s0, s14, $0xb8;
	[tilespmem:$0x1E080] =	vst v63  }
0xdd: {  	s16 =	sadd.s32 @!p6 $0x1700, s13;
	s0 =	sadd.s32 @!p6 $0x1680, s13;
	s13 =	sadd.s32 @!p6 $0x1780, s13  }
0xde: {  	[spmem:s2] =	stream.indirect.scatter.add.f32 @!p6 [tilespmem:s15], [sflag:$0x3], $0x80, s0, s14, $0xb8;
	[tilespmem:$0x1E080] =	vst v63  }
0xdf: {  	_ = 	snop  }
0xe0: {  	[spmem:s2] =	stream.indirect.scatter.add.f32 @!p6 [tilespmem:s15], [sflag:$0x3], $0x80, s16, s14, $0xb8;
	[tilespmem:$0x1E080] =	vst v63  }
0xe1: {  	s0 =	simm.s32 @!p4 $0x3  }
0xe2: {  	[spmem:s2] =	stream.indirect.scatter.add.f32 @!p6 [tilespmem:s15], [sflag:$0x3], $0x80, s13, s14, $0xb8;
	[tilespmem:$0x1E080] =	vst v63  }
0xe3: {  	_ =	swait.ge @!p4 [sflag:s0], $0x4000  }
0xe4: {  	[sflag:s0] =	ssyncset.done @!p4 $0x0  }
0xe5: {  	[sflag:s0] =	ssyncadd.s32 @!p4 $0xFFFFC000  }
0xe6: {  	_ =	swait.ge @!p4 [sflag:s0], $0x4000  }
0xe7: {  	[sflag:s0] =	ssyncset.done @!p4 $0x0  }
0xe8: {  	[sflag:s0] =	ssyncadd.s32 @!p4 $0xFFFFC000  }
0xe9: {  	_ =	swait.ge @!p4 [sflag:s0], $0x4000  }
0xea: {  	[sflag:s0] =	ssyncset.done @!p4 $0x0  }
0xeb: {  	[sflag:s0] =	ssyncadd.s32 @!p4 $0xFFFFC000  }
0xec: {  	_ =	swait.ge @!p4 [sflag:s0], $0x4000  }
0xed: {  	[sflag:s0] =	ssyncset.done @!p4 $0x0  }
0xee: {  	s13 =	simm.s32 @!p6 $0x3;
	[sflag:s0] =	ssyncadd.s32 @!p4 $0xFFFFC000  }
0xef: {  	_ =	swait.ge @!p6 [sflag:s13], $0x4000  }
0xf0: {  	[sflag:s13] =	ssyncset.done @!p6 $0x0  }
0xf1: {  	[sflag:s13] =	ssyncadd.s32 @!p6 $0xFFFFC000  }
.Ltmp1:
0xf2: {  	_ =	swait.ge @!p6 [sflag:s13], $0x4000;
	(pc) =	sbr.rel @p1 .LBB2_4-.Ltmp1, $4  }
0xf3: {  	[sflag:s13] =	ssyncset.done @!p6 $0x0  }
0xf4: {  	s11 =	sadd.s32 $0x8, s11;
	[sflag:s13] =	ssyncadd.s32 @!p6 $0xFFFFC000  }
0xf5: {  	p4 =	sgt.u32 s11, $0x9C3;
	_ =	swait.ge @!p6 [sflag:s13], $0x4000  }
0xf6: {  	s16 =	sshra.s32 @!p4 s6, $0x2;
	s15 =	simm.s32 @!p4 $0x80;
	[sflag:s13] =	ssyncset.done @!p6 $0x0  }
0xf7: {  	[sflag:s13] =	ssyncadd.s32 @!p6 $0xFFFFC000  }
0xf8: {  	_ =	swait.ge @!p6 [sflag:s13], $0x4000  }
0xf9: {  	[sflag:s13] =	ssyncset.done @!p6 $0x0  }
0xfa: {  	s0 =	sadd.s32 @!p4 $0x1400, s16;
	s12 =	simm.s32 @!p4 $0x2800;
	[sflag:s13] =	ssyncadd.s32 @!p6 $0xFFFFC000  }
0xfb: {  	[spmem:s2] =	stream.indirect.scatter.add.f32 @!p4 [tilespmem:s12], [sflag:$0x3], $0x80, s0, s15, $0xb8;
	[tilespmem:$0x1E080] =	vst v63  }
0xfc: {  	p1 =	sgt.u32 @!p4 s11, $0x9BF;
	s0 =	sadd.s32 @!p4 $0x1480, s16  }
0xfd: {  	[spmem:s2] =	stream.indirect.scatter.add.f32 @!p4 [tilespmem:s12], [sflag:$0x3], $0x80, s0, s15, $0xb8;
	[tilespmem:$0x1E080] =	vst v63  }
0xfe: {  	p1 =	por p1, p4;
	s0 =	sadd.s32 @!p4 $0x1500, s16  }
0xff: {  	[spmem:s2] =	stream.indirect.scatter.add.f32 @!p4 [tilespmem:s12], [sflag:$0x3], $0x80, s0, s15, $0xb8;
	[tilespmem:$0x1E080] =	vst v63  }
0x100: {  	s6 =	sshra.s32 @!p1 s6, $0x2;
	s0 =	sadd.s32 @!p4 $0x1580, s16  }
0x101: {  	[spmem:s2] =	stream.indirect.scatter.add.f32 @!p4 [tilespmem:s12], [sflag:$0x3], $0x80, s0, s15, $0xb8;
	[tilespmem:$0x1E080] =	vst v63  }
0x102: {  	s11 =	simm.s32 @!p1 $0x80;
	s0 =	sadd.s32 @!p1 $0x1600, s6;
	s12 =	simm.s32 @!p1 $0x2800  }
0x103: {  	[spmem:s2] =	stream.indirect.scatter.add.f32 @!p1 [tilespmem:s12], [sflag:$0x3], $0x80, s0, s11, $0xb8;
	[tilespmem:$0x1E080] =	vst v63  }
0x104: {  	s0 =	sadd.s32 @!p1 $0x1680, s6  }
0x105: {  	[spmem:s2] =	stream.indirect.scatter.add.f32 @!p1 [tilespmem:s12], [sflag:$0x3], $0x80, s0, s11, $0xb8;
	[tilespmem:$0x1E080] =	vst v63  }
0x106: {  	s0 =	sadd.s32 @!p1 $0x1700, s6  }
0x107: {  	[spmem:s2] =	stream.indirect.scatter.add.f32 @!p1 [tilespmem:s12], [sflag:$0x3], $0x80, s0, s11, $0xb8;
	[tilespmem:$0x1E080] =	vst v63  }
0x108: {  	s0 =	sadd.s32 @!p1 $0x1780, s6;
	s6 =	simm.s32 @!p4 $0x3  }
0x109: {  	[spmem:s2] =	stream.indirect.scatter.add.f32 @!p1 [tilespmem:s12], [sflag:$0x3], $0x80, s0, s11, $0xb8;
	[tilespmem:$0x1E080] =	vst v63  }
0x10a: {  	_ =	swait.ge @!p4 [sflag:s6], $0x4000  }
0x10b: {  	[sflag:s6] =	ssyncset.done @!p4 $0x0  }
0x10c: {  	[sflag:s6] =	ssyncadd.s32 @!p4 $0xFFFFC000  }
0x10d: {  	_ =	swait.ge @!p4 [sflag:s6], $0x4000  }
0x10e: {  	[sflag:s6] =	ssyncset.done @!p4 $0x0  }
0x10f: {  	[sflag:s6] =	ssyncadd.s32 @!p4 $0xFFFFC000  }
0x110: {  	_ =	swait.ge @!p4 [sflag:s6], $0x4000  }
0x111: {  	[sflag:s6] =	ssyncset.done @!p4 $0x0  }
0x112: {  	[sflag:s6] =	ssyncadd.s32 @!p4 $0xFFFFC000  }
0x113: {  	_ =	swait.ge @!p4 [sflag:s6], $0x4000  }
0x114: {  	[sflag:s6] =	ssyncset.done @!p4 $0x0  }
0x115: {  	s0 =	simm.s32 @!p1 $0x3;
	[sflag:s6] =	ssyncadd.s32 @!p4 $0xFFFFC000  }
0x116: {  	_ =	swait.ge @!p1 [sflag:s0], $0x4000  }
0x117: {  	[sflag:s0] =	ssyncset.done @!p1 $0x0  }
0x118: {  	[sflag:s0] =	ssyncadd.s32 @!p1 $0xFFFFC000  }
0x119: {  	_ =	swait.ge @!p1 [sflag:s0], $0x4000  }
0x11a: {  	[sflag:s0] =	ssyncset.done @!p1 $0x0  }
0x11b: {  	[sflag:s0] =	ssyncadd.s32 @!p1 $0xFFFFC000  }
0x11c: {  	_ =	swait.ge @!p1 [sflag:s0], $0x4000  }
0x11d: {  	[sflag:s0] =	ssyncset.done @!p1 $0x0  }
0x11e: {  	[sflag:s0] =	ssyncadd.s32 @!p1 $0xFFFFC000  }
0x11f: {  	_ =	swait.ge @!p1 [sflag:s0], $0x4000  }
0x120: {  	s22 =	sld [smem:$0x7FB];
	_ =	sdelay $0x1  }
0x121: {  	[sflag:s0] =	ssyncset.done @!p1 $0x0  }
0x122: {  	[sflag:s0] =	ssyncadd.s32 @!p1 $0xFFFFC000;
	p1 =	seq.s32 s22, $0x1  }
0x123: {  	[bflag:$0x0] =	sbarrier.arrive $0xFFFF;
	s0 =	sshll.u32 @p1 s3, $0x6  }
0x124: {  	s11 =	sshrl.u32 @p1 s8, $0x3;
	s6 =	sor.u32 @p1 $0x1C05, s0;
	s0 =	rddreg [dreg:$0x5]  }
0x125: {  	[hbm:s0], [sflag:s6] =	dma.local @p1 [spmem:s11], $0x2700  }
0x126: {  	s0 =	simm.s32 @p1 $0x5  }
0x127: {  	_ =	swait.ge @p1 [sflag:s0], $0x2700  }
0x128: {  	s30 =	sld [smem:$0x7FC];
	_ =	sdelay $0x1  }
0x129: {  	[sflag:s0] =	ssyncset.done @p1 $0x0  }
0x12a: {  	[sflag:s0] =	ssyncadd.s32 @p1 $0xFFFFD900;
	p1 =	seq.s32 s30, $0x1  }
0x12b: {  	s13 =	rddreg [dreg:$0x6];
	s12 =	sshrl.u32 @p1 s7, $0x3;
	s0 =	simm.s32 @p1 $0x1FC5  }
0x12c: {  	[hbm:s13], [sflag:s0] =	dma.local @p1 [spmem:s12], $0x2800  }
0x12d: {  	s0 =	simm.s32 @p1 $0x5  }
0x12e: {  	_ =	swait.ge @p1 [sflag:s0], $0x2800  }
0x12f: {  	s15 =	sshrl.u32 @p3 s8, $0x3;
	s13 =	sshll.u32 @p3 s3, $0x6;
	[sflag:s0] =	ssyncset.done @p1 $0x0  }
0x130: {  	s13 =	sor.u32 @p3 $0x1C05, s13;
	[sflag:s0] =	ssyncadd.s32 @p1 $0xFFFFD800;
	s0 =	rddreg [dreg:$0x7]  }
0x131: {  	[hbm:s0], [sflag:s13] =	dma.local @p3 [spmem:s15], $0x2700  }
0x132: {  	s0 =	simm.s32 @p3 $0x5  }
0x133: {  	_ =	swait.ge @p3 [sflag:s0], $0x2700  }
0x134: {  	s31 =	sld [smem:$0x7FD];
	_ =	sdelay $0x2  }
0x135: {  	p1 =	seq.s32 s31, $0x1  }
.Ltmp2:
0x136: {  	_ = 	snop;
	(pc) =	sbr.rel @!p1 .LBB2_8-.Ltmp2, $3  }
0x137: {  	_ =	sdelay $0x1  }
0x138: {  	[sflag:s0] =	ssyncset.done @p3 $0x0  }
0x139: {  	s16 =	sshrl.u32 s7, $0x3;
	[sflag:s0] =	ssyncadd.s32 @p3 $0xFFFFD900  }
0x13a: {  	s0 =	rddreg [dreg:$0x8];
	s3 =	simm.s32 $0x1FC5  }
0x13b: {  	[hbm:s0], [sflag:s3] =	dma.local [spmem:s16], $0x2800  }
.Ltmp3:
0x13c: {  	_ =	swait.ge [sflag:s25], $0x2800;
	(pc) =	sbr.rel .LBB2_7-.Ltmp3, $3  }
0x13d: {  	[sflag:s25] =	ssyncset.done $0x0  }
0x13e: {  	[sflag:s25] =	ssyncadd.s32 $0xFFFFD800  }
0x13f: {  	[bflag:$0x0] =	sbarrier.arrive $0xFFFF;
	_ =	sdelay $0x1  }
.LBB2_8:
.Ltmp4:
0x140: {  	(pc) =	sbr.rel @p0 .LBB2_7-.Ltmp4, $2  }
0x141: {  	_ =	sdelay $0x1  }
0x142: {  	[bflag:$0x0] =	sbarrier.arrive $0xFFFF;
	_ =	sdelay $0x1  }
0x143: {  	s0 =	sshll.u32 s3, $0x6  }
.Ltmp5:
0x144: {  	s14 =	sshrl.u32 s8, $0x3;
	s0 =	sor.u32 $0x1C05, s0;
	(pc) =	sbr.rel .LBB2_10-.Ltmp5, $4  }
0x145: {  	[spmem:s14], [sflag:s0] =	dma.local [hbm:s5], $0x2700  }
0x146: {  	_ =	swait.ge [sflag:s25], $0x2700  }
0x147: {  	[sflag:s25] =	ssyncset.done $0x0  }
0x148: {  	[sflag:s25] =	ssyncadd.s32 $0xFFFFD900  }
.LBB2_7:
0x149: {  	s0 =	simm.s32 $0x1FC5  }
0x14a: {  	[spmem:s16], [sflag:s0] =	dma.local [hbm:s5], $0x2800  }
0x14b: {  	_ =	swait.ge [sflag:s25], $0x2800  }
0x14c: {  	[sflag:s25] =	ssyncset.done $0x0  }
0x14d: {  	[sflag:s25] =	ssyncadd.s32 $0xFFFFD800  }
.LBB2_10:
0x14e: {  	[bflag:$0x0] =	sbarrier.arrive $0xFFFF  }
0x14f: {  	s0 =	simm.s32 $0x0;
	s3 =	rddreg [dreg:$0x9]  }
0x150: {  	[tilespmem:s0], [sflag:$0x5] =	stream.linear.gather [hbm4b:s3+s0], $0x1400, $0x38;
	[tilespmem:$0x1E080] =	vst v63  }
0x151: {  	_ =	swait.ge [sflag:s25], $0x1400  }
0x152: {  	[sflag:s25] =	ssyncset.done $0x0  }
0x153: {  	[sflag:s25] =	ssyncadd.s32 $0xFFFFEC00  }
0x154: {  	[tilespmem:s26], [sflag:$0x5] =	stream.linear.gather [hbm4b:s9+s0], $0x1400, $0x38;
	[tilespmem:$0x1E080] =	vst v63  }
0x155: {  	_ =	swait.ge [sflag:s25], $0x1400  }
0x156: {  	[sflag:s25] =	ssyncset.done $0x0  }
0x157: {  	s14 =	simm.s32 $0x1;
	[sflag:s25] =	ssyncadd.s32 $0xFFFFEC00  }
0x158: {  	[tilespmem:s24], [sflag:$0x1] =	stream.indirect.gather [hbm4b:s1+s29], $0x80, s0, s29, $0xb8;
	[tilespmem:$0x1E080] =	vst v63  }
0x159: {  	_ =	swait.ge [sflag:s14], $0x4000  }
0x15a: {  	[sflag:s14] =	ssyncset.done $0x0  }
0x15b: {  	[sflag:s14] =	ssyncadd.s32 $0xFFFFC000  }
0x15c: {  	[spmem:s2] =	stream.indirect.scatter.add.f32 [tilespmem:s24], [sflag:$0x3], $0x80, s26, s29, $0xb8;
	[tilespmem:$0x1E080] =	vst v63  }
0x15d: {  	s16 =	simm.s32 $0x6800;
	s17 =	simm.s32 $0x2  }
0x15e: {  	[tilespmem:s16], [sflag:$0x2] =	stream.indirect.gather [hbm4b:s1+s29], $0x80, s29, s29, $0xb8;
	[tilespmem:$0x1E080] =	vst v63  }
0x15f: {  	_ =	swait.ge [sflag:s17], $0x4000  }
0x160: {  	[sflag:s17] =	ssyncset.done $0x0  }
0x161: {  	s18 =	simm.s32 $0x3;
	[sflag:s17] =	ssyncadd.s32 $0xFFFFC000  }
0x162: {  	_ =	swait.ge [sflag:s18], $0x4000  }
0x163: {  	[sflag:s18] =	ssyncset.done $0x0  }
0x164: {  	s19 =	simm.s32 $0x100;
	[sflag:s18] =	ssyncadd.s32 $0xFFFFC000  }
0x165: {  	[tilespmem:s24], [sflag:$0x1] =	stream.indirect.gather [hbm4b:s1+s29], $0x80, s19, s29, $0xb8;
	[tilespmem:$0x1E080] =	vst v63  }
0x166: {  	s20 =	simm.s32 $0x1480  }
0x167: {  	[spmem:s2] =	stream.indirect.scatter.add.f32 [tilespmem:s16], [sflag:$0x4], $0x80, s20, s29, $0xb8;
	[tilespmem:$0x1E080] =	vst v63  }
0x168: {  	s16 =	sadd.s32 $0x2, s21  }
0x169: {  	p1 =	sgt.u32 s16, $0x9C3  }
0x16a: {  	s0 =	simm.s32 @!p1 $0x1  }
0x16b: {  	p2 =	sgt.u32 s21, $0x9C3;
	_ =	swait.ge @!p1 [sflag:s0], $0x4000  }
0x16c: {  	s18 =	simm.s32 @!p2 $0x4;
	s14 =	simm.s32 @!p1 $0x2800;
	[sflag:s0] =	ssyncset.done @!p1 $0x0  }
0x16d: {  	s17 =	simm.s32 @!p1 $0x80;
	[sflag:s0] =	ssyncadd.s32 @!p1 $0xFFFFC000;
	s0 =	simm.s32 @!p1 $0x1500  }
0x16e: {  	[spmem:s2] =	stream.indirect.scatter.add.f32 @!p1 [tilespmem:s14], [sflag:$0x3], $0x80, s0, s17, $0xb8;
	[tilespmem:$0x1E080] =	vst v63  }
0x16f: {  	p4 =	por p1, p1;
	_ =	swait.ge @!p2 [sflag:s18], $0x4000  }
0x170: {  	s20 =	simm.s32 @!p4 $0x6800;
	[sflag:s18] =	ssyncset.done @!p2 $0x0  }
0x171: {  	s0 =	simm.s32 @!p1 $0x180;
	s14 =	simm.s32 @!p4 $0x2;
	[sflag:s18] =	ssyncadd.s32 @!p2 $0xFFFFC000  }
0x172: {  	[tilespmem:s20], [sflag:$0x2] =	stream.indirect.gather @!p4 [hbm4b:s1+s17], $0x80, s0, s17, $0xb8;
	[tilespmem:$0x1E080] =	vst v63  }
0x173: {  	s31 =	simm.s32 $0x400;
	_ =	swait.ge @!p4 [sflag:s14], $0x4000  }
0x174: {  	s22 =	sadd.s32 $0x4, s21;
	s19 =	sadd.s32 $0x2, s16;
	[sflag:s14] =	ssyncset.done @!p4 $0x0  }
0x175: {  	s18 =	simm.s32 $0x800;
	[sflag:s14] =	ssyncadd.s32 @!p4 $0xFFFFC000;
	s14 =	simm.s32 @!p4 $0x3  }
0x176: {  	p2 =	sgt.u32 s22, $0x9C3;
	s22 =	simm.s32 @!p1 $0x1580;
	_ =	swait.ge @!p4 [sflag:s14], $0x4000  }
0x177: {  	p1 =	sgt.u32 s19, $0x9C3;
	s30 =	simm.s32 @!p2 $0x2800;
	[sflag:s14] =	ssyncset.done @!p4 $0x0  }
0x178: {  	s0 =	simm.s32 @!p2 $0x200;
	[sflag:s14] =	ssyncadd.s32 @!p4 $0xFFFFC000;
	s14 =	simm.s32 @!p2 $0x80  }
.LBB2_11:
0x179: {  	[tilespmem:s30], [sflag:$0x1] =	stream.indirect.gather @!p2 [hbm4b:s1+s14], $0x80, s0, s14, $0xb8;
	[tilespmem:$0x1E080] =	vst v63  }
0x17a: {  	s0 =	smov.u32 s31;
	s31 =	smov.u32 s18;
	s14 =	smov.u32 s16  }
0x17b: {  	s18 =	sadd.s32 $0x400, s18;
	s30 =	simm.s32 @!p1 $0x1;
	s16 =	smov.u32 s19  }
0x17c: {  	[spmem:s2] =	stream.indirect.scatter.add.f32 @!p4 [tilespmem:s20], [sflag:$0x4], $0x80, s22, s17, $0xb8;
	[tilespmem:$0x1E080] =	vst v63  }
0x17d: {  	p2 =	sgt.u32 s14, $0x9C3;
	s20 =	simm.s32 @!p1 $0x2800;
	_ =	swait.ge @!p1 [sflag:s30], $0x4000  }
0x17e: {  	s22 =	sshra.s32 @!p1 s0, $0x2;
	s3 =	simm.s32 @!p2 $0x4;
	[sflag:s30] =	ssyncset.done @!p1 $0x0  }
0x17f: {  	s17 =	simm.s32 @!p1 $0x80;
	[sflag:s30] =	ssyncadd.s32 @!p1 $0xFFFFC000;
	s30 =	sadd.s32 @!p1 $0x1500, s22  }
0x180: {  	[spmem:s2] =	stream.indirect.scatter.add.f32 @!p1 [tilespmem:s20], [sflag:$0x3], $0x80, s30, s17, $0xb8;
	[tilespmem:$0x1E080] =	vst v63  }
0x181: {  	s30 =	sadd.s32 @!p1 $0x180, s22;
	s22 =	sadd.s32 @!p1 $0x1580, s22;
	_ =	swait.ge @!p2 [sflag:s3], $0x4000  }
0x182: {  	p6 =	sne.s32 s18, $0x4800;
	p4 =	por p1, p1;
	[sflag:s3] =	ssyncset.done @!p2 $0x0  }
0x183: {  	s20 =	simm.s32 @!p4 $0x6800;
	[sflag:s3] =	ssyncadd.s32 @!p2 $0xFFFFC000;
	s3 =	simm.s32 @!p4 $0x2  }
0x184: {  	[tilespmem:s20], [sflag:$0x2] =	stream.indirect.gather @!p4 [hbm4b:s1+s17], $0x80, s30, s17, $0xb8;
	[tilespmem:$0x1E080] =	vst v63  }
0x185: {  	_ =	swait.ge @!p4 [sflag:s3], $0x4000  }
.Ltmp6:
0x186: {  	s14 =	sadd.s32 $0x4, s14;
	[sflag:s3] =	ssyncset.done @!p4 $0x0;
	(pc) =	sbr.rel @p6 .LBB2_11-.Ltmp6, $4  }
0x187: {  	p2 =	sgt.u32 s14, $0x9C3;
	[sflag:s3] =	ssyncadd.s32 @!p4 $0xFFFFC000;
	s3 =	simm.s32 @!p4 $0x3  }
0x188: {  	s0 =	sshra.s32 @!p2 s0, $0x2;
	s30 =	simm.s32 @!p2 $0x2800;
	_ =	swait.ge @!p4 [sflag:s3], $0x4000  }
0x189: {  	s19 =	sadd.s32 $0x2, s19;
	s0 =	sadd.s32 @!p2 $0x200, s0;
	[sflag:s3] =	ssyncset.done @!p4 $0x0  }
0x18a: {  	p1 =	sgt.u32 s19, $0x9C3;
	s14 =	simm.s32 @!p2 $0x80;
	[sflag:s3] =	ssyncadd.s32 @!p4 $0xFFFFC000  }
0x18b: {  	[tilespmem:s30], [sflag:$0x1] =	stream.indirect.gather @!p2 [hbm4b:s1+s14], $0x80, s0, s14, $0xb8;
	[tilespmem:$0x1E080] =	vst v63  }
0x18c: {  	s0 =	simm.s32 @!p1 $0x1  }
0x18d: {  	[spmem:s2] =	stream.indirect.scatter.add.f32 @!p4 [tilespmem:s20], [sflag:$0x4], $0x80, s22, s17, $0xb8;
	[tilespmem:$0x1E080] =	vst v63  }
0x18e: {  	s3 =	simm.s32 @!p1 $0x2800;
	s14 =	sshra.s32 @!p1 s31, $0x2;
	_ =	swait.ge @!p1 [sflag:s0], $0x4000  }
0x18f: {  	s18 =	simm.s32 @!p1 $0x80;
	p4 =	sgt.u32 s16, $0x9C3;
	[sflag:s0] =	ssyncset.done @!p1 $0x0  }
0x190: {  	s17 =	simm.s32 @!p4 $0x4;
	[sflag:s0] =	ssyncadd.s32 @!p1 $0xFFFFC000;
	s0 =	sadd.s32 @!p1 $0x1500, s14  }
0x191: {  	[spmem:s2] =	stream.indirect.scatter.add.f32 @!p1 [tilespmem:s3], [sflag:$0x3], $0x80, s0, s18, $0xb8;
	[tilespmem:$0x1E080] =	vst v63  }
0x192: {  	_ =	swait.ge @!p4 [sflag:s17], $0x4000  }
0x193: {  	p2 =	por p1, p1;
	s0 =	sadd.s32 @!p1 $0x180, s14;
	[sflag:s17] =	ssyncset.done @!p4 $0x0  }
0x194: {  	s3 =	simm.s32 @!p2 $0x6800;
	[sflag:s17] =	ssyncadd.s32 @!p4 $0xFFFFC000;
	s17 =	simm.s32 @!p2 $0x2  }
0x195: {  	[tilespmem:s3], [sflag:$0x2] =	stream.indirect.gather @!p2 [hbm4b:s1+s18], $0x80, s0, s18, $0xb8;
	[tilespmem:$0x1E080] =	vst v63  }
0x196: {  	_ =	swait.ge @!p2 [sflag:s17], $0x4000  }
0x197: {  	s19 =	sadd.s32 $0x4, s16;
	[sflag:s17] =	ssyncset.done @!p2 $0x0  }
0x198: {  	s16 =	simm.s32 @!p2 $0x3;
	p4 =	sgt.u32 s19, $0x9C3;
	[sflag:s17] =	ssyncadd.s32 @!p2 $0xFFFFC000  }
0x199: {  	s0 =	sshra.s32 @!p4 s31, $0x2;
	_ =	swait.ge @!p2 [sflag:s16], $0x4000  }
0x19a: {  	s0 =	sadd.s32 @!p4 $0x200, s0;
	[sflag:s16] =	ssyncset.done @!p2 $0x0  }
0x19b: {  	s17 =	simm.s32 @!p4 $0x2800;
	[sflag:s16] =	ssyncadd.s32 @!p2 $0xFFFFC000;
	s16 =	simm.s32 @!p4 $0x80  }
0x19c: {  	[tilespmem:s17], [sflag:$0x1] =	stream.indirect.gather @!p4 [hbm4b:s1+s16], $0x80, s0, s16, $0xb8;
	[tilespmem:$0x1E080] =	vst v63  }
0x19d: {  	s0 =	sadd.s32 @!p1 $0x1580, s14  }
0x19e: {  	[spmem:s2] =	stream.indirect.scatter.add.f32 @!p2 [tilespmem:s3], [sflag:$0x4], $0x80, s0, s18, $0xb8;
	[tilespmem:$0x1E080] =	vst v63  }
0x19f: {  	s0 =	simm.s32 @!p5 $0x1  }
0x1a0: {  	_ =	swait.ge @!p5 [sflag:s0], $0x4000  }
0x1a1: {  	s14 =	simm.s32 @!p5 $0x2700;
	[sflag:s0] =	ssyncset.done @!p5 $0x0  }
0x1a2: {  	s16 =	simm.s32 @!p5 $0x2800;
	s3 =	simm.s32 @!p5 $0x80;
	[sflag:s0] =	ssyncadd.s32 @!p5 $0xFFFFC000  }
0x1a3: {  	[spmem:s2] =	stream.indirect.scatter.add.f32 @!p5 [tilespmem:s16], [sflag:$0x3], $0x80, s14, s3, $0xb8;
	[tilespmem:$0x1E080] =	vst v63  }
0x1a4: {  	s14 =	simm.s32 @!p5 $0x4  }
0x1a5: {  	_ =	swait.ge @!p5 [sflag:s14], $0x4000  }
0x1a6: {  	[sflag:s14] =	ssyncset.done @!p5 $0x0  }
0x1a7: {  	s17 =	simm.s32 @!p5 $0x1380;
	s18 =	simm.s32 @!p5 $0x6800;
	[sflag:s14] =	ssyncadd.s32 @!p5 $0xFFFFC000  }
0x1a8: {  	[tilespmem:s18], [sflag:$0x2] =	stream.indirect.gather @!p5 [hbm4b:s1+s3], $0x80, s17, s3, $0xb8;
	[tilespmem:$0x1E080] =	vst v63  }
0x1a9: {  	s17 =	simm.s32 @!p5 $0x2  }
0x1aa: {  	_ =	swait.ge @!p5 [sflag:s17], $0x4000  }
0x1ab: {  	[sflag:s17] =	ssyncset.done @!p5 $0x0  }
0x1ac: {  	s19 =	simm.s32 @!p5 $0x3;
	[sflag:s17] =	ssyncadd.s32 @!p5 $0xFFFFC000  }
0x1ad: {  	_ =	swait.ge @!p5 [sflag:s19], $0x4000  }
0x1ae: {  	[sflag:s19] =	ssyncset.done @!p5 $0x0  }
0x1af: {  	s20 =	simm.s32 @!p5 $0x2780;
	[sflag:s19] =	ssyncadd.s32 @!p5 $0xFFFFC000  }
0x1b0: {  	[spmem:s2] =	stream.indirect.scatter.add.f32 @!p5 [tilespmem:s18], [sflag:$0x4], $0x80, s20, s3, $0xb8;
	[tilespmem:$0x1E080] =	vst v63  }
0x1b1: {  	_ =	swait.ge @!p5 [sflag:s14], $0x4000  }
0x1b2: {  	[sflag:s14] =	ssyncset.done @!p5 $0x0  }
0x1b3: {  	s20 =	rddreg [dreg:$0xa];
	[sflag:s14] =	ssyncadd.s32 @!p5 $0xFFFFC000  }
0x1b4: {  	[tilespmem:s4], [sflag:$0x5] =	stream.linear.gather [hbm4b:s20+s4], $0x1400, $0x38;
	[tilespmem:$0x1E080] =	vst v63  }
0x1b5: {  	_ =	swait.ge [sflag:s25], $0x1400  }
0x1b6: {  	[sflag:s25] =	ssyncset.done $0x0  }
0x1b7: {  	[sflag:s25] =	ssyncadd.s32 $0xFFFFEC00  }
0x1b8: {  	[tilespmem:s26], [sflag:$0x5] =	stream.linear.gather [hbm4b:s10+s4], $0x1400, $0x38;
	[tilespmem:$0x1E080] =	vst v63  }
0x1b9: {  	_ =	swait.ge [sflag:s25], $0x1400  }
0x1ba: {  	[sflag:s25] =	ssyncset.done $0x0  }
0x1bb: {  	s14 =	simm.s32 @!p5 $0x0;
	[sflag:s25] =	ssyncadd.s32 $0xFFFFEC00  }
0x1bc: {  	[tilespmem:s16], [sflag:$0x1] =	stream.indirect.gather @!p5 [hbm4b:s1+s3], $0x80, s14, s3, $0xb8;
	[tilespmem:$0x1E080] =	vst v63  }
0x1bd: {  	_ =	swait.ge @!p5 [sflag:s0], $0x4000  }
0x1be: {  	[sflag:s0] =	ssyncset.done @!p5 $0x0  }
0x1bf: {  	[sflag:s0] =	ssyncadd.s32 @!p5 $0xFFFFC000;
	s0 =	simm.s32 @!p5 $0x1400  }
0x1c0: {  	[spmem:s2] =	stream.indirect.scatter.add.f32 @!p5 [tilespmem:s16], [sflag:$0x3], $0x80, s0, s3, $0xb8;
	[tilespmem:$0x1E080] =	vst v63  }
0x1c1: {  	_ = 	snop  }
0x1c2: {  	[tilespmem:s18], [sflag:$0x2] =	stream.indirect.gather @!p5 [hbm4b:s1+s3], $0x80, s3, s3, $0xb8;
	[tilespmem:$0x1E080] =	vst v63  }
0x1c3: {  	_ =	swait.ge @!p5 [sflag:s17], $0x4000  }
0x1c4: {  	[sflag:s17] =	ssyncset.done @!p5 $0x0  }
0x1c5: {  	[sflag:s17] =	ssyncadd.s32 @!p5 $0xFFFFC000  }
0x1c6: {  	_ =	swait.ge @!p5 [sflag:s19], $0x4000  }
0x1c7: {  	[sflag:s19] =	ssyncset.done @!p5 $0x0  }
0x1c8: {  	s0 =	simm.s32 @!p5 $0x100;
	[sflag:s19] =	ssyncadd.s32 @!p5 $0xFFFFC000  }
0x1c9: {  	[tilespmem:s16], [sflag:$0x1] =	stream.indirect.gather @!p5 [hbm4b:s1+s3], $0x80, s0, s3, $0xb8;
	[tilespmem:$0x1E080] =	vst v63  }
0x1ca: {  	s16 =	sadd.s32 $0x2, s23  }
0x1cb: {  	s0 =	simm.s32 @!p5 $0x1480;
	p1 =	sgt.u32 s16, $0x9C3  }
0x1cc: {  	[spmem:s2] =	stream.indirect.scatter.add.f32 @!p5 [tilespmem:s18], [sflag:$0x4], $0x80, s0, s3, $0xb8;
	[tilespmem:$0x1E080] =	vst v63  }
0x1cd: {  	s0 =	simm.s32 @!p1 $0x1  }
0x1ce: {  	p2 =	sgt.u32 s23, $0x9C3;
	_ =	swait.ge @!p1 [sflag:s0], $0x4000  }
0x1cf: {  	s14 =	simm.s32 @!p2 $0x4;
	s3 =	simm.s32 @!p1 $0x2800;
	[sflag:s0] =	ssyncset.done @!p1 $0x0  }
0x1d0: {  	s17 =	simm.s32 @!p1 $0x80;
	[sflag:s0] =	ssyncadd.s32 @!p1 $0xFFFFC000;
	s0 =	simm.s32 @!p1 $0x1500  }
0x1d1: {  	[spmem:s2] =	stream.indirect.scatter.add.f32 @!p1 [tilespmem:s3], [sflag:$0x3], $0x80, s0, s17, $0xb8;
	[tilespmem:$0x1E080] =	vst v63  }
0x1d2: {  	p4 =	por p1, p1;
	_ =	swait.ge @!p2 [sflag:s14], $0x4000  }
0x1d3: {  	s20 =	simm.s32 @!p4 $0x6800;
	[sflag:s14] =	ssyncset.done @!p2 $0x0  }
0x1d4: {  	s0 =	simm.s32 @!p1 $0x180;
	s3 =	simm.s32 @!p4 $0x2;
	[sflag:s14] =	ssyncadd.s32 @!p2 $0xFFFFC000  }
0x1d5: {  	[tilespmem:s20], [sflag:$0x2] =	stream.indirect.gather @!p4 [hbm4b:s1+s17], $0x80, s0, s17, $0xb8;
	[tilespmem:$0x1E080] =	vst v63  }
0x1d6: {  	s22 =	sadd.s32 $0x4, s23;
	_ =	swait.ge @!p4 [sflag:s3], $0x4000  }
0x1d7: {  	s31 =	simm.s32 $0x400;
	s19 =	sadd.s32 $0x2, s16;
	[sflag:s3] =	ssyncset.done @!p4 $0x0  }
0x1d8: {  	s18 =	simm.s32 $0x800;
	[sflag:s3] =	ssyncadd.s32 @!p4 $0xFFFFC000;
	s3 =	simm.s32 @!p4 $0x3  }
0x1d9: {  	p2 =	sgt.u32 s22, $0x9C3;
	s22 =	simm.s32 @!p1 $0x1580;
	_ =	swait.ge @!p4 [sflag:s3], $0x4000  }
0x1da: {  	p1 =	sgt.u32 s19, $0x9C3;
	s30 =	simm.s32 @!p2 $0x2800;
	[sflag:s3] =	ssyncset.done @!p4 $0x0  }
0x1db: {  	s0 =	simm.s32 @!p2 $0x200;
	s14 =	simm.s32 @!p2 $0x80;
	[sflag:s3] =	ssyncadd.s32 @!p4 $0xFFFFC000  }
.LBB2_13:
0x1dc: {  	[tilespmem:s30], [sflag:$0x1] =	stream.indirect.gather @!p2 [hbm4b:s1+s14], $0x80, s0, s14, $0xb8;
	[tilespmem:$0x1E080] =	vst v63  }
0x1dd: {  	s0 =	smov.u32 s31;
	s31 =	smov.u32 s18;
	s3 =	smov.u32 s16  }
0x1de: {  	s18 =	sadd.s32 $0x400, s18;
	s14 =	simm.s32 @!p1 $0x1;
	s16 =	smov.u32 s19  }
0x1df: {  	[spmem:s2] =	stream.indirect.scatter.add.f32 @!p4 [tilespmem:s20], [sflag:$0x4], $0x80, s22, s17, $0xb8;
	[tilespmem:$0x1E080] =	vst v63  }
0x1e0: {  	p2 =	sgt.u32 s3, $0x9C3;
	s20 =	simm.s32 @!p1 $0x2800;
	_ =	swait.ge @!p1 [sflag:s14], $0x4000  }
0x1e1: {  	s22 =	sshra.s32 @!p1 s0, $0x2;
	s30 =	simm.s32 @!p2 $0x4;
	[sflag:s14] =	ssyncset.done @!p1 $0x0  }
0x1e2: {  	s17 =	simm.s32 @!p1 $0x80;
	[sflag:s14] =	ssyncadd.s32 @!p1 $0xFFFFC000;
	s14 =	sadd.s32 @!p1 $0x1500, s22  }
0x1e3: {  	[spmem:s2] =	stream.indirect.scatter.add.f32 @!p1 [tilespmem:s20], [sflag:$0x3], $0x80, s14, s17, $0xb8;
	[tilespmem:$0x1E080] =	vst v63  }
0x1e4: {  	s14 =	sadd.s32 @!p1 $0x180, s22;
	s22 =	sadd.s32 @!p1 $0x1580, s22;
	_ =	swait.ge @!p2 [sflag:s30], $0x4000  }
0x1e5: {  	p6 =	sne.s32 s18, $0x4800;
	p4 =	por p1, p1;
	[sflag:s30] =	ssyncset.done @!p2 $0x0  }
0x1e6: {  	s20 =	simm.s32 @!p4 $0x6800;
	[sflag:s30] =	ssyncadd.s32 @!p2 $0xFFFFC000;
	s30 =	simm.s32 @!p4 $0x2  }
0x1e7: {  	[tilespmem:s20], [sflag:$0x2] =	stream.indirect.gather @!p4 [hbm4b:s1+s17], $0x80, s14, s17, $0xb8;
	[tilespmem:$0x1E080] =	vst v63  }
0x1e8: {  	_ =	swait.ge @!p4 [sflag:s30], $0x4000  }
.Ltmp7:
0x1e9: {  	s3 =	sadd.s32 $0x4, s3;
	[sflag:s30] =	ssyncset.done @!p4 $0x0;
	(pc) =	sbr.rel @p6 .LBB2_13-.Ltmp7, $4  }
0x1ea: {  	p2 =	sgt.u32 s3, $0x9C3;
	s14 =	simm.s32 @!p4 $0x3;
	[sflag:s30] =	ssyncadd.s32 @!p4 $0xFFFFC000  }
0x1eb: {  	s0 =	sshra.s32 @!p2 s0, $0x2;
	s30 =	simm.s32 @!p2 $0x2800;
	_ =	swait.ge @!p4 [sflag:s14], $0x4000  }
0x1ec: {  	s19 =	sadd.s32 $0x2, s19;
	s0 =	sadd.s32 @!p2 $0x200, s0;
	[sflag:s14] =	ssyncset.done @!p4 $0x0  }
0x1ed: {  	p1 =	sgt.u32 s19, $0x9C3;
	[sflag:s14] =	ssyncadd.s32 @!p4 $0xFFFFC000;
	s14 =	simm.s32 @!p2 $0x80  }
0x1ee: {  	[tilespmem:s30], [sflag:$0x1] =	stream.indirect.gather @!p2 [hbm4b:s1+s14], $0x80, s0, s14, $0xb8;
	[tilespmem:$0x1E080] =	vst v63  }
0x1ef: {  	s0 =	simm.s32 @!p1 $0x1  }
0x1f0: {  	[spmem:s2] =	stream.indirect.scatter.add.f32 @!p4 [tilespmem:s20], [sflag:$0x4], $0x80, s22, s17, $0xb8;
	[tilespmem:$0x1E080] =	vst v63  }
0x1f1: {  	s3 =	simm.s32 @!p1 $0x2800;
	s14 =	sshra.s32 @!p1 s31, $0x2;
	_ =	swait.ge @!p1 [sflag:s0], $0x4000  }
0x1f2: {  	s18 =	simm.s32 @!p1 $0x80;
	p4 =	sgt.u32 s16, $0x9C3;
	[sflag:s0] =	ssyncset.done @!p1 $0x0  }
0x1f3: {  	s17 =	simm.s32 @!p4 $0x4;
	[sflag:s0] =	ssyncadd.s32 @!p1 $0xFFFFC000;
	s0 =	sadd.s32 @!p1 $0x1500, s14  }
0x1f4: {  	[spmem:s2] =	stream.indirect.scatter.add.f32 @!p1 [tilespmem:s3], [sflag:$0x3], $0x80, s0, s18, $0xb8;
	[tilespmem:$0x1E080] =	vst v63  }
0x1f5: {  	_ =	swait.ge @!p4 [sflag:s17], $0x4000  }
0x1f6: {  	p2 =	por p1, p1;
	s0 =	sadd.s32 @!p1 $0x180, s14;
	[sflag:s17] =	ssyncset.done @!p4 $0x0  }
0x1f7: {  	s3 =	simm.s32 @!p2 $0x6800;
	[sflag:s17] =	ssyncadd.s32 @!p4 $0xFFFFC000;
	s17 =	simm.s32 @!p2 $0x2  }
0x1f8: {  	[tilespmem:s3], [sflag:$0x2] =	stream.indirect.gather @!p2 [hbm4b:s1+s18], $0x80, s0, s18, $0xb8;
	[tilespmem:$0x1E080] =	vst v63  }
0x1f9: {  	_ =	swait.ge @!p2 [sflag:s17], $0x4000  }
0x1fa: {  	s19 =	sadd.s32 $0x4, s16;
	[sflag:s17] =	ssyncset.done @!p2 $0x0  }
0x1fb: {  	s16 =	simm.s32 @!p2 $0x3;
	p4 =	sgt.u32 s19, $0x9C3;
	[sflag:s17] =	ssyncadd.s32 @!p2 $0xFFFFC000  }
0x1fc: {  	s0 =	sshra.s32 @!p4 s31, $0x2;
	_ =	swait.ge @!p2 [sflag:s16], $0x4000  }
0x1fd: {  	s0 =	sadd.s32 @!p4 $0x200, s0;
	[sflag:s16] =	ssyncset.done @!p2 $0x0  }
0x1fe: {  	s17 =	simm.s32 @!p4 $0x2800;
	[sflag:s16] =	ssyncadd.s32 @!p2 $0xFFFFC000;
	s16 =	simm.s32 @!p4 $0x80  }
0x1ff: {  	[tilespmem:s17], [sflag:$0x1] =	stream.indirect.gather @!p4 [hbm4b:s1+s16], $0x80, s0, s16, $0xb8;
	[tilespmem:$0x1E080] =	vst v63  }
0x200: {  	s0 =	sadd.s32 @!p1 $0x1580, s14  }
0x201: {  	[spmem:s2] =	stream.indirect.scatter.add.f32 @!p2 [tilespmem:s3], [sflag:$0x4], $0x80, s0, s18, $0xb8;
	[tilespmem:$0x1E080] =	vst v63  }
0x202: {  	s0 =	simm.s32 @!p5 $0x1  }
0x203: {  	_ =	swait.ge @!p5 [sflag:s0], $0x4000  }
0x204: {  	s14 =	simm.s32 @!p5 $0x2800;
	[sflag:s0] =	ssyncset.done @!p5 $0x0  }
0x205: {  	s3 =	simm.s32 @!p5 $0x2700;
	[sflag:s0] =	ssyncadd.s32 @!p5 $0xFFFFC000;
	s0 =	simm.s32 @!p5 $0x80  }
0x206: {  	[spmem:s2] =	stream.indirect.scatter.add.f32 @!p5 [tilespmem:s14], [sflag:$0x3], $0x80, s3, s0, $0xb8;
	[tilespmem:$0x1E080] =	vst v63  }
0x207: {  	s3 =	simm.s32 @!p5 $0x4  }
0x208: {  	_ =	swait.ge @!p5 [sflag:s3], $0x4000  }
0x209: {  	[sflag:s3] =	ssyncset.done @!p5 $0x0  }
0x20a: {  	s16 =	simm.s32 @!p5 $0x6800;
	s14 =	simm.s32 @!p5 $0x1380;
	[sflag:s3] =	ssyncadd.s32 @!p5 $0xFFFFC000  }
0x20b: {  	[tilespmem:s16], [sflag:$0x2] =	stream.indirect.gather @!p5 [hbm4b:s1+s0], $0x80, s14, s0, $0xb8;
	[tilespmem:$0x1E080] =	vst v63  }
0x20c: {  	s14 =	simm.s32 @!p5 $0x2  }
0x20d: {  	_ =	swait.ge @!p5 [sflag:s14], $0x4000  }
0x20e: {  	[sflag:s14] =	ssyncset.done @!p5 $0x0  }
0x20f: {  	[sflag:s14] =	ssyncadd.s32 @!p5 $0xFFFFC000;
	s14 =	simm.s32 @!p5 $0x3  }
0x210: {  	_ =	swait.ge @!p5 [sflag:s14], $0x4000  }
0x211: {  	[sflag:s14] =	ssyncset.done @!p5 $0x0  }
0x212: {  	[sflag:s14] =	ssyncadd.s32 @!p5 $0xFFFFC000;
	s14 =	simm.s32 @!p5 $0x2780  }
0x213: {  	[spmem:s2] =	stream.indirect.scatter.add.f32 @!p5 [tilespmem:s16], [sflag:$0x4], $0x80, s14, s0, $0xb8;
	[tilespmem:$0x1E080] =	vst v63  }
0x214: {  	_ =	swait.ge @!p5 [sflag:s3], $0x4000  }
0x215: {  	[sflag:s3] =	ssyncset.done @!p5 $0x0  }
0x216: {  	[sflag:s3] =	ssyncadd.s32 @!p5 $0xFFFFC000  }
0x217: {  	[bflag:$0x0] =	sbarrier.arrive $0xFFFF  }
0x218: {  	s20 =	sld [smem:$0x7FB];
	_ =	sdelay $0x2  }
0x219: {  	s0 =	rddreg [dreg:$0xb];
	p1 =	seq.s32 s20, $0x1  }
0x21a: {  	[hbm:s0], [sflag:s6] =	dma.local @p1 [spmem:s11], $0x2700  }
0x21b: {  	s0 =	simm.s32 @p1 $0x5  }
0x21c: {  	_ =	swait.ge @p1 [sflag:s0], $0x2700  }
0x21d: {  	s22 =	sld [smem:$0x7FC];
	_ =	sdelay $0x1  }
0x21e: {  	[sflag:s0] =	ssyncset.done @p1 $0x0  }
0x21f: {  	[sflag:s0] =	ssyncadd.s32 @p1 $0xFFFFD900;
	p1 =	seq.s32 s22, $0x1  }
0x220: {  	s3 =	rddreg [dreg:$0xc];
	s0 =	simm.s32 @p1 $0x1FC5  }
0x221: {  	[hbm:s3], [sflag:s0] =	dma.local @p1 [spmem:s12], $0x2800  }
0x222: {  	s0 =	simm.s32 @p1 $0x5  }
0x223: {  	_ =	swait.ge @p1 [sflag:s0], $0x2800  }
0x224: {  	[sflag:s0] =	ssyncset.done @p1 $0x0  }
0x225: {  	[sflag:s0] =	ssyncadd.s32 @p1 $0xFFFFD800;
	s0 =	rddreg [dreg:$0xd]  }
0x226: {  	[hbm:s0], [sflag:s13] =	dma.local @p3 [spmem:s15], $0x2700  }
0x227: {  	s0 =	simm.s32 @p3 $0x5  }
0x228: {  	_ =	swait.ge @p3 [sflag:s0], $0x2700  }
0x229: {  	s30 =	sld [smem:$0x7FD];
	_ =	sdelay $0x2  }
0x22a: {  	[sflag:s0] =	ssyncset.done @p3 $0x0;
	s6 =	rddreg [dreg:$0xe];
	p2 =	seq.s32 s30, $0x1  }
0x22b: {  	[sflag:s0] =	ssyncadd.s32 @p3 $0xFFFFD900;
	s0 =	sshrl.u32 @p2 s7, $0x3;
	s3 =	simm.s32 @p2 $0x1FC5  }
0x22c: {  	[hbm:s6], [sflag:s3] =	dma.local @p2 [spmem:s0], $0x2800  }
0x22d: {  	s0 =	simm.s32 @p2 $0x5  }
0x22e: {  	_ =	swait.ge @p2 [sflag:s0], $0x2800  }
0x22f: {  	s28 =	sadd.s32 $0x1, s28;
	s31 =	rddreg [dreg:$0xf]  }
0x230: {  	p1 =	sne.s32 s28, s31  }
.Ltmp8:
0x231: {  	_ = 	snop;
	(pc) =	sbr.rel @p1 .LBB2_1-.Ltmp8, $3  }
0x232: {  	_ =	sdelay $0x1  }
0x233: {  	[sflag:s0] =	ssyncset.done @p2 $0x0  }
0x234: {  	s3 =	stileid.u32;
	[sflag:s0] =	ssyncadd.s32 @p2 $0xFFFFD800  }
0x235: {  	_ =	sfence.sel $0x180000  }
0x236: {  	[bflag:$0x0] =	sbarrier.arrive $0xFFFF  }
0x237: {  	_ =	strace $0x90000047  }
0x238: {  	[bflag:$0x2] =	sbarrier.arrive $0xFFFF  }
0x239: {  	p0 =	sne.s32 s3, $0x0;
	s0 =	rddreg [dreg:$0x3]  }
0x23a: {  	s0 =	sadd.s32 @!p0 $0x100000, s0  }
0x23b: {  	[sflag:s0] =	ssyncadd.tile.s32 @!p0 $0x1;
	_ =	shalt  }
.Lfunc_end2:
_tile_overlayer_lowered:
.L_overlay_start_2:
0x23c: {  	(tag) =	ssettag $0x2  }
0x23d: {  	s0 =	rddreg [dreg:$0x0];
	s2 =	stileid.u32  }
0x23e: {  	s1 =	rddreg [dreg:$0x1];
	p0 =	sne.s32 s2, $0x0  }
0x23f: {  	s3 =	rddreg [dreg:$0x2];
	[bflag:$0x3] =	sbarrier.arrive $0xFFFF;
	s2 =	simm.s32 @!p0 $0x1C05  }
0x240: {  	[timem:s3], [sflag:s2] =	dma.local @!p0 [hbm:s0], s1  }
0x241: {  	s0 =	simm.s32 @!p0 $0x5  }
0x242: {  	_ =	swait.ge @!p0 [sflag:s0], s1  }
0x243: {  	s1 =	ssub.s32 @!p0 $0x0, s1;
	[sflag:s0] =	ssyncset.done @!p0 $0x0  }
0x244: {  	[sflag:s0] =	ssyncadd.s32 @!p0 s1  }
0x245: {  	[bflag:$0x3] =	sbarrier.arrive $0xFFFF  }
0x246: {  	_ =	shalt  }

// kernel: kernel.9.cloned.1.call-start
scs
__scs_entry_jumppad:
0x0: {  	(pc) =	sbr.rel $0x88, $3  }
0x1: {  	(tag) =	ssettag $0x0;
	lr =	simm.s32 $0x1  }
0x2: {  	[smem:$0x3F96] =	sst lr;
	_ =	strace $0xD0000000  }
0x3: {  	_ = 	snop  }
0x4: {  	_ = 	snop  }
0x5: {  	_ = 	snop  }
0x6: {  	_ = 	snop  }
0x7: {  	_ = 	snop  }
__scs_overlays_trampoline_lowered:
0x8: {  	[smem:$0x3FA5] =	sst s0  }
0x9: {  	[smem:$0x3FA6] =	sst s1  }
0xa: {  	[smem:$0x3FA7] =	sst s2  }
0xb: {  	[smem:$0x3FA8] =	sst s3  }
0xc: {  	[smem:$0x3FA9] =	sst s4  }
0xd: {  	[smem:$0x3FAA] =	sst s5  }
0xe: {  	[smem:$0x3FAB] =	sst s6  }
0xf: {  	[smem:$0x3FAC] =	sst s7  }
0x10: {  	[smem:$0x3FAD] =	sst s8  }
0x11: {  	[smem:$0x3FAE] =	sst s9;
	s0 =	simm.s32 @!p0 $0x0  }
0x12: {  	s1 =	sld [smem:$0x3F94];
	s0 =	simm.s32 @p0 $0x1  }
0x13: {  	[smem:$0x3FAF] =	sst s0;
	s0 =	simm.s32 @!p1 $0x0  }
0x14: {  	s2 =	sld [smem:$0x3F93];
	s0 =	simm.s32 @p1 $0x1  }
0x15: {  	[smem:$0x3FB0] =	sst s0;
	s0 =	simm.s32 @!p2 $0x0  }
0x16: {  	s3 =	sld [smem:$0x3FDB];
	s0 =	simm.s32 @p2 $0x1  }
0x17: {  	s4 =	simm.s32 $0x1BF5;
	[smem:$0x3FB2] =	sst s0  }
0x18: {  	s0 =	sld [smem:$0x3F95];
	_ =	swait.ge [sflag:s4], $0x0  }
0x19: {  	s7 =	sld [smem:$0x3F96]  }
0x1a: {  	s8 =	sadd.s32 $0xFFFFE003, lr  }
0x1b: {  	s9 =	sadd.s32 $0xFFFFFEF7, lr;
	s5 =	simm.s32 $0xFFFFFFFF;
	p2 =	slt.u32 s8, $0xFFFFF086  }
0x1c: {  	p1 =	slt.u32 s9, $0xF7A;
	s5 =	simm.s32 @!p2 $0x0  }
0x1d: {  	s5 =	simm.s32 @p1 $0x1;
	p0 =	seq.s32 s7, s2  }
0x1e: {  	s7 =	smul.u32 @!p0 $0xF7A, s2;
	p2 =	seq.s32 @!p0 s5, $0x0  }
0x1f: {  	s9 =	smul.u32 $0xF7A, s1;
	s8 =	simm.s32 @!p0 $0x1BF5;
	p2 =	por !p2, p0  }
0x20: {  	[sflag:s8] =	ssyncset.s32 @!p0 $0xFFFFF086;
	s6 =	sadd.s32 @!p0 s3, s7;
	s7 =	simm.s32 @!p0 $0x108  }
0x21: {  	s3 =	sadd.s32 s3, s9;
	s6 =	sadd.s32 @!p0 $0x88, s6;
	s7 =	simm.s32 @p2 $0x1082  }
0x22: {  	[simem:s7], [sflag:s8] =	dma.local @!p0 [hbm:s6], $0xF7A  }
0x23: {  	s9 =	sor.u32 $0xD0000000, s2;
	s6 =	simm.s32 $0x108;
	_ =	swait.ge @!p0 [sflag:s8], $0x0  }
0x24: {  	s3 =	sadd.s32 $0x88, s3;
	s6 =	simm.s32 @!p1 $0x1082;
	[sflag:s4] =	ssyncset.s32 $0xFFFFF086  }
0x25: {  	[simem:s6], [sflag:s4] =	dma.local [hbm:s3], $0xF7A  }
0x26: {  	[smem:$0x3F96] =	sst s1;
	(tag) =	ssettag s2;
	_ =	strace s9  }
0x27: {  	s1 =	sld [smem:$0x3FA6]  }
0x28: {  	s2 =	sld [smem:$0x3FA7]  }
0x29: {  	s4 =	sld [smem:$0x3FA9]  }
0x2a: {  	p0 =	seq.s32 s5, $0x0;
	s5 =	sld [smem:$0x3FAA]  }
0x2b: {  	s6 =	sld [smem:$0x3FAB]  }
0x2c: {  	s7 =	sld [smem:$0x3FAC]  }
0x2d: {  	s3 =	simm.s32 $0x108;
	s8 =	sld [smem:$0x3FAD]  }
0x2e: {  	s3 =	simm.s32 @!p0 $0x1082;
	s9 =	sld [smem:$0x3FAE]  }
0x2f: {  	lr =	sadd.s32 s0, s3;
	s0 =	sld [smem:$0x3FA5]  }
0x30: {  	s3 =	sld [smem:$0x3FA8]  }
0x31: {  	[smem:$0x3FB1] =	sst s10  }
0x32: {  	s10 =	sld [smem:$0x3FAF];
	_ =	sdelay $0x3  }
0x33: {  	p0 =	seq.s32 s10, $0x1;
	s10 =	sld [smem:$0x3FB1];
	_ =	sdelay $0x3  }
0x34: {  	[smem:$0x3FB1] =	sst s10  }
0x35: {  	s10 =	sld [smem:$0x3FB0];
	_ =	sdelay $0x3  }
0x36: {  	p1 =	seq.s32 s10, $0x1;
	s10 =	sld [smem:$0x3FB1];
	_ =	sdelay $0x3  }
0x37: {  	[smem:$0x3FB1] =	sst s10  }
0x38: {  	s10 =	sld [smem:$0x3FB2]  }
0x39: {  	_ = 	snop;
	(pc) =	sbr.ind lr, $3  }
0x3a: {  	_ = 	snop  }
0x3b: {  	_ = 	snop  }
0x3c: {  	p2 =	seq.s32 s10, $0x1;
	s10 =	sld [smem:$0x3FB1]  }
0x3d: {  	_ =	shalt  }
0x3e: {  	_ =	shalt  }
0x3f: {  	_ =	shalt  }
0x40: {  	_ =	shalt  }
0x41: {  	_ =	shalt  }
0x42: {  	_ =	shalt  }
0x43: {  	_ =	shalt  }
0x44: {  	_ =	shalt  }
0x45: {  	_ =	shalt  }
0x46: {  	_ =	shalt  }
0x47: {  	_ =	shalt  }
0x48: {  	_ =	shalt  }
0x49: {  	_ =	shalt  }
0x4a: {  	_ =	shalt  }
0x4b: {  	_ =	shalt  }
0x4c: {  	_ =	shalt  }
0x4d: {  	_ =	shalt  }
0x4e: {  	_ =	shalt  }
0x4f: {  	_ =	shalt  }
0x50: {  	_ =	shalt  }
0x51: {  	_ =	shalt  }
0x52: {  	_ =	shalt  }
0x53: {  	_ =	shalt  }
0x54: {  	_ =	shalt  }
0x55: {  	_ =	shalt  }
0x56: {  	_ =	shalt  }
0x57: {  	_ =	shalt  }
0x58: {  	_ =	shalt  }
0x59: {  	_ =	shalt  }
0x5a: {  	_ =	shalt  }
0x5b: {  	_ =	shalt  }
0x5c: {  	_ =	shalt  }
0x5d: {  	_ =	shalt  }
0x5e: {  	_ =	shalt  }
0x5f: {  	_ =	shalt  }
0x60: {  	_ =	shalt  }
0x61: {  	_ =	shalt  }
0x62: {  	_ =	shalt  }
0x63: {  	_ =	shalt  }
0x64: {  	_ =	shalt  }
0x65: {  	_ =	shalt  }
0x66: {  	_ =	shalt  }
0x67: {  	_ =	shalt  }
0x68: {  	_ =	shalt  }
0x69: {  	_ =	shalt  }
0x6a: {  	_ =	shalt  }
0x6b: {  	_ =	shalt  }
0x6c: {  	_ =	shalt  }
0x6d: {  	_ =	shalt  }
0x6e: {  	_ =	shalt  }
0x6f: {  	_ =	shalt  }
0x70: {  	_ =	shalt  }
0x71: {  	_ =	shalt  }
0x72: {  	_ =	shalt  }
0x73: {  	_ =	shalt  }
0x74: {  	_ =	shalt  }
0x75: {  	_ =	shalt  }
0x76: {  	_ =	shalt  }
0x77: {  	_ =	shalt  }
0x78: {  	_ =	shalt  }
0x79: {  	_ =	shalt  }
0x7a: {  	_ =	shalt  }
0x7b: {  	_ =	shalt  }
0x7c: {  	_ =	shalt  }
0x7d: {  	_ =	shalt  }
0x7e: {  	_ =	shalt  }
0x7f: {  	_ =	shalt  }
0x80: {  	_ =	shalt  }
0x81: {  	_ =	shalt  }
0x82: {  	_ =	shalt  }
0x83: {  	_ =	shalt  }
0x84: {  	_ =	shalt  }
0x85: {  	_ =	shalt  }
0x86: {  	_ =	shalt  }
0x87: {  	_ =	shalt  }
.Lfunc_end0:
.L_simem_size_0:
called_computation.1_lowered:
.L_overlay_start_0:
0x88: {  	s2 =	sld [smem:$0x3FD9]  }
0x89: {  	s3 =	sld [smem:$0x3FFE];
	_ =	sdelay $0x1  }
0x8a: {  	s1 =	srdreg.scid  }
0x8b: {  	s0 =	sand.u32 $0x1, s1  }
0x8c: {  	s16 =	sshll.u32 s0, $0xA;
	s2 =	sadd.s32 s3, s2  }
0x8d: {  	s2 =	sadd.s32 s2, s16  }
0x8e: {  	[smem:$0x3FBD] =	sst s2  }
0x8f: {  	_ = 	snop  }
0x90: {  	(tm) =	ssettm $0x1  }
0x91: {  	s17 =	sld [smem:$0x3FFB];
	_ =	sdelay $0x3  }
0x92: {  	_ =	strace s17  }
0x93: {  	s2 =	sld [smem:$0x3FFC];
	_ =	sdelay $0x3  }
0x94: {  	_ =	strace s2  }
0x95: {  	s2 =	sld [smem:$0x3FFD];
	_ =	sdelay $0x3  }
0x96: {  	_ =	strace s2  }
0x97: {  	_ =	strace $0x8FFFFFFF  }
0x98: {  	s18 =	sld [smem:$0x3FDB];
	_ =	sdelay $0x1  }
0x99: {  	s19 =	simm.s32 $_scs_section_size  }
0x9a: {  	s4 =	simm.s32 $_size__tile_overlayer_lowered;
	s5 =	simm.s32 $_tile_overlayer_lowered  }
0x9b: {  	s22 =	simm.s32 $0x1BFF;
	s21 =	sshll.u32 s5, $0x1;
	s2 =	sadd.s32 s19, s18  }
0x9c: {  	s6 =	simm.s32 $0x0;
	s20 =	sshll.u32 s4, $0x1;
	s4 =	sadd.s32 s21, s2  }
0x9d: {  	[timem:s6], [sflag:s22] =	dma.local [hbm:s4], s20  }
0x9e: {  	_ =	swait.ge [sflag:s22], s20  }
0x9f: {  	s3 =	ssub.s32 $0x0, s20;
	[sflag:s22] =	ssyncset.done $0x0  }
0xa0: {  	[sflag:s22] =	ssyncadd.s32 s3;
	_ =	sdelay $0x1  }
0xa1: {  	s23 =	simm.s32 $0x1B8B  }
0xa2: {  	_ =	swait.ge [sflag:s23], $0x1  }
0xa3: {  	[sflag:s23] =	ssyncset.done $0x0  }
0xa4: {  	s25 =	simm.s32 $0x1B8E;
	s24 =	sld [smem:$0x3FFE];
	[sflag:s23] =	ssyncadd.s32 $0xFFFFFFFF  }
0xa5: {  	s26 =	simm.s32 $execute0_lowered;
	[smem:$0x3FD2] =	sst s25  }
0xa6: {  	s4 =	sshll.u32 s26, $0x1;
	_ =	strace $0x80000049;
	[dreg:$0x1] =	wrdreg $0xFFFFFFFF  }
0xa7: {  	s28 =	simm.s32 $_size_execute0_lowered;
	s2 =	sadd.s32 s2, s4;
	[dreg:$0x0] =	wrdreg $0x0  }
0xa8: {  	s4 =	sshll.u32 s28, $0x1;
	[dreg:$0x2] =	wrdreg s2  }
0xa9: {  	[dreg:$0x3] =	wrdreg s4  }
0xaa: {  	[dreg:$0x4] =	wrdreg $0xC0  }
0xab: {  	_ =	task [dreg:s6], $0x5FFFF  }
0xac: {  	[dreg:$0x1] =	wrdreg $0xFFFFFFFF  }
0xad: {  	[dreg:$0x0] =	wrdreg $0x60  }
0xae: {  	[dreg:$0x2] =	wrdreg s24  }
0xaf: {  	[dreg:$0x3] =	wrdreg $0xA8000  }
0xb0: {  	[dreg:$0x4] =	wrdreg $0x9  }
0xb1: {  	_ =	task.clear_ibuf [dreg:s6], $0x5FFFF;
	_ =	strace $0x90000049  }
0xb2: {  	s29 =	simm.s32 $0x9;
	_ =	strace $0x8000004B  }
0xb3: {  	_ =	swait.ge [sflag:s29], $0x1  }
0xb4: {  	[sflag:s29] =	ssyncadd.s32 $0xFFFFFFFF  }
0xb5: {  	_ =	strace $0x9000004B  }
0xb6: {  	_ =	sfence  }
0xb7: {  	s30 =	sld [smem:$0x0];
	_ =	sdelay $0x2  }
0xb8: {  	s31 =	sshll.u32 s1, $0xD;
	s1 =	sshrl.u32 s1, $0x2  }
0xb9: {  	s3 =	sand.u32 $0x4000, s31;
	s1 =	sadd.s32 s1, s30  }
0xba: {  	s0 =	sor.u32 s3, s0;
	s1 =	sshll.u32 s1, $0x11  }
0xbb: {  	s0 =	sor.u32 s1, s0  }
0xbc: {  	s0 =	sadd.s32 $0x8F2B, s0  }
0xbd: {  	[sflag:s0] =	ssyncadd.remote.s32 $0x1  }
0xbe: {  	_ =	sfence.sel $0xFFFF  }
0xbf: {  	[dreg:$0x0] =	wrdreg $0xFFFFFFFF;
	(pc) =	sbr.abs _section_cstart, $3  }
0xc0: {  	[dreg:$0x1] =	wrdreg $0xFFFFFFFF  }
0xc1: {  	_ =	task.clear_ibuf [dreg:s6], $0x2FFFF;
	_ =	strace $0x9FFFFFFF  }
0xc2: {  	(tm) =	ssettm $0x7FFFFFFF  }
0xc3: {  	_ =	shalt  }
tec
execute0_lowered:
.L_overlay_start_1:
0x0: {  	(tag) =	ssettag $0x1  }
0x1: {  	s0 =	rddreg [dreg:$0x0]  }
0x2: {  	s1 =	rddreg [dreg:$0x1]  }
0x3: {  	s2 =	simm.s32 $0x0;
	s5 =	srdreg.scid;
	s28 =	simm.s32 $0x2  }
0x4: {  	s29 =	simm.s32 $0x3;
	[smem:$0x7FF] =	sst s2;
	s3 =	sadd.s32 $0x19000, s0  }
0x5: {  	s6 =	sadd.s32 $0x2800, s0;
	s7 =	sadd.s32 $0xC800, s0;
	s4 =	sadd.s32 $0x16800, s0  }
0x6: {  	s13 =	sadd.s32 $0x40200, s0;
	s14 =	sadd.s32 $0x67400, s0;
	s21 =	sand.u32 $0x1, s5  }
0x7: {  	s5 =	stileid.u32;
	s15 =	sadd.s32 $0x124800, s1;
	_ =	strace $0x8000004A  }
0x8: {  	s8 =	ssub.s32 $0x2, s21;
	s9 =	sshll.u32 s21, $0x4;
	s22 =	smul.u32 $0x4E000, s5  }
0x9: {  	p0 =	seq.s32 s5, $0xF;
	s26 =	smul.u32 $0x2700, s5;
	[dreg:$0x3] =	wrdreg s13  }
0xa: {  	p1 =	sne.s32 s5, $0xF;
	s0 =	smul.u32 $0x500, s21;
	[dreg:$0x4] =	wrdreg s14  }
0xb: {  	p2 =	seq.s32 s21, $0x0;
	s30 =	smul.u32 $0x50, s5;
	[dreg:$0x5] =	wrdreg s15  }
0xc: {  	s10 =	sshrl.u32 s8, $0x1;
	s11 =	sor.u32 s5, s9;
	p3 =	por !p2, !p1  }
0xd: {  	p2 =	por !p2, !p0;
	s19 =	sshrl.u32 @p0 s15, $0x3;
	s8 =	ssub.s32 s8, s10  }
0xe: {  	s23 =	smul.u32 $0x500, s11;
	s9 =	sshrl.u32 s22, $0x2;
	p3 =	por !p3, !p3  }
0xf: {  	s31 =	sadd.s32 s13, s26;
	p2 =	por !p2, !p2;
	s17 =	sadd.s32 s30, s0  }
0x10: {  	s0 =	sshll.u32 @!p0 s5, $0x6;
	s22 =	simm.s32 $0x1400;
	p4 =	seq.s32 s11, $0x1F  }
0x11: {  	s9 =	sadd.s32 s9, s1;
	[dreg:$0xa] =	wrdreg s31;
	s16 =	smax.u32 s8, $0x1  }
0x12: {  	s18 =	sadd.s32 $0x28, s17;
	s20 =	sor.u32 @!p0 $0x1C05, s0;
	s12 =	sadd.s32 s6, s23  }
0x13: {  	s0 =	simm.s32 @!p2 $0x0;
	s10 =	sadd.s32 s7, s23;
	[dreg:$0x6] =	wrdreg s12  }
0x14: {  	s24 =	sadd.s32 $0x280, s23;
	s0 =	simm.s32 @p2 $0x1;
	[dreg:$0x7] =	wrdreg s10  }
0x15: {  	s23 =	simm.s32 $0x80;
	s6 =	sadd.s32 s6, s24;
	[smem:$0x7FD] =	sst s0  }
0x16: {  	s25 =	sadd.s32 s7, s24;
	s7 =	simm.s32 @!p3 $0x0;
	[dreg:$0x8] =	wrdreg s6  }
0x17: {  	s24 =	simm.s32 $0x2800;
	s0 =	simm.s32 $0x0;
	[dreg:$0x9] =	wrdreg s25  }
.Ltmp0:
0x18: {  	s7 =	simm.s32 @p3 $0x1;
	p3 =	seq.s32 s21, $0x1;
	(pc) =	sbr.rel .LBB2_1-.Ltmp0, $4  }
0x19: {  	s6 =	sadd.s32 s14, s26;
	s21 =	simm.s32 $0x5;
	s25 =	simm.s32 $0x1  }
0x1a: {  	[smem:$0x7FB] =	sst s7;
	s7 =	simm.s32 @!p3 $0x0;
	p1 =	por !p1, !p3  }
0x1b: {  	[dreg:$0xb] =	wrdreg s6;
	s7 =	simm.s32 @p3 $0x1;
	p1 =	por !p1, !p1  }
0x1c: {  	s26 =	simm.s32 $0x6800;
	[smem:$0x7FC] =	sst s7;
	p5 =	por !p1, p2  }
.LBB2_7:
0x1d: {  	s0 =	sadd.s32 $0x1, s0  }
0x1e: {  	p1 =	sne.s32 s0, s16  }
.Ltmp1:
0x1f: {  	_ = 	snop;
	(pc) =	sbr.rel @!p1 .LBB2_8-.Ltmp1, $1  }
0x20: {  	_ =	sdelay $0x3  }
.LBB2_1:
0x21: {  	s6 =	simm.s32 @p0 $0x1FC5  }
0x22: {  	[spmem:s19], [sflag:s6] =	dma.local @p0 [hbm:s4], $0x2800  }
0x23: {  	s6 =	simm.s32 @p0 $0x5  }
0x24: {  	_ =	swait.ge @p0 [sflag:s6], $0x2800  }
0x25: {  	[sflag:s6] =	ssyncset.done @p0 $0x0  }
0x26: {  	[sflag:s6] =	ssyncadd.s32 @p0 $0xFFFFD800;
	s6 =	sshrl.u32 @!p0 s9, $0x3  }
0x27: {  	[spmem:s6], [sflag:s20] =	dma.local @!p0 [hbm:s4], $0x2700  }
0x28: {  	s6 =	simm.s32 @!p0 $0x5  }
0x29: {  	_ =	swait.ge @!p0 [sflag:s6], $0x2700  }
0x2a: {  	[sflag:s6] =	ssyncset.done @!p0 $0x0  }
0x2b: {  	[sflag:s6] =	ssyncadd.s32 @!p0 $0xFFFFD900  }
0x2c: {  	[bflag:$0x0] =	sbarrier.arrive $0xFFFF  }
0x2d: {  	s12 =	rddreg [dreg:$0x6]  }
0x2e: {  	[tilespmem:s2], [sflag:$0x5] =	stream.linear.gather [hbm4b:s12+s2], $0x1400, $0x38;
	[tilespmem:$0x1E080] =	vst v63  }
0x2f: {  	_ =	swait.ge [sflag:s21], $0x1400  }
0x30: {  	[sflag:s21] =	ssyncset.done $0x0  }
0x31: {  	s13 =	rddreg [dreg:$0x7];
	[sflag:s21] =	ssyncadd.s32 $0xFFFFEC00  }
0x32: {  	[tilespmem:s22], [sflag:$0x5] =	stream.linear.gather [hbm4b:s13+s2], $0x1400, $0x38;
	[tilespmem:$0x1E080] =	vst v63  }
0x33: {  	_ =	swait.ge [sflag:s21], $0x1400  }
0x34: {  	[sflag:s21] =	ssyncset.done $0x0  }
0x35: {  	[sflag:s21] =	ssyncadd.s32 $0xFFFFEC00  }
0x36: {  	[tilespmem:s24], [sflag:$0x1] =	stream.indirect.gather [hbm4b:s3+s23], $0x80, s2, s23, $0xb8;
	[tilespmem:$0x1E080] =	vst v63  }
0x37: {  	_ =	swait.ge [sflag:s25], $0x4000  }
0x38: {  	[sflag:s25] =	ssyncset.done $0x0  }
0x39: {  	[sflag:s25] =	ssyncadd.s32 $0xFFFFC000  }
0x3a: {  	[spmem:s1] =	stream.indirect.scatter.add.f32 [tilespmem:s24], [sflag:$0x3], $0x80, s22, s23, $0xb8;
	[tilespmem:$0x1E080] =	vst v63  }
0x3b: {  	_ = 	snop  }
0x3c: {  	[tilespmem:s26], [sflag:$0x2] =	stream.indirect.gather [hbm4b:s3+s23], $0x80, s23, s23, $0xb8;
	[tilespmem:$0x1E080] =	vst v63  }
0x3d: {  	_ =	swait.ge [sflag:s28], $0x4000  }
0x3e: {  	[sflag:s28] =	ssyncset.done $0x0  }
0x3f: {  	[sflag:s28] =	ssyncadd.s32 $0xFFFFC000  }
0x40: {  	_ =	swait.ge [sflag:s29], $0x4000  }
0x41: {  	s6 =	sadd.s32 $0x2, s17;
	[sflag:s29] =	ssyncset.done $0x0  }
0x42: {  	s14 =	simm.s32 $0x100;
	p3 =	sgt.u32 s6, $0x9C3;
	[sflag:s29] =	ssyncadd.s32 $0xFFFFC000  }
0x43: {  	[tilespmem:s24], [sflag:$0x1] =	stream.indirect.gather [hbm4b:s3+s23], $0x80, s14, s23, $0xb8;
	[tilespmem:$0x1E080] =	vst v63  }
0x44: {  	s15 =	simm.s32 $0x1480;
	s7 =	simm.s32 @!p3 $0x1  }
0x45: {  	[spmem:s1] =	stream.indirect.scatter.add.f32 [tilespmem:s26], [sflag:$0x4], $0x80, s15, s23, $0xb8;
	[tilespmem:$0x1E080] =	vst v63  }
0x46: {  	p1 =	sgt.u32 s17, $0x9C3;
	_ =	swait.ge @!p3 [sflag:s7], $0x4000  }
0x47: {  	s10 =	simm.s32 @!p1 $0x4;
	s8 =	simm.s32 @!p3 $0x2800;
	[sflag:s7] =	ssyncset.done @!p3 $0x0  }
0x48: {  	s30 =	simm.s32 @!p3 $0x80;
	[sflag:s7] =	ssyncadd.s32 @!p3 $0xFFFFC000;
	s7 =	simm.s32 @!p3 $0x1500  }
0x49: {  	[spmem:s1] =	stream.indirect.scatter.add.f32 @!p3 [tilespmem:s8], [sflag:$0x3], $0x80, s7, s30, $0xb8;
	[tilespmem:$0x1E080] =	vst v63  }
0x4a: {  	_ =	swait.ge @!p1 [sflag:s10], $0x4000  }
0x4b: {  	p2 =	por p3, p3;
	s7 =	simm.s32 @!p3 $0x180;
	[sflag:s10] =	ssyncset.done @!p1 $0x0  }
0x4c: {  	s8 =	simm.s32 @!p2 $0x2;
	[sflag:s10] =	ssyncadd.s32 @!p1 $0xFFFFC000;
	s10 =	simm.s32 @!p2 $0x6800  }
0x4d: {  	[tilespmem:s10], [sflag:$0x2] =	stream.indirect.gather @!p2 [hbm4b:s3+s30], $0x80, s7, s30, $0xb8;
	[tilespmem:$0x1E080] =	vst v63  }
0x4e: {  	s31 =	simm.s32 $0x800;
	_ =	swait.ge @!p2 [sflag:s8], $0x4000  }
0x4f: {  	s11 =	sadd.s32 $0x4, s17;
	s14 =	simm.s32 @!p2 $0x3;
	[sflag:s8] =	ssyncset.done @!p2 $0x0  }
0x50: {  	p1 =	sgt.u32 s11, $0x9C3;
	s11 =	simm.s32 @!p3 $0x1580;
	[sflag:s8] =	ssyncadd.s32 @!p2 $0xFFFFC000  }
0x51: {  	s7 =	simm.s32 $0x400;
	s12 =	simm.s32 @!p1 $0x2800;
	_ =	swait.ge @!p2 [sflag:s14], $0x4000  }
0x52: {  	s13 =	simm.s32 @!p1 $0x200;
	s8 =	sadd.s32 $0x2, s6;
	[sflag:s14] =	ssyncset.done @!p2 $0x0  }
0x53: {  	p6 =	sgt.u32 s8, $0x9C3;
	[sflag:s14] =	ssyncadd.s32 @!p2 $0xFFFFC000;
	s14 =	simm.s32 @!p1 $0x80  }
.LBB2_2:
0x54: {  	[tilespmem:s12], [sflag:$0x1] =	stream.indirect.gather @!p1 [hbm4b:s3+s14], $0x80, s13, s14, $0xb8;
	[tilespmem:$0x1E080] =	vst v63  }
0x55: {  	s12 =	smov.u32 s7;
	s7 =	smov.u32 s31;
	s13 =	smov.u32 s6  }
0x56: {  	s31 =	sadd.s32 $0x400, s31;
	s14 =	simm.s32 @!p6 $0x1;
	s6 =	smov.u32 s8  }
0x57: {  	[spmem:s1] =	stream.indirect.scatter.add.f32 @!p2 [tilespmem:s10], [sflag:$0x4], $0x80, s11, s30, $0xb8;
	[tilespmem:$0x1E080] =	vst v63  }
0x58: {  	p1 =	sgt.u32 s13, $0x9C3;
	s10 =	simm.s32 @!p6 $0x2800;
	_ =	swait.ge @!p6 [sflag:s14], $0x4000  }
0x59: {  	s11 =	sshra.s32 @!p6 s12, $0x2;
	s15 =	simm.s32 @!p1 $0x4;
	[sflag:s14] =	ssyncset.done @!p6 $0x0  }
0x5a: {  	s30 =	simm.s32 @!p6 $0x80;
	[sflag:s14] =	ssyncadd.s32 @!p6 $0xFFFFC000;
	s14 =	sadd.s32 @!p6 $0x1500, s11  }
0x5b: {  	[spmem:s1] =	stream.indirect.scatter.add.f32 @!p6 [tilespmem:s10], [sflag:$0x3], $0x80, s14, s30, $0xb8;
	[tilespmem:$0x1E080] =	vst v63  }
0x5c: {  	s14 =	sadd.s32 @!p6 $0x180, s11;
	s11 =	sadd.s32 @!p6 $0x1580, s11;
	_ =	swait.ge @!p1 [sflag:s15], $0x4000  }
0x5d: {  	p3 =	sne.s32 s31, $0x4800;
	p2 =	por p6, p6;
	[sflag:s15] =	ssyncset.done @!p1 $0x0  }
0x5e: {  	s10 =	simm.s32 @!p2 $0x6800;
	[sflag:s15] =	ssyncadd.s32 @!p1 $0xFFFFC000;
	s15 =	simm.s32 @!p2 $0x2  }
0x5f: {  	[tilespmem:s10], [sflag:$0x2] =	stream.indirect.gather @!p2 [hbm4b:s3+s30], $0x80, s14, s30, $0xb8;
	[tilespmem:$0x1E080] =	vst v63  }
0x60: {  	_ =	swait.ge @!p2 [sflag:s15], $0x4000  }
.Ltmp2:
0x61: {  	s13 =	sadd.s32 $0x4, s13;
	[sflag:s15] =	ssyncset.done @!p2 $0x0;
	(pc) =	sbr.rel @p3 .LBB2_2-.Ltmp2, $4  }
0x62: {  	p1 =	sgt.u32 s13, $0x9C3;
	s14 =	simm.s32 @!p2 $0x3;
	[sflag:s15] =	ssyncadd.s32 @!p2 $0xFFFFC000  }
0x63: {  	s13 =	sshra.s32 @!p1 s12, $0x2;
	s12 =	simm.s32 @!p1 $0x2800;
	_ =	swait.ge @!p2 [sflag:s14], $0x4000  }
0x64: {  	s8 =	sadd.s32 $0x2, s8;
	s13 =	sadd.s32 @!p1 $0x200, s13;
	[sflag:s14] =	ssyncset.done @!p2 $0x0  }
0x65: {  	p6 =	sgt.u32 s8, $0x9C3;
	[sflag:s14] =	ssyncadd.s32 @!p2 $0xFFFFC000;
	s14 =	simm.s32 @!p1 $0x80  }
0x66: {  	[tilespmem:s12], [sflag:$0x1] =	stream.indirect.gather @!p1 [hbm4b:s3+s14], $0x80, s13, s14, $0xb8;
	[tilespmem:$0x1E080] =	vst v63  }
0x67: {  	s8 =	simm.s32 @!p6 $0x1  }
0x68: {  	[spmem:s1] =	stream.indirect.scatter.add.f32 @!p2 [tilespmem:s10], [sflag:$0x4], $0x80, s11, s30, $0xb8;
	[tilespmem:$0x1E080] =	vst v63  }
0x69: {  	s13 =	simm.s32 @!p6 $0x80;
	s10 =	simm.s32 @!p6 $0x2800;
	_ =	swait.ge @!p6 [sflag:s8], $0x4000  }
0x6a: {  	p2 =	sgt.u32 s6, $0x9C3;
	s11 =	sshra.s32 @!p6 s7, $0x2;
	[sflag:s8] =	ssyncset.done @!p6 $0x0  }
0x6b: {  	s12 =	simm.s32 @!p2 $0x4;
	[sflag:s8] =	ssyncadd.s32 @!p6 $0xFFFFC000;
	s8 =	sadd.s32 @!p6 $0x1500, s11  }
0x6c: {  	[spmem:s1] =	stream.indirect.scatter.add.f32 @!p6 [tilespmem:s10], [sflag:$0x3], $0x80, s8, s13, $0xb8;
	[tilespmem:$0x1E080] =	vst v63  }
0x6d: {  	_ =	swait.ge @!p2 [sflag:s12], $0x4000  }
0x6e: {  	p1 =	por p6, p6;
	s8 =	sadd.s32 @!p6 $0x180, s11;
	[sflag:s12] =	ssyncset.done @!p2 $0x0  }
0x6f: {  	s10 =	simm.s32 @!p1 $0x6800;
	[sflag:s12] =	ssyncadd.s32 @!p2 $0xFFFFC000;
	s12 =	simm.s32 @!p1 $0x2  }
0x70: {  	[tilespmem:s10], [sflag:$0x2] =	stream.indirect.gather @!p1 [hbm4b:s3+s13], $0x80, s8, s13, $0xb8;
	[tilespmem:$0x1E080] =	vst v63  }
0x71: {  	_ =	swait.ge @!p1 [sflag:s12], $0x4000  }
0x72: {  	[sflag:s12] =	ssyncset.done @!p1 $0x0  }
0x73: {  	s14 =	sadd.s32 $0x4, s6;
	s8 =	simm.s32 @!p1 $0x3;
	[sflag:s12] =	ssyncadd.s32 @!p1 $0xFFFFC000  }
0x74: {  	p2 =	sgt.u32 s14, $0x9C3;
	_ =	swait.ge @!p1 [sflag:s8], $0x4000  }
0x75: {  	s6 =	sshra.s32 @!p2 s7, $0x2;
	s7 =	simm.s32 @!p2 $0x2800;
	[sflag:s8] =	ssyncset.done @!p1 $0x0  }
0x76: {  	s6 =	sadd.s32 @!p2 $0x200, s6;
	[sflag:s8] =	ssyncadd.s32 @!p1 $0xFFFFC000;
	s8 =	simm.s32 @!p2 $0x80  }
0x77: {  	[tilespmem:s7], [sflag:$0x1] =	stream.indirect.gather @!p2 [hbm4b:s3+s8], $0x80, s6, s8, $0xb8;
	[tilespmem:$0x1E080] =	vst v63  }
0x78: {  	s6 =	sadd.s32 @!p6 $0x1580, s11  }
0x79: {  	[spmem:s1] =	stream.indirect.scatter.add.f32 @!p1 [tilespmem:s10], [sflag:$0x4], $0x80, s6, s13, $0xb8;
	[tilespmem:$0x1E080] =	vst v63  }
0x7a: {  	s6 =	simm.s32 @!p4 $0x1  }
0x7b: {  	_ =	swait.ge @!p4 [sflag:s6], $0x4000  }
0x7c: {  	s7 =	simm.s32 @!p4 $0x80;
	[sflag:s6] =	ssyncset.done @!p4 $0x0  }
0x7d: {  	s8 =	simm.s32 @!p4 $0x2700;
	s10 =	simm.s32 @!p4 $0x2800;
	[sflag:s6] =	ssyncadd.s32 @!p4 $0xFFFFC000  }
0x7e: {  	[spmem:s1] =	stream.indirect.scatter.add.f32 @!p4 [tilespmem:s10], [sflag:$0x3], $0x80, s8, s7, $0xb8;
	[tilespmem:$0x1E080] =	vst v63  }
0x7f: {  	s8 =	simm.s32 @!p4 $0x4  }
0x80: {  	_ =	swait.ge @!p4 [sflag:s8], $0x4000  }
0x81: {  	[sflag:s8] =	ssyncset.done @!p4 $0x0  }
0x82: {  	s12 =	simm.s32 @!p4 $0x6800;
	s11 =	simm.s32 @!p4 $0x1380;
	[sflag:s8] =	ssyncadd.s32 @!p4 $0xFFFFC000  }
0x83: {  	[tilespmem:s12], [sflag:$0x2] =	stream.indirect.gather @!p4 [hbm4b:s3+s7], $0x80, s11, s7, $0xb8;
	[tilespmem:$0x1E080] =	vst v63  }
0x84: {  	s11 =	simm.s32 @!p4 $0x2  }
0x85: {  	_ =	swait.ge @!p4 [sflag:s11], $0x4000  }
0x86: {  	[sflag:s11] =	ssyncset.done @!p4 $0x0  }
0x87: {  	s13 =	simm.s32 @!p4 $0x3;
	[sflag:s11] =	ssyncadd.s32 @!p4 $0xFFFFC000  }
0x88: {  	_ =	swait.ge @!p4 [sflag:s13], $0x4000  }
0x89: {  	[sflag:s13] =	ssyncset.done @!p4 $0x0  }
0x8a: {  	s14 =	simm.s32 @!p4 $0x2780;
	[sflag:s13] =	ssyncadd.s32 @!p4 $0xFFFFC000  }
0x8b: {  	[spmem:s1] =	stream.indirect.scatter.add.f32 @!p4 [tilespmem:s12], [sflag:$0x4], $0x80, s14, s7, $0xb8;
	[tilespmem:$0x1E080] =	vst v63  }
0x8c: {  	_ =	swait.ge @!p4 [sflag:s8], $0x4000  }
0x8d: {  	[sflag:s8] =	ssyncset.done @!p4 $0x0  }
0x8e: {  	s15 =	rddreg [dreg:$0x8];
	[sflag:s8] =	ssyncadd.s32 @!p4 $0xFFFFC000  }
0x8f: {  	[tilespmem:s2], [sflag:$0x5] =	stream.linear.gather [hbm4b:s15+s2], $0x1400, $0x38;
	[tilespmem:$0x1E080] =	vst v63  }
0x90: {  	_ =	swait.ge [sflag:s21], $0x1400  }
0x91: {  	[sflag:s21] =	ssyncset.done $0x0  }
0x92: {  	s14 =	rddreg [dreg:$0x9];
	[sflag:s21] =	ssyncadd.s32 $0xFFFFEC00  }
0x93: {  	[tilespmem:s22], [sflag:$0x5] =	stream.linear.gather [hbm4b:s14+s2], $0x1400, $0x38;
	[tilespmem:$0x1E080] =	vst v63  }
0x94: {  	_ =	swait.ge [sflag:s21], $0x1400  }
0x95: {  	[sflag:s21] =	ssyncset.done $0x0  }
0x96: {  	s8 =	simm.s32 @!p4 $0x0;
	[sflag:s21] =	ssyncadd.s32 $0xFFFFEC00  }
0x97: {  	[tilespmem:s10], [sflag:$0x1] =	stream.indirect.gather @!p4 [hbm4b:s3+s7], $0x80, s8, s7, $0xb8;
	[tilespmem:$0x1E080] =	vst v63  }
0x98: {  	_ =	swait.ge @!p4 [sflag:s6], $0x4000  }
0x99: {  	[sflag:s6] =	ssyncset.done @!p4 $0x0  }
0x9a: {  	[sflag:s6] =	ssyncadd.s32 @!p4 $0xFFFFC000;
	s6 =	simm.s32 @!p4 $0x1400  }
0x9b: {  	[spmem:s1] =	stream.indirect.scatter.add.f32 @!p4 [tilespmem:s10], [sflag:$0x3], $0x80, s6, s7, $0xb8;
	[tilespmem:$0x1E080] =	vst v63  }
0x9c: {  	_ = 	snop  }
0x9d: {  	[tilespmem:s12], [sflag:$0x2] =	stream.indirect.gather @!p4 [hbm4b:s3+s7], $0x80, s7, s7, $0xb8;
	[tilespmem:$0x1E080] =	vst v63  }
0x9e: {  	_ =	swait.ge @!p4 [sflag:s11], $0x4000  }
0x9f: {  	[sflag:s11] =	ssyncset.done @!p4 $0x0  }
0xa0: {  	[sflag:s11] =	ssyncadd.s32 @!p4 $0xFFFFC000  }
0xa1: {  	_ =	swait.ge @!p4 [sflag:s13], $0x4000  }
0xa2: {  	[sflag:s13] =	ssyncset.done @!p4 $0x0  }
0xa3: {  	s6 =	simm.s32 @!p4 $0x100;
	[sflag:s13] =	ssyncadd.s32 @!p4 $0xFFFFC000  }
0xa4: {  	[tilespmem:s10], [sflag:$0x1] =	stream.indirect.gather @!p4 [hbm4b:s3+s7], $0x80, s6, s7, $0xb8;
	[tilespmem:$0x1E080] =	vst v63  }
0xa5: {  	s6 =	simm.s32 @!p4 $0x1480  }
0xa6: {  	[spmem:s1] =	stream.indirect.scatter.add.f32 @!p4 [tilespmem:s12], [sflag:$0x4], $0x80, s6, s7, $0xb8;
	[tilespmem:$0x1E080] =	vst v63  }
0xa7: {  	s6 =	sadd.s32 $0x2, s18  }
0xa8: {  	p3 =	sgt.u32 s6, $0x9C3  }
0xa9: {  	s7 =	simm.s32 @!p3 $0x1  }
0xaa: {  	p1 =	sgt.u32 s18, $0x9C3;
	_ =	swait.ge @!p3 [sflag:s7], $0x4000  }
0xab: {  	s10 =	simm.s32 @!p1 $0x4;
	s8 =	simm.s32 @!p3 $0x2800;
	[sflag:s7] =	ssyncset.done @!p3 $0x0  }
0xac: {  	s30 =	simm.s32 @!p3 $0x80;
	[sflag:s7] =	ssyncadd.s32 @!p3 $0xFFFFC000;
	s7 =	simm.s32 @!p3 $0x1500  }
0xad: {  	[spmem:s1] =	stream.indirect.scatter.add.f32 @!p3 [tilespmem:s8], [sflag:$0x3], $0x80, s7, s30, $0xb8;
	[tilespmem:$0x1E080] =	vst v63  }
0xae: {  	_ =	swait.ge @!p1 [sflag:s10], $0x4000  }
0xaf: {  	p2 =	por p3, p3;
	s7 =	simm.s32 @!p3 $0x180;
	[sflag:s10] =	ssyncset.done @!p1 $0x0  }
0xb0: {  	s8 =	simm.s32 @!p2 $0x2;
	[sflag:s10] =	ssyncadd.s32 @!p1 $0xFFFFC000;
	s10 =	simm.s32 @!p2 $0x6800  }
0xb1: {  	[tilespmem:s10], [sflag:$0x2] =	stream.indirect.gather @!p2 [hbm4b:s3+s30], $0x80, s7, s30, $0xb8;
	[tilespmem:$0x1E080] =	vst v63  }
0xb2: {  	s31 =	simm.s32 $0x800;
	_ =	swait.ge @!p2 [sflag:s8], $0x4000  }
0xb3: {  	s15 =	sadd.s32 $0x4, s18;
	s11 =	simm.s32 @!p3 $0x1580;
	[sflag:s8] =	ssyncset.done @!p2 $0x0  }
0xb4: {  	s14 =	simm.s32 @!p2 $0x3;
	p1 =	sgt.u32 s15, $0x9C3;
	[sflag:s8] =	ssyncadd.s32 @!p2 $0xFFFFC000  }
0xb5: {  	s7 =	simm.s32 $0x400;
	s12 =	simm.s32 @!p1 $0x2800;
	_ =	swait.ge @!p2 [sflag:s14], $0x4000  }
0xb6: {  	s13 =	simm.s32 @!p1 $0x200;
	s8 =	sadd.s32 $0x2, s6;
	[sflag:s14] =	ssyncset.done @!p2 $0x0  }
0xb7: {  	p6 =	sgt.u32 s8, $0x9C3;
	[sflag:s14] =	ssyncadd.s32 @!p2 $0xFFFFC000;
	s14 =	simm.s32 @!p1 $0x80  }
.LBB2_4:
0xb8: {  	[tilespmem:s12], [sflag:$0x1] =	stream.indirect.gather @!p1 [hbm4b:s3+s14], $0x80, s13, s14, $0xb8;
	[tilespmem:$0x1E080] =	vst v63  }
0xb9: {  	s12 =	smov.u32 s7;
	s7 =	smov.u32 s31;
	s13 =	smov.u32 s6  }
0xba: {  	s31 =	sadd.s32 $0x400, s31;
	s14 =	simm.s32 @!p6 $0x1;
	s6 =	smov.u32 s8  }
0xbb: {  	[spmem:s1] =	stream.indirect.scatter.add.f32 @!p2 [tilespmem:s10], [sflag:$0x4], $0x80, s11, s30, $0xb8;
	[tilespmem:$0x1E080] =	vst v63  }
0xbc: {  	p1 =	sgt.u32 s13, $0x9C3;
	s10 =	simm.s32 @!p6 $0x2800;
	_ =	swait.ge @!p6 [sflag:s14], $0x4000  }
0xbd: {  	s11 =	sshra.s32 @!p6 s12, $0x2;
	s15 =	simm.s32 @!p1 $0x4;
	[sflag:s14] =	ssyncset.done @!p6 $0x0  }
0xbe: {  	s30 =	simm.s32 @!p6 $0x80;
	[sflag:s14] =	ssyncadd.s32 @!p6 $0xFFFFC000;
	s14 =	sadd.s32 @!p6 $0x1500, s11  }
0xbf: {  	[spmem:s1] =	stream.indirect.scatter.add.f32 @!p6 [tilespmem:s10], [sflag:$0x3], $0x80, s14, s30, $0xb8;
	[tilespmem:$0x1E080] =	vst v63  }
0xc0: {  	s14 =	sadd.s32 @!p6 $0x180, s11;
	s11 =	sadd.s32 @!p6 $0x1580, s11;
	_ =	swait.ge @!p1 [sflag:s15], $0x4000  }
0xc1: {  	p3 =	sne.s32 s31, $0x4800;
	p2 =	por p6, p6;
	[sflag:s15] =	ssyncset.done @!p1 $0x0  }
0xc2: {  	s10 =	simm.s32 @!p2 $0x6800;
	[sflag:s15] =	ssyncadd.s32 @!p1 $0xFFFFC000;
	s15 =	simm.s32 @!p2 $0x2  }
0xc3: {  	[tilespmem:s10], [sflag:$0x2] =	stream.indirect.gather @!p2 [hbm4b:s3+s30], $0x80, s14, s30, $0xb8;
	[tilespmem:$0x1E080] =	vst v63  }
0xc4: {  	_ =	swait.ge @!p2 [sflag:s15], $0x4000  }
.Ltmp3:
0xc5: {  	s13 =	sadd.s32 $0x4, s13;
	[sflag:s15] =	ssyncset.done @!p2 $0x0;
	(pc) =	sbr.rel @p3 .LBB2_4-.Ltmp3, $4  }
0xc6: {  	p1 =	sgt.u32 s13, $0x9C3;
	s14 =	simm.s32 @!p2 $0x3;
	[sflag:s15] =	ssyncadd.s32 @!p2 $0xFFFFC000  }
0xc7: {  	s13 =	sshra.s32 @!p1 s12, $0x2;
	s12 =	simm.s32 @!p1 $0x2800;
	_ =	swait.ge @!p2 [sflag:s14], $0x4000  }
0xc8: {  	s8 =	sadd.s32 $0x2, s8;
	s13 =	sadd.s32 @!p1 $0x200, s13;
	[sflag:s14] =	ssyncset.done @!p2 $0x0  }
0xc9: {  	p6 =	sgt.u32 s8, $0x9C3;
	[sflag:s14] =	ssyncadd.s32 @!p2 $0xFFFFC000;
	s14 =	simm.s32 @!p1 $0x80  }
0xca: {  	[tilespmem:s12], [sflag:$0x1] =	stream.indirect.gather @!p1 [hbm4b:s3+s14], $0x80, s13, s14, $0xb8;
	[tilespmem:$0x1E080] =	vst v63  }
0xcb: {  	s8 =	simm.s32 @!p6 $0x1  }
0xcc: {  	[spmem:s1] =	stream.indirect.scatter.add.f32 @!p2 [tilespmem:s10], [sflag:$0x4], $0x80, s11, s30, $0xb8;
	[tilespmem:$0x1E080] =	vst v63  }
0xcd: {  	s13 =	simm.s32 @!p6 $0x80;
	s10 =	simm.s32 @!p6 $0x2800;
	_ =	swait.ge @!p6 [sflag:s8], $0x4000  }
0xce: {  	p2 =	sgt.u32 s6, $0x9C3;
	s11 =	sshra.s32 @!p6 s7, $0x2;
	[sflag:s8] =	ssyncset.done @!p6 $0x0  }
0xcf: {  	s12 =	simm.s32 @!p2 $0x4;
	[sflag:s8] =	ssyncadd.s32 @!p6 $0xFFFFC000;
	s8 =	sadd.s32 @!p6 $0x1500, s11  }
0xd0: {  	[spmem:s1] =	stream.indirect.scatter.add.f32 @!p6 [tilespmem:s10], [sflag:$0x3], $0x80, s8, s13, $0xb8;
	[tilespmem:$0x1E080] =	vst v63  }
0xd1: {  	_ =	swait.ge @!p2 [sflag:s12], $0x4000  }
0xd2: {  	p1 =	por p6, p6;
	s8 =	sadd.s32 @!p6 $0x180, s11;
	[sflag:s12] =	ssyncset.done @!p2 $0x0  }
0xd3: {  	s10 =	simm.s32 @!p1 $0x6800;
	[sflag:s12] =	ssyncadd.s32 @!p2 $0xFFFFC000;
	s12 =	simm.s32 @!p1 $0x2  }
0xd4: {  	[tilespmem:s10], [sflag:$0x2] =	stream.indirect.gather @!p1 [hbm4b:s3+s13], $0x80, s8, s13, $0xb8;
	[tilespmem:$0x1E080] =	vst v63  }
0xd5: {  	_ =	swait.ge @!p1 [sflag:s12], $0x4000  }
0xd6: {  	[sflag:s12] =	ssyncset.done @!p1 $0x0  }
0xd7: {  	s15 =	sadd.s32 $0x4, s6;
	s8 =	simm.s32 @!p1 $0x3;
	[sflag:s12] =	ssyncadd.s32 @!p1 $0xFFFFC000  }
0xd8: {  	p2 =	sgt.u32 s15, $0x9C3;
	_ =	swait.ge @!p1 [sflag:s8], $0x4000  }
0xd9: {  	s6 =	sshra.s32 @!p2 s7, $0x2;
	s7 =	simm.s32 @!p2 $0x2800;
	[sflag:s8] =	ssyncset.done @!p1 $0x0  }
0xda: {  	s6 =	sadd.s32 @!p2 $0x200, s6;
	[sflag:s8] =	ssyncadd.s32 @!p1 $0xFFFFC000;
	s8 =	simm.s32 @!p2 $0x80  }
0xdb: {  	[tilespmem:s7], [sflag:$0x1] =	stream.indirect.gather @!p2 [hbm4b:s3+s8], $0x80, s6, s8, $0xb8;
	[tilespmem:$0x1E080] =	vst v63  }
0xdc: {  	s6 =	sadd.s32 @!p6 $0x1580, s11  }
0xdd: {  	[spmem:s1] =	stream.indirect.scatter.add.f32 @!p1 [tilespmem:s10], [sflag:$0x4], $0x80, s6, s13, $0xb8;
	[tilespmem:$0x1E080] =	vst v63  }
0xde: {  	s6 =	simm.s32 @!p4 $0x1  }
0xdf: {  	_ =	swait.ge @!p4 [sflag:s6], $0x4000  }
0xe0: {  	s7 =	simm.s32 @!p4 $0x2700;
	[sflag:s6] =	ssyncset.done @!p4 $0x0  }
0xe1: {  	s8 =	simm.s32 @!p4 $0x2800;
	[sflag:s6] =	ssyncadd.s32 @!p4 $0xFFFFC000;
	s6 =	simm.s32 @!p4 $0x80  }
0xe2: {  	[spmem:s1] =	stream.indirect.scatter.add.f32 @!p4 [tilespmem:s8], [sflag:$0x3], $0x80, s7, s6, $0xb8;
	[tilespmem:$0x1E080] =	vst v63  }
0xe3: {  	s7 =	simm.s32 @!p4 $0x4  }
0xe4: {  	_ =	swait.ge @!p4 [sflag:s7], $0x4000  }
0xe5: {  	[sflag:s7] =	ssyncset.done @!p4 $0x0  }
0xe6: {  	s10 =	simm.s32 @!p4 $0x6800;
	s8 =	simm.s32 @!p4 $0x1380;
	[sflag:s7] =	ssyncadd.s32 @!p4 $0xFFFFC000  }
0xe7: {  	[tilespmem:s10], [sflag:$0x2] =	stream.indirect.gather @!p4 [hbm4b:s3+s6], $0x80, s8, s6, $0xb8;
	[tilespmem:$0x1E080] =	vst v63  }
0xe8: {  	s8 =	simm.s32 @!p4 $0x2  }
0xe9: {  	_ =	swait.ge @!p4 [sflag:s8], $0x4000  }
0xea: {  	[sflag:s8] =	ssyncset.done @!p4 $0x0  }
0xeb: {  	[sflag:s8] =	ssyncadd.s32 @!p4 $0xFFFFC000;
	s8 =	simm.s32 @!p4 $0x3  }
0xec: {  	_ =	swait.ge @!p4 [sflag:s8], $0x4000  }
0xed: {  	[sflag:s8] =	ssyncset.done @!p4 $0x0  }
0xee: {  	[sflag:s8] =	ssyncadd.s32 @!p4 $0xFFFFC000;
	s8 =	simm.s32 @!p4 $0x2780  }
0xef: {  	[spmem:s1] =	stream.indirect.scatter.add.f32 @!p4 [tilespmem:s10], [sflag:$0x4], $0x80, s8, s6, $0xb8;
	[tilespmem:$0x1E080] =	vst v63  }
0xf0: {  	_ =	swait.ge @!p4 [sflag:s7], $0x4000  }
0xf1: {  	s30 =	sld [smem:$0x7FB];
	_ =	sdelay $0x1  }
0xf2: {  	[sflag:s7] =	ssyncset.done @!p4 $0x0  }
0xf3: {  	[sflag:s7] =	ssyncadd.s32 @!p4 $0xFFFFC000;
	p3 =	seq.s32 s30, $0x1  }
0xf4: {  	[bflag:$0x0] =	sbarrier.arrive $0xFFFF;
	s6 =	sshll.u32 @p3 s5, $0x6  }
0xf5: {  	s8 =	rddreg [dreg:$0xa];
	s7 =	sshrl.u32 @p3 s9, $0x3;
	s6 =	sor.u32 @p3 $0x1C05, s6  }
0xf6: {  	[hbm:s8], [sflag:s6] =	dma.local @p3 [spmem:s7], $0x2700  }
0xf7: {  	s6 =	simm.s32 @p3 $0x5  }
0xf8: {  	_ =	swait.ge @p3 [sflag:s6], $0x2700  }
0xf9: {  	s31 =	sld [smem:$0x7FC]  }
0xfa: {  	s7 =	sshll.u32 @!p5 s5, $0x6;
	[sflag:s6] =	ssyncset.done @p3 $0x0;
	s8 =	rddreg [dreg:$0xb]  }
0xfb: {  	[sflag:s6] =	ssyncadd.s32 @p3 $0xFFFFD900;
	s6 =	sor.u32 @!p5 $0x1C05, s7;
	s7 =	sshrl.u32 @!p5 s9, $0x3  }
0xfc: {  	[hbm:s8], [sflag:s6] =	dma.local @!p5 [spmem:s7], $0x2700  }
0xfd: {  	s7 =	sld [smem:$0x7FD];
	_ =	sdelay $0x1  }
0xfe: {  	p1 =	por @!p5 $0x1, $0x1;
	p2 =	seq.s32 s31, $0x1  }
0xff: {  	p2 =	por @!p5 p1, p1;
	p3 =	seq.s32 s7, $0x1  }
0x100: {  	p1 =	por @!p3 !p2, !p0  }
0x101: {  	p1 =	por @!p3 !p1, !p1  }
0x102: {  	p1 =	por p3, p1  }
.Ltmp4:
0x103: {  	_ = 	snop;
	(pc) =	sbr.rel @!p1 .LBB2_7-.Ltmp4, $4  }
0x104: {  	s6 =	simm.s32 @!p5 $0x5  }
0x105: {  	_ =	swait.ge @!p5 [sflag:s6], $0x2700  }
0x106: {  	[sflag:s6] =	ssyncset.done @!p5 $0x0  }
0x107: {  	[sflag:s6] =	ssyncadd.s32 @!p5 $0xFFFFD900  }
0x108: {  	s8 =	sld [smem:$0x7FD];
	_ =	sdelay $0x1  }
0x109: {  	s6 =	rddreg [dreg:$0x4]  }
0x10a: {  	s7 =	rddreg [dreg:$0x3];
	p1 =	seq.s32 s8, $0x1  }
0x10b: {  	s30 =	rddreg [dreg:$0x5];
	s31 =	simm.s32 $0x1FC5;
	s6 =	smov.u32 @p1 s7  }
.Ltmp5:
0x10c: {  	s7 =	sshrl.u32 s30, $0x3;
	s6 =	sadd.s32 $0x24900, s6;
	(pc) =	sbr.rel .LBB2_7-.Ltmp5, $4  }
0x10d: {  	[hbm:s6], [sflag:s31] =	dma.local [spmem:s7], $0x2800  }
0x10e: {  	_ =	swait.ge [sflag:s21], $0x2800  }
0x10f: {  	[sflag:s21] =	ssyncset.done $0x0  }
0x110: {  	[sflag:s21] =	ssyncadd.s32 $0xFFFFD800  }
.LBB2_8:
0x111: {  	_ =	sfence.sel $0x180000  }
0x112: {  	[bflag:$0x0] =	sbarrier.arrive $0xFFFF  }
0x113: {  	_ =	strace $0x9000004A  }
0x114: {  	[bflag:$0x2] =	sbarrier.arrive $0xFFFF  }
0x115: {  	p0 =	sne.s32 s5, $0x0;
	s0 =	rddreg [dreg:$0x2]  }
0x116: {  	s0 =	sadd.s32 @!p0 $0x100000, s0  }
0x117: {  	[sflag:s0] =	ssyncadd.tile.s32 @!p0 $0x1;
	_ =	shalt  }
.Lfunc_end2:
_tile_overlayer_lowered:
.L_overlay_start_2:
0x118: {  	(tag) =	ssettag $0x2  }
0x119: {  	s0 =	rddreg [dreg:$0x0];
	s2 =	stileid.u32  }
0x11a: {  	s1 =	rddreg [dreg:$0x1];
	p0 =	sne.s32 s2, $0x0  }
0x11b: {  	s3 =	rddreg [dreg:$0x2];
	[bflag:$0x3] =	sbarrier.arrive $0xFFFF;
	s2 =	simm.s32 @!p0 $0x1C05  }
0x11c: {  	[timem:s3], [sflag:s2] =	dma.local @!p0 [hbm:s0], s1  }
0x11d: {  	s0 =	simm.s32 @!p0 $0x5  }
0x11e: {  	_ =	swait.ge @!p0 [sflag:s0], s1  }
0x11f: {  	s1 =	ssub.s32 @!p0 $0x0, s1;
	[sflag:s0] =	ssyncset.done @!p0 $0x0  }
0x120: {  	[sflag:s0] =	ssyncadd.s32 @!p0 s1  }
0x121: {  	[bflag:$0x3] =	sbarrier.arrive $0xFFFF  }
0x122: {  	_ =	shalt  }

</sc_bundles>
